<compile_context>
chip_gen: v7x
topology: tpu7x:2x2x1
jax: 0.10.2.dev20260603
libtpu: 0.0.44.dev20260713+nightly
codegen_flags: <defaults>
</compile_context>

<pallas_src>
import jax
import jax.numpy as jnp
from jax import lax
from jax.experimental import pallas as pl
from jax.experimental.pallas import tpu as pltpu
from jax.experimental.pallas import tpu_sc as plsc

NUM_FIELDS = 26
VOCAB = 100000
EMBED_DIM = 32
BATCH = 4096

_NC = 2
_NS = 16
_NW = _NC * _NS
_NROWS = NUM_FIELDS * EMBED_DIM
_NTASK = _NROWS // 8
_CW = 3072
_NFULL = 32
_NCH = _NFULL + 1
_LASTW = 99968 - _NFULL * _CW
_TAIL0 = 99968


def _bucket(v):
    return ((v >> 10) * 21846) >> 16


def _body(x_hbm, tab_hbm, tail_hbm, out_hbm,
          xv, buf0, buf1, buf2, stag, pv, pb,
          hist0, hist1, hist2, hist3, cur0, cur1, cur2, cur3,
          tailv, cs, sem0, sem1, sem2, osem):
    wid = lax.axis_index("s") * _NC + lax.axis_index("c")
    lane = lax.iota(jnp.int32, 16)
    ones = jnp.ones((16,), jnp.int32)
    zeros = jnp.zeros((16,), jnp.int32)
    bufs = (buf0, buf1, buf2)
    sems = (sem0, sem1, sem2)
    hists = (hist0, hist1, hist2, hist3)
    curs = (cur0, cur1, cur2, cur3)

    def splat(s):
        return jnp.broadcast_to(jnp.int32(s) if isinstance(s, int) else s, (16,))

    def out_dma(t):
        return pltpu.make_async_copy(
            stag, out_hbm.at[pl.ds(t * 8, 8), :], osem
        )

    def task_body(ti, carry):
        t = wid + _NW * ti

        @pl.when(t < _NTASK)
        def _():
            f = t >> 2
            row8 = t * 8

            def start(c, buf, sem, w=_CW):
                return pltpu.async_copy(
                    tab_hbm.at[pl.ds(row8, 8), pl.ds(c * _CW, w)],
                    buf.at[:, pl.ds(0, w)] if w != _CW else buf,
                    sem,
                )

            def wait(c, buf, sem, w=_CW):
                pltpu.make_async_copy(
                    tab_hbm.at[pl.ds(row8, 8), pl.ds(c * _CW, w)],
                    buf.at[:, pl.ds(0, w)] if w != _CW else buf,
                    sem,
                ).wait()

            start(0, buf0, sem0)
            start(1, buf1, sem1)
            start(2, buf2, sem2)
            pltpu.sync_copy(x_hbm.at[pl.ds(f * 32, 32), :], xv)
            pltpu.sync_copy(tail_hbm.at[pl.ds(f * 8, 8), :], tailv)

            def h0(c, carry):
                for q in range(4):
                    plsc.store_scatter(hists[q], [splat(c) * 16 + lane], zeros)
                return carry

            lax.fori_loop(0, _NCH, h0, 0)

            def h1(iq, carry):
                for q in range(4):
                    i = 4 * iq + q
                    col = (i & 7) * 16 + lane
                    v = plsc.load_gather(xv, [splat(i >> 3), col])
                    plsc.addupdate_scatter(hists[q], [_bucket(v) * 16 + lane], ones)
                return carry

            lax.fori_loop(0, 64, h1, 0)

            def h2(c, running):
                cs[c] = running
                for q in range(4):
                    row = plsc.load_gather(hists[q], [splat(c) * 16 + lane])
                    ex = plsc.cumsum(row) - row
                    plsc.store_scatter(
                        curs[q], [splat(c) * 16 + lane], splat(running) + ex
                    )
                    running = running + jnp.sum(row)
                return running

            lax.fori_loop(0, _NCH, h2, jnp.int32(0))
            cs[_NCH] = BATCH

            def h3(iq, carry):
                for q in range(4):
                    i = 4 * iq + q
                    col = (i & 7) * 16 + lane
                    v = plsc.load_gather(xv, [splat(i >> 3), col])
                    b = (i >> 3) * 128 + col
                    c = _bucket(v)
                    pos = plsc.load_gather(curs[q], [c * 16 + lane])
                    plsc.store_scatter(pv, [pos], v)
                    plsc.store_scatter(pb, [pos], b)
                    plsc.addupdate_scatter(curs[q], [c * 16 + lane], ones)
                return carry

            lax.fori_loop(0, 64, h3, 0)

            @pl.when(ti > 0)
            def _():
                out_dma(t - _NW).wait()

            def process(c, buf, last):
                lo = cs[c]
                hi = cs[c + 1]

                def g(gi, carry):
                    pos = gi * 16 + lane
                    m = (pos >= lo) & (pos < hi)
                    v = plsc.load_gather(pv, [pos], mask=m)
                    b = plsc.load_gather(pb, [pos], mask=m)
                    vloc = jnp.maximum(v - c * _CW, 0)
                    if last:
                        mt = v >= _TAIL0
                        vt = jnp.maximum(v - _TAIL0, 0)
                    for k in range(8):
                        val = plsc.load_gather(buf, [splat(k), vloc], mask=m)
                        if last:
                            tval = plsc.load_gather(
                                tailv,
                                [splat(2 * (t & 3) + k // 4),
                                 (k % 4) * 32 + vt],
                                mask=m,
                            )
                            val = jnp.where(mt, tval, val)
                        plsc.store_scatter(stag, [splat(k), b], val, mask=m)
                    return carry

                lax.fori_loop(lo >> 4, (hi + 15) >> 4, g, 0)

            def chunk_trip(c3, carry):
                c0 = 3 * c3
                for p in range(3):
                    c = c0 + p
                    wait(c, bufs[p], sems[p])
                    process(c, bufs[p], False)

                    @pl.when(c + 3 < _NFULL)
                    def _(p=p, c=c):
                        start(c + 3, bufs[p], sems[p])

                    @pl.when(c + 3 == _NFULL)
                    def _(p=p, c=c):
                        start(_NFULL, bufs[p], sems[p], _LASTW)

                return carry

            lax.fori_loop(0, _NFULL // 3, chunk_trip, 0)
            for p, c in ((0, _NFULL - 2), (1, _NFULL - 1)):
                wait(c, bufs[p], sems[p])
                process(c, bufs[p], False)
            wait(_NFULL, bufs[2], sems[2], _LASTW)
            process(_NFULL, bufs[2], True)

            out_dma(t).start()

        return carry

    lax.fori_loop(0, 4, task_body, 0)

    t_last = wid + _NW * jnp.where(wid < 8, 3, 2)
    out_dma(t_last).wait()


_gather = pl.kernel(
    _body,
    out_type=jax.ShapeDtypeStruct((_NROWS, BATCH), jnp.float32),
    mesh=plsc.VectorSubcoreMesh(core_axis_name="c", subcore_axis_name="s"),
    scratch_types=[
        pltpu.VMEM((32, 128), jnp.int32),
        pltpu.VMEM((8, _CW), jnp.float32),
        pltpu.VMEM((8, _CW), jnp.float32),
        pltpu.VMEM((8, _CW), jnp.float32),
        pltpu.VMEM((8, BATCH), jnp.float32),
        pltpu.VMEM((BATCH,), jnp.int32),
        pltpu.VMEM((BATCH,), jnp.int32),
        pltpu.VMEM((_NCH * 16,), jnp.int32),
        pltpu.VMEM((_NCH * 16,), jnp.int32),
        pltpu.VMEM((_NCH * 16,), jnp.int32),
        pltpu.VMEM((_NCH * 16,), jnp.int32),
        pltpu.VMEM((_NCH * 16,), jnp.int32),
        pltpu.VMEM((_NCH * 16,), jnp.int32),
        pltpu.VMEM((_NCH * 16,), jnp.int32),
        pltpu.VMEM((_NCH * 16,), jnp.int32),
        pltpu.VMEM((8, 128), jnp.float32),
        pltpu.SMEM((_NCH + 1,), jnp.int32),
        pltpu.SemaphoreType.DMA,
        pltpu.SemaphoreType.DMA,
        pltpu.SemaphoreType.DMA,
        pltpu.SemaphoreType.DMA,
    ],
    compiler_params=pltpu.CompilerParams(
        use_tc_tiling_on_sc=True, needs_layout_passes=False
    ),
)


@jax.jit
def kernel(x, tables):
    xi = x.astype(jnp.int32)
    x2 = xi.reshape(_NROWS, 128)
    tt2 = jnp.transpose(tables, (0, 2, 1)).reshape(_NROWS, VOCAB)
    tail2 = jnp.transpose(tables[:, _TAIL0:, :], (0, 2, 1)).reshape(208, 128)
    out = _gather(x2, tt2, tail2)
    return out.T

# --- scband reference (transcript-rebuilt; emitter-appended) ---
"""Pipeline reference for scband-concat-embeddings-7121055777361 (READ-ONLY COPY).

The authoritative reference and input builder live on the scoring server;
editing this copy changes nothing except your own understanding.
"""

import jax, jax.numpy as jnp
import numpy as np

NUM_FIELDS = 26
VOCAB = 100000
EMBED_DIM = 32
BATCH = 4096

def setup_inputs(seed: int = 0) -> dict:
    key = jax.random.key(seed)
    k_idx, k_tab = jax.random.split(key)
    # x: one index vector per field, stacked -> [NUM_FIELDS, BATCH]
    x = jax.random.randint(k_idx, (NUM_FIELDS, BATCH), 0, VOCAB, dtype=jnp.int64)
    # one embedding table per field, stacked -> [NUM_FIELDS, VOCAB, EMBED_DIM]
    tables = jax.random.normal(k_tab, (NUM_FIELDS, VOCAB, EMBED_DIM), dtype=jnp.float32) * 0.02
    return {"x": x, "tables": tables}

def reference(x, tables):
    # per-field embedding lookup: tables[i][x[i]] -> [NUM_FIELDS, BATCH, EMBED_DIM]
    emb = jax.vmap(lambda t, idx: jnp.take(t, idx, axis=0))(tables, x)
    # torch.cat(res, dim=1): concatenate field embeddings along feature dim
    out = jnp.transpose(emb, (1, 0, 2)).reshape(x.shape[1], -1)
    return out

if __name__ == "__main__":
    import jax
    _d = setup_inputs()
    print(jax.jit(kernel)(*tuple(_d.values())))

</pallas_src>

<mosaic_0001>
#map = affine_map<(d0, d1) -> (0, 0)>
module attributes {stable_mosaic.version = 14 : i64} {
  func.func @_body(%arg0: i32, %arg1: i32, %arg2: memref<832x128xi32, #tpu.memory_space<hbm>>, %arg3: memref<832x100000xf32, #tpu.memory_space<hbm>>, %arg4: memref<208x128xf32, #tpu.memory_space<hbm>>, %arg5: memref<832x4096xf32, #tpu.memory_space<hbm>>, %arg6: memref<32x128xi32, #tpu.memory_space<vmem>>, %arg7: memref<8x3072xf32, #tpu.memory_space<vmem>>, %arg8: memref<8x3072xf32, #tpu.memory_space<vmem>>, %arg9: memref<8x3072xf32, #tpu.memory_space<vmem>>, %arg10: memref<8x4096xf32, #tpu.memory_space<vmem>>, %arg11: memref<4096xi32, #tpu.memory_space<vmem>>, %arg12: memref<4096xi32, #tpu.memory_space<vmem>>, %arg13: memref<528xi32, #tpu.memory_space<vmem>>, %arg14: memref<528xi32, #tpu.memory_space<vmem>>, %arg15: memref<528xi32, #tpu.memory_space<vmem>>, %arg16: memref<528xi32, #tpu.memory_space<vmem>>, %arg17: memref<528xi32, #tpu.memory_space<vmem>>, %arg18: memref<528xi32, #tpu.memory_space<vmem>>, %arg19: memref<528xi32, #tpu.memory_space<vmem>>, %arg20: memref<528xi32, #tpu.memory_space<vmem>>, %arg21: memref<8x128xf32, #tpu.memory_space<vmem>>, %arg22: memref<34xi32, #tpu.memory_space<smem>>, %arg23: memref<!tpu.dma_semaphore, #tpu.memory_space<semaphore_mem>>, %arg24: memref<!tpu.dma_semaphore, #tpu.memory_space<semaphore_mem>>, %arg25: memref<!tpu.dma_semaphore, #tpu.memory_space<semaphore_mem>>, %arg26: memref<!tpu.dma_semaphore, #tpu.memory_space<semaphore_mem>>) attributes {dimension_semantics = [#tpu.dimension_semantics<core_parallel>, #tpu.dimension_semantics<subcore_parallel>], iteration_bounds = array<i64: 2, 16>, scalar_prefetch = 0 : i64, scratch_operands = 21 : i64, tpu.core_type = #tpu.core_type<sc_vector_subcore>, window_params = [{transform_indices = #map}, {transform_indices = #map}, {transform_indices = #map}, {transform_indices = #map}]} {
    %mul3A = arith.constant 2 : i32
    %mul3A_0 = arith.muli %arg1, %mul3A : i32
    %add3A = arith.addi %mul3A_0, %arg0 : i32
    %iota3A = tpu.iota {dimensions = array<i32: 0>} : vector<16xi32>
    %broadcast_in_dim3A = arith.constant 1 : i32
    %broadcast_in_dim3A_1 = vector.broadcast %broadcast_in_dim3A : i32 to vector<16xi32>
    %broadcast_in_dim3A_2 = arith.constant 0 : i32
    %broadcast_in_dim3A_3 = vector.broadcast %broadcast_in_dim3A_2 : i32 to vector<16xi32>
    %scan3A = arith.constant 0 : i32
    %scan3A_4 = arith.constant 0 : i32
    %scan3A_5 = arith.constant 4 : i32
    %scan3A_6 = arith.addi %scan3A_4, %scan3A_5 : i32
    %scan3A_7 = arith.constant 1 : i32
    scf.for %scan3A_19 = %scan3A_4 to %scan3A_6 step %scan3A_7  : i32 {
      %mul3A_20 = arith.constant 32 : i32
      %mul3A_21 = arith.muli %mul3A_20, %scan3A_19 : i32
      %add3A_22 = arith.addi %add3A, %mul3A_21 : i32
      %lt3A_23 = arith.constant 104 : i32
      %lt3A_24 = arith.cmpi slt, %add3A_22, %lt3A_23 : i32
      %convert_element_type3A = arith.extui %lt3A_24 : i1 to i32
      %cond3A = arith.constant 0 : i32
      %cond3A_25 = arith.cmpi ne, %convert_element_type3A, %cond3A : i32
      scf.if %cond3A_25 {
        %shift_right_arithmetic3A = arith.constant 2 : i32
        %shift_right_arithmetic3A_26 = arith.shrsi %add3A_22, %shift_right_arithmetic3A : i32
        %mul3A_27 = arith.constant 8 : i32
        %mul3A_28 = arith.muli %add3A_22, %mul3A_27 : i32
        %dma_start3A = arith.constant 0 : i32
        %dma_start3A_29 = tpu.memref_slice %arg3[%mul3A_28, %dma_start3A] : memref<832x100000xf32, #tpu.memory_space<hbm>> -> memref<8x3072xf32, #tpu.memory_space<hbm>>
        %dma_start3A_30 = arith.constant 0 : i32
        %dma_start3A_31 = tpu.memref_slice %arg3[%mul3A_28, %dma_start3A_30] : memref<832x100000xf32, #tpu.memory_space<hbm>> -> memref<8x3072xf32, #tpu.memory_space<hbm>>
        tpu.enqueue_dma source(%dma_start3A_31 : memref<8x3072xf32, #tpu.memory_space<hbm>>) target(%arg7 : memref<8x3072xf32, #tpu.memory_space<vmem>>) target_semaphore(%arg23 : memref<!tpu.dma_semaphore, #tpu.memory_space<semaphore_mem>>)
        %dma_start3A_32 = arith.constant 3072 : i32
        %dma_start3A_33 = tpu.memref_slice %arg3[%mul3A_28, %dma_start3A_32] : memref<832x100000xf32, #tpu.memory_space<hbm>> -> memref<8x3072xf32, #tpu.memory_space<hbm>>
        %dma_start3A_34 = arith.constant 3072 : i32
        %dma_start3A_35 = tpu.memref_slice %arg3[%mul3A_28, %dma_start3A_34] : memref<832x100000xf32, #tpu.memory_space<hbm>> -> memref<8x3072xf32, #tpu.memory_space<hbm>>
        tpu.enqueue_dma source(%dma_start3A_35 : memref<8x3072xf32, #tpu.memory_space<hbm>>) target(%arg8 : memref<8x3072xf32, #tpu.memory_space<vmem>>) target_semaphore(%arg24 : memref<!tpu.dma_semaphore, #tpu.memory_space<semaphore_mem>>)
        %dma_start3A_36 = arith.constant 6144 : i32
        %dma_start3A_37 = tpu.memref_slice %arg3[%mul3A_28, %dma_start3A_36] : memref<832x100000xf32, #tpu.memory_space<hbm>> -> memref<8x3072xf32, #tpu.memory_space<hbm>>
        %dma_start3A_38 = arith.constant 6144 : i32
        %dma_start3A_39 = tpu.memref_slice %arg3[%mul3A_28, %dma_start3A_38] : memref<832x100000xf32, #tpu.memory_space<hbm>> -> memref<8x3072xf32, #tpu.memory_space<hbm>>
        tpu.enqueue_dma source(%dma_start3A_39 : memref<8x3072xf32, #tpu.memory_space<hbm>>) target(%arg9 : memref<8x3072xf32, #tpu.memory_space<vmem>>) target_semaphore(%arg25 : memref<!tpu.dma_semaphore, #tpu.memory_space<semaphore_mem>>)
        %mul3A_40 = arith.constant 32 : i32
        %mul3A_41 = arith.muli %shift_right_arithmetic3A_26, %mul3A_40 : i32
        "tpu.region"() ({
          %run_scoped3A = tpu.sem_alloc : memref<!tpu.dma_semaphore, #tpu.memory_space<semaphore_mem>>
          %dma_start3A_167 = arith.constant 0 : i32
          %dma_start3A_168 = tpu.memref_slice %arg2[%mul3A_41, %dma_start3A_167] : memref<832x128xi32, #tpu.memory_space<hbm>> -> memref<32x128xi32, #tpu.memory_space<hbm>>
          %dma_start3A_169 = arith.constant 0 : i32
          %dma_start3A_170 = tpu.memref_slice %arg2[%mul3A_41, %dma_start3A_169] : memref<832x128xi32, #tpu.memory_space<hbm>> -> memref<32x128xi32, #tpu.memory_space<hbm>>
          tpu.enqueue_dma source(%dma_start3A_170 : memref<32x128xi32, #tpu.memory_space<hbm>>) target(%arg6 : memref<32x128xi32, #tpu.memory_space<vmem>>) target_semaphore(%run_scoped3A : memref<!tpu.dma_semaphore, #tpu.memory_space<semaphore_mem>>)
          %dma_wait3A_171 = arith.constant 0 : i32
          %dma_wait3A_172 = tpu.memref_slice %arg2[%mul3A_41, %dma_wait3A_171] : memref<832x128xi32, #tpu.memory_space<hbm>> -> memref<32x128xi32, #tpu.memory_space<hbm>>
          %dma_wait3A_173 = arith.constant 0 : i32
          %dma_wait3A_174 = tpu.memref_slice %arg2[%mul3A_41, %dma_wait3A_173] : memref<832x128xi32, #tpu.memory_space<hbm>> -> memref<32x128xi32, #tpu.memory_space<hbm>>
          tpu.wait_dma2 semaphore(%run_scoped3A : memref<!tpu.dma_semaphore, #tpu.memory_space<semaphore_mem>>) src(%dma_wait3A_174 : memref<32x128xi32, #tpu.memory_space<hbm>>) dst(%arg6 : memref<32x128xi32, #tpu.memory_space<vmem>>)
          tpu.yield
        }) : () -> ()
        %mul3A_42 = arith.constant 8 : i32
        %mul3A_43 = arith.muli %shift_right_arithmetic3A_26, %mul3A_42 : i32
        "tpu.region"() ({
          %run_scoped3A = tpu.sem_alloc : memref<!tpu.dma_semaphore, #tpu.memory_space<semaphore_mem>>
          %dma_start3A_167 = arith.constant 0 : i32
          %dma_start3A_168 = tpu.memref_slice %arg4[%mul3A_43, %dma_start3A_167] : memref<208x128xf32, #tpu.memory_space<hbm>> -> memref<8x128xf32, #tpu.memory_space<hbm>>
          %dma_start3A_169 = arith.constant 0 : i32
          %dma_start3A_170 = tpu.memref_slice %arg4[%mul3A_43, %dma_start3A_169] : memref<208x128xf32, #tpu.memory_space<hbm>> -> memref<8x128xf32, #tpu.memory_space<hbm>>
          tpu.enqueue_dma source(%dma_start3A_170 : memref<8x128xf32, #tpu.memory_space<hbm>>) target(%arg21 : memref<8x128xf32, #tpu.memory_space<vmem>>) target_semaphore(%run_scoped3A : memref<!tpu.dma_semaphore, #tpu.memory_space<semaphore_mem>>)
          %dma_wait3A_171 = arith.constant 0 : i32
          %dma_wait3A_172 = tpu.memref_slice %arg4[%mul3A_43, %dma_wait3A_171] : memref<208x128xf32, #tpu.memory_space<hbm>> -> memref<8x128xf32, #tpu.memory_space<hbm>>
          %dma_wait3A_173 = arith.constant 0 : i32
          %dma_wait3A_174 = tpu.memref_slice %arg4[%mul3A_43, %dma_wait3A_173] : memref<208x128xf32, #tpu.memory_space<hbm>> -> memref<8x128xf32, #tpu.memory_space<hbm>>
          tpu.wait_dma2 semaphore(%run_scoped3A : memref<!tpu.dma_semaphore, #tpu.memory_space<semaphore_mem>>) src(%dma_wait3A_174 : memref<8x128xf32, #tpu.memory_space<hbm>>) dst(%arg21 : memref<8x128xf32, #tpu.memory_space<vmem>>)
          tpu.yield
        }) : () -> ()
        %scan3A_44 = arith.constant 0 : i32
        %scan3A_45 = arith.constant 0 : i32
        %scan3A_46 = arith.constant 33 : i32
        %scan3A_47 = arith.addi %scan3A_45, %scan3A_46 : i32
        %scan3A_48 = arith.constant 1 : i32
        scf.for %scan3A_167 = %scan3A_45 to %scan3A_47 step %scan3A_48  : i32 {
          %broadcast_in_dim3A_168 = vector.broadcast %scan3A_167 : i32 to vector<16xi32>
          %mul3A_169 = arith.constant 16 : i32
          %mul3A_170 = vector.broadcast %mul3A_169 : i32 to vector<16xi32>
          %mul3A_171 = arith.muli %broadcast_in_dim3A_168, %mul3A_170 : vector<16xi32>
          %add3A_172 = arith.addi %mul3A_171, %iota3A : vector<16xi32>
          tpu.vector_store_idx %arg13[%add3A_172], %broadcast_in_dim3A_3 : memref<528xi32, #tpu.memory_space<vmem>>[vector<16xi32>], vector<16xi32>,
          %broadcast_in_dim3A_173 = vector.broadcast %scan3A_167 : i32 to vector<16xi32>
          %mul3A_174 = arith.constant 16 : i32
          %mul3A_175 = vector.broadcast %mul3A_174 : i32 to vector<16xi32>
          %mul3A_176 = arith.muli %broadcast_in_dim3A_173, %mul3A_175 : vector<16xi32>
          %add3A_177 = arith.addi %mul3A_176, %iota3A : vector<16xi32>
          tpu.vector_store_idx %arg14[%add3A_177], %broadcast_in_dim3A_3 : memref<528xi32, #tpu.memory_space<vmem>>[vector<16xi32>], vector<16xi32>,
          %broadcast_in_dim3A_178 = vector.broadcast %scan3A_167 : i32 to vector<16xi32>
          %mul3A_179 = arith.constant 16 : i32
          %mul3A_180 = vector.broadcast %mul3A_179 : i32 to vector<16xi32>
          %mul3A_181 = arith.muli %broadcast_in_dim3A_178, %mul3A_180 : vector<16xi32>
          %add3A_182 = arith.addi %mul3A_181, %iota3A : vector<16xi32>
          tpu.vector_store_idx %arg15[%add3A_182], %broadcast_in_dim3A_3 : memref<528xi32, #tpu.memory_space<vmem>>[vector<16xi32>], vector<16xi32>,
          %broadcast_in_dim3A_183 = vector.broadcast %scan3A_167 : i32 to vector<16xi32>
          %mul3A_184 = arith.constant 16 : i32
          %mul3A_185 = vector.broadcast %mul3A_184 : i32 to vector<16xi32>
          %mul3A_186 = arith.muli %broadcast_in_dim3A_183, %mul3A_185 : vector<16xi32>
          %add3A_187 = arith.addi %mul3A_186, %iota3A : vector<16xi32>
          tpu.vector_store_idx %arg16[%add3A_187], %broadcast_in_dim3A_3 : memref<528xi32, #tpu.memory_space<vmem>>[vector<16xi32>], vector<16xi32>,
        }
        %scan3A_49 = arith.constant 33 : i32
        %scan3A_50 = arith.constant 0 : i32
        %scan3A_51 = arith.constant 0 : i32
        %scan3A_52 = arith.constant 64 : i32
        %scan3A_53 = arith.addi %scan3A_51, %scan3A_52 : i32
        %scan3A_54 = arith.constant 1 : i32
        scf.for %scan3A_167 = %scan3A_51 to %scan3A_53 step %scan3A_54  : i32 {
          %mul3A_168 = arith.constant 4 : i32
          %mul3A_169 = arith.muli %mul3A_168, %scan3A_167 : i32
          %add3A_170 = arith.constant 0 : i32
          %add3A_171 = arith.addi %mul3A_169, %add3A_170 : i32
          %and3A = arith.constant 7 : i32
          %and3A_172 = arith.andi %add3A_171, %and3A : i32
          %mul3A_173 = arith.constant 16 : i32
          %mul3A_174 = arith.muli %and3A_172, %mul3A_173 : i32
          %add3A_175 = vector.broadcast %mul3A_174 : i32 to vector<16xi32>
          %add3A_176 = arith.addi %add3A_175, %iota3A : vector<16xi32>
          %shift_right_arithmetic3A_177 = arith.constant 3 : i32
          %shift_right_arithmetic3A_178 = arith.shrsi %add3A_171, %shift_right_arithmetic3A_177 : i32
          %broadcast_in_dim3A_179 = vector.broadcast %shift_right_arithmetic3A_178 : i32 to vector<16xi32>
          %gather3A = tpu.vector_load_idx %arg6[%broadcast_in_dim3A_179, %add3A_176] : memref<32x128xi32, #tpu.memory_space<vmem>>[vector<16xi32>, vector<16xi32>], vector<16xi32>,
          %shift_right_arithmetic3A_180 = arith.constant 10 : i32
          %shift_right_arithmetic3A_181 = vector.broadcast %shift_right_arithmetic3A_180 : i32 to vector<16xi32>
          %shift_right_arithmetic3A_182 = arith.shrsi %gather3A, %shift_right_arithmetic3A_181 : vector<16xi32>
          %mul3A_183 = arith.constant 21846 : i32
          %mul3A_184 = vector.broadcast %mul3A_183 : i32 to vector<16xi32>
          %mul3A_185 = arith.muli %shift_right_arithmetic3A_182, %mul3A_184 : vector<16xi32>
          %shift_right_arithmetic3A_186 = arith.constant 16 : i32
          %shift_right_arithmetic3A_187 = vector.broadcast %shift_right_arithmetic3A_186 : i32 to vector<16xi32>
          %shift_right_arithmetic3A_188 = arith.shrsi %mul3A_185, %shift_right_arithmetic3A_187 : vector<16xi32>
          %mul3A_189 = arith.constant 16 : i32
          %mul3A_190 = vector.broadcast %mul3A_189 : i32 to vector<16xi32>
          %mul3A_191 = arith.muli %shift_right_arithmetic3A_188, %mul3A_190 : vector<16xi32>
          %add3A_192 = arith.addi %mul3A_191, %iota3A : vector<16xi32>
          tpu.vector_store_idx %arg13[%add3A_192], %broadcast_in_dim3A_1 {add = true} : memref<528xi32, #tpu.memory_space<vmem>>[vector<16xi32>], vector<16xi32>,
          %mul3A_193 = arith.constant 4 : i32
          %mul3A_194 = arith.muli %mul3A_193, %scan3A_167 : i32
          %add3A_195 = arith.constant 1 : i32
          %add3A_196 = arith.addi %mul3A_194, %add3A_195 : i32
          %and3A_197 = arith.constant 7 : i32
          %and3A_198 = arith.andi %add3A_196, %and3A_197 : i32
          %mul3A_199 = arith.constant 16 : i32
          %mul3A_200 = arith.muli %and3A_198, %mul3A_199 : i32
          %add3A_201 = vector.broadcast %mul3A_200 : i32 to vector<16xi32>
          %add3A_202 = arith.addi %add3A_201, %iota3A : vector<16xi32>
          %shift_right_arithmetic3A_203 = arith.constant 3 : i32
          %shift_right_arithmetic3A_204 = arith.shrsi %add3A_196, %shift_right_arithmetic3A_203 : i32
          %broadcast_in_dim3A_205 = vector.broadcast %shift_right_arithmetic3A_204 : i32 to vector<16xi32>
          %gather3A_206 = tpu.vector_load_idx %arg6[%broadcast_in_dim3A_205, %add3A_202] : memref<32x128xi32, #tpu.memory_space<vmem>>[vector<16xi32>, vector<16xi32>], vector<16xi32>,
          %shift_right_arithmetic3A_207 = arith.constant 10 : i32
          %shift_right_arithmetic3A_208 = vector.broadcast %shift_right_arithmetic3A_207 : i32 to vector<16xi32>
          %shift_right_arithmetic3A_209 = arith.shrsi %gather3A_206, %shift_right_arithmetic3A_208 : vector<16xi32>
          %mul3A_210 = arith.constant 21846 : i32
          %mul3A_211 = vector.broadcast %mul3A_210 : i32 to vector<16xi32>
          %mul3A_212 = arith.muli %shift_right_arithmetic3A_209, %mul3A_211 : vector<16xi32>
          %shift_right_arithmetic3A_213 = arith.constant 16 : i32
          %shift_right_arithmetic3A_214 = vector.broadcast %shift_right_arithmetic3A_213 : i32 to vector<16xi32>
          %shift_right_arithmetic3A_215 = arith.shrsi %mul3A_212, %shift_right_arithmetic3A_214 : vector<16xi32>
          %mul3A_216 = arith.constant 16 : i32
          %mul3A_217 = vector.broadcast %mul3A_216 : i32 to vector<16xi32>
          %mul3A_218 = arith.muli %shift_right_arithmetic3A_215, %mul3A_217 : vector<16xi32>
          %add3A_219 = arith.addi %mul3A_218, %iota3A : vector<16xi32>
          tpu.vector_store_idx %arg14[%add3A_219], %broadcast_in_dim3A_1 {add = true} : memref<528xi32, #tpu.memory_space<vmem>>[vector<16xi32>], vector<16xi32>,
          %mul3A_220 = arith.constant 4 : i32
          %mul3A_221 = arith.muli %mul3A_220, %scan3A_167 : i32
          %add3A_222 = arith.constant 2 : i32
          %add3A_223 = arith.addi %mul3A_221, %add3A_222 : i32
          %and3A_224 = arith.constant 7 : i32
          %and3A_225 = arith.andi %add3A_223, %and3A_224 : i32
          %mul3A_226 = arith.constant 16 : i32
          %mul3A_227 = arith.muli %and3A_225, %mul3A_226 : i32
          %add3A_228 = vector.broadcast %mul3A_227 : i32 to vector<16xi32>
          %add3A_229 = arith.addi %add3A_228, %iota3A : vector<16xi32>
          %shift_right_arithmetic3A_230 = arith.constant 3 : i32
          %shift_right_arithmetic3A_231 = arith.shrsi %add3A_223, %shift_right_arithmetic3A_230 : i32
          %broadcast_in_dim3A_232 = vector.broadcast %shift_right_arithmetic3A_231 : i32 to vector<16xi32>
          %gather3A_233 = tpu.vector_load_idx %arg6[%broadcast_in_dim3A_232, %add3A_229] : memref<32x128xi32, #tpu.memory_space<vmem>>[vector<16xi32>, vector<16xi32>], vector<16xi32>,
          %shift_right_arithmetic3A_234 = arith.constant 10 : i32
          %shift_right_arithmetic3A_235 = vector.broadcast %shift_right_arithmetic3A_234 : i32 to vector<16xi32>
          %shift_right_arithmetic3A_236 = arith.shrsi %gather3A_233, %shift_right_arithmetic3A_235 : vector<16xi32>
          %mul3A_237 = arith.constant 21846 : i32
          %mul3A_238 = vector.broadcast %mul3A_237 : i32 to vector<16xi32>
          %mul3A_239 = arith.muli %shift_right_arithmetic3A_236, %mul3A_238 : vector<16xi32>
          %shift_right_arithmetic3A_240 = arith.constant 16 : i32
          %shift_right_arithmetic3A_241 = vector.broadcast %shift_right_arithmetic3A_240 : i32 to vector<16xi32>
          %shift_right_arithmetic3A_242 = arith.shrsi %mul3A_239, %shift_right_arithmetic3A_241 : vector<16xi32>
          %mul3A_243 = arith.constant 16 : i32
          %mul3A_244 = vector.broadcast %mul3A_243 : i32 to vector<16xi32>
          %mul3A_245 = arith.muli %shift_right_arithmetic3A_242, %mul3A_244 : vector<16xi32>
          %add3A_246 = arith.addi %mul3A_245, %iota3A : vector<16xi32>
          tpu.vector_store_idx %arg15[%add3A_246], %broadcast_in_dim3A_1 {add = true} : memref<528xi32, #tpu.memory_space<vmem>>[vector<16xi32>], vector<16xi32>,
          %mul3A_247 = arith.constant 4 : i32
          %mul3A_248 = arith.muli %mul3A_247, %scan3A_167 : i32
          %add3A_249 = arith.constant 3 : i32
          %add3A_250 = arith.addi %mul3A_248, %add3A_249 : i32
          %and3A_251 = arith.constant 7 : i32
          %and3A_252 = arith.andi %add3A_250, %and3A_251 : i32
          %mul3A_253 = arith.constant 16 : i32
          %mul3A_254 = arith.muli %and3A_252, %mul3A_253 : i32
          %add3A_255 = vector.broadcast %mul3A_254 : i32 to vector<16xi32>
          %add3A_256 = arith.addi %add3A_255, %iota3A : vector<16xi32>
          %shift_right_arithmetic3A_257 = arith.constant 3 : i32
          %shift_right_arithmetic3A_258 = arith.shrsi %add3A_250, %shift_right_arithmetic3A_257 : i32
          %broadcast_in_dim3A_259 = vector.broadcast %shift_right_arithmetic3A_258 : i32 to vector<16xi32>
          %gather3A_260 = tpu.vector_load_idx %arg6[%broadcast_in_dim3A_259, %add3A_256] : memref<32x128xi32, #tpu.memory_space<vmem>>[vector<16xi32>, vector<16xi32>], vector<16xi32>,
          %shift_right_arithmetic3A_261 = arith.constant 10 : i32
          %shift_right_arithmetic3A_262 = vector.broadcast %shift_right_arithmetic3A_261 : i32 to vector<16xi32>
          %shift_right_arithmetic3A_263 = arith.shrsi %gather3A_260, %shift_right_arithmetic3A_262 : vector<16xi32>
          %mul3A_264 = arith.constant 21846 : i32
          %mul3A_265 = vector.broadcast %mul3A_264 : i32 to vector<16xi32>
          %mul3A_266 = arith.muli %shift_right_arithmetic3A_263, %mul3A_265 : vector<16xi32>
          %shift_right_arithmetic3A_267 = arith.constant 16 : i32
          %shift_right_arithmetic3A_268 = vector.broadcast %shift_right_arithmetic3A_267 : i32 to vector<16xi32>
          %shift_right_arithmetic3A_269 = arith.shrsi %mul3A_266, %shift_right_arithmetic3A_268 : vector<16xi32>
          %mul3A_270 = arith.constant 16 : i32
          %mul3A_271 = vector.broadcast %mul3A_270 : i32 to vector<16xi32>
          %mul3A_272 = arith.muli %shift_right_arithmetic3A_269, %mul3A_271 : vector<16xi32>
          %add3A_273 = arith.addi %mul3A_272, %iota3A : vector<16xi32>
          tpu.vector_store_idx %arg16[%add3A_273], %broadcast_in_dim3A_1 {add = true} : memref<528xi32, #tpu.memory_space<vmem>>[vector<16xi32>], vector<16xi32>,
        }
        %scan3A_55 = arith.constant 64 : i32
        %scan3A_56 = arith.constant 0 : i32
        %scan3A_57 = arith.constant 0 : i32
        %scan3A_58 = arith.constant 33 : i32
        %scan3A_59 = arith.addi %scan3A_57, %scan3A_58 : i32
        %scan3A_60 = arith.constant 1 : i32
        %scan3A_61 = scf.for %scan3A_167 = %scan3A_57 to %scan3A_59 step %scan3A_60 iter_args(%scan3A_168 = %scan3A_56) -> (i32)  : i32 {
          %swap3A_169 = arith.index_cast %scan3A_167 : i32 to index
          %swap3A_170 = memref.load %arg22[%swap3A_169] : memref<34xi32, #tpu.memory_space<smem>>
          memref.store %scan3A_168, %arg22[%swap3A_169] : memref<34xi32, #tpu.memory_space<smem>>
          %broadcast_in_dim3A_171 = vector.broadcast %scan3A_167 : i32 to vector<16xi32>
          %mul3A_172 = arith.constant 16 : i32
          %mul3A_173 = vector.broadcast %mul3A_172 : i32 to vector<16xi32>
          %mul3A_174 = arith.muli %broadcast_in_dim3A_171, %mul3A_173 : vector<16xi32>
          %add3A_175 = arith.addi %mul3A_174, %iota3A : vector<16xi32>
          %gather3A = tpu.vector_load_idx %arg13[%add3A_175] : memref<528xi32, #tpu.memory_space<vmem>>[vector<16xi32>], vector<16xi32>,
          %broadcast_in_dim3A_176 = arith.constant true
          %broadcast_in_dim3A_177 = vector.broadcast %broadcast_in_dim3A_176 : i1 to vector<16xi1>
          %masked_cumsum3A = tpu.scan <sum>, %gather3A masked %broadcast_in_dim3A_177 : vector<16xi32>, vector<16xi1> -> vector<16xi32>
          %sub3A = arith.subi %masked_cumsum3A, %gather3A : vector<16xi32>
          %broadcast_in_dim3A_178 = vector.broadcast %scan3A_167 : i32 to vector<16xi32>
          %mul3A_179 = arith.constant 16 : i32
          %mul3A_180 = vector.broadcast %mul3A_179 : i32 to vector<16xi32>
          %mul3A_181 = arith.muli %broadcast_in_dim3A_178, %mul3A_180 : vector<16xi32>
          %add3A_182 = arith.addi %mul3A_181, %iota3A : vector<16xi32>
          %broadcast_in_dim3A_183 = vector.broadcast %scan3A_168 : i32 to vector<16xi32>
          %add3A_184 = arith.addi %broadcast_in_dim3A_183, %sub3A : vector<16xi32>
          tpu.vector_store_idx %arg17[%add3A_182], %add3A_184 : memref<528xi32, #tpu.memory_space<vmem>>[vector<16xi32>], vector<16xi32>,
          %reduce_sum3A = arith.constant true
          %reduce_sum3A_185 = vector.broadcast %reduce_sum3A : i1 to vector<16xi1>
          %reduce_sum3A_186 = tpu.scan <sum>, %gather3A masked %reduce_sum3A_185 : vector<16xi32>, vector<16xi1> -> vector<16xi32>
          %reduce_sum3A_187 = vector.extract %reduce_sum3A_186[15] : i32 from vector<16xi32>
          %add3A_188 = arith.addi %scan3A_168, %reduce_sum3A_187 : i32
          %broadcast_in_dim3A_189 = vector.broadcast %scan3A_167 : i32 to vector<16xi32>
          %mul3A_190 = arith.constant 16 : i32
          %mul3A_191 = vector.broadcast %mul3A_190 : i32 to vector<16xi32>
          %mul3A_192 = arith.muli %broadcast_in_dim3A_189, %mul3A_191 : vector<16xi32>
          %add3A_193 = arith.addi %mul3A_192, %iota3A : vector<16xi32>
          %gather3A_194 = tpu.vector_load_idx %arg14[%add3A_193] : memref<528xi32, #tpu.memory_space<vmem>>[vector<16xi32>], vector<16xi32>,
          %broadcast_in_dim3A_195 = arith.constant true
          %broadcast_in_dim3A_196 = vector.broadcast %broadcast_in_dim3A_195 : i1 to vector<16xi1>
          %masked_cumsum3A_197 = tpu.scan <sum>, %gather3A_194 masked %broadcast_in_dim3A_196 : vector<16xi32>, vector<16xi1> -> vector<16xi32>
          %sub3A_198 = arith.subi %masked_cumsum3A_197, %gather3A_194 : vector<16xi32>
          %broadcast_in_dim3A_199 = vector.broadcast %scan3A_167 : i32 to vector<16xi32>
          %mul3A_200 = arith.constant 16 : i32
          %mul3A_201 = vector.broadcast %mul3A_200 : i32 to vector<16xi32>
          %mul3A_202 = arith.muli %broadcast_in_dim3A_199, %mul3A_201 : vector<16xi32>
          %add3A_203 = arith.addi %mul3A_202, %iota3A : vector<16xi32>
          %broadcast_in_dim3A_204 = vector.broadcast %add3A_188 : i32 to vector<16xi32>
          %add3A_205 = arith.addi %broadcast_in_dim3A_204, %sub3A_198 : vector<16xi32>
          tpu.vector_store_idx %arg18[%add3A_203], %add3A_205 : memref<528xi32, #tpu.memory_space<vmem>>[vector<16xi32>], vector<16xi32>,
          %reduce_sum3A_206 = arith.constant true
          %reduce_sum3A_207 = vector.broadcast %reduce_sum3A_206 : i1 to vector<16xi1>
          %reduce_sum3A_208 = tpu.scan <sum>, %gather3A_194 masked %reduce_sum3A_207 : vector<16xi32>, vector<16xi1> -> vector<16xi32>
          %reduce_sum3A_209 = vector.extract %reduce_sum3A_208[15] : i32 from vector<16xi32>
          %add3A_210 = arith.addi %add3A_188, %reduce_sum3A_209 : i32
          %broadcast_in_dim3A_211 = vector.broadcast %scan3A_167 : i32 to vector<16xi32>
          %mul3A_212 = arith.constant 16 : i32
          %mul3A_213 = vector.broadcast %mul3A_212 : i32 to vector<16xi32>
          %mul3A_214 = arith.muli %broadcast_in_dim3A_211, %mul3A_213 : vector<16xi32>
          %add3A_215 = arith.addi %mul3A_214, %iota3A : vector<16xi32>
          %gather3A_216 = tpu.vector_load_idx %arg15[%add3A_215] : memref<528xi32, #tpu.memory_space<vmem>>[vector<16xi32>], vector<16xi32>,
          %broadcast_in_dim3A_217 = arith.constant true
          %broadcast_in_dim3A_218 = vector.broadcast %broadcast_in_dim3A_217 : i1 to vector<16xi1>
          %masked_cumsum3A_219 = tpu.scan <sum>, %gather3A_216 masked %broadcast_in_dim3A_218 : vector<16xi32>, vector<16xi1> -> vector<16xi32>
          %sub3A_220 = arith.subi %masked_cumsum3A_219, %gather3A_216 : vector<16xi32>
          %broadcast_in_dim3A_221 = vector.broadcast %scan3A_167 : i32 to vector<16xi32>
          %mul3A_222 = arith.constant 16 : i32
          %mul3A_223 = vector.broadcast %mul3A_222 : i32 to vector<16xi32>
          %mul3A_224 = arith.muli %broadcast_in_dim3A_221, %mul3A_223 : vector<16xi32>
          %add3A_225 = arith.addi %mul3A_224, %iota3A : vector<16xi32>
          %broadcast_in_dim3A_226 = vector.broadcast %add3A_210 : i32 to vector<16xi32>
          %add3A_227 = arith.addi %broadcast_in_dim3A_226, %sub3A_220 : vector<16xi32>
          tpu.vector_store_idx %arg19[%add3A_225], %add3A_227 : memref<528xi32, #tpu.memory_space<vmem>>[vector<16xi32>], vector<16xi32>,
          %reduce_sum3A_228 = arith.constant true
          %reduce_sum3A_229 = vector.broadcast %reduce_sum3A_228 : i1 to vector<16xi1>
          %reduce_sum3A_230 = tpu.scan <sum>, %gather3A_216 masked %reduce_sum3A_229 : vector<16xi32>, vector<16xi1> -> vector<16xi32>
          %reduce_sum3A_231 = vector.extract %reduce_sum3A_230[15] : i32 from vector<16xi32>
          %add3A_232 = arith.addi %add3A_210, %reduce_sum3A_231 : i32
          %broadcast_in_dim3A_233 = vector.broadcast %scan3A_167 : i32 to vector<16xi32>
          %mul3A_234 = arith.constant 16 : i32
          %mul3A_235 = vector.broadcast %mul3A_234 : i32 to vector<16xi32>
          %mul3A_236 = arith.muli %broadcast_in_dim3A_233, %mul3A_235 : vector<16xi32>
          %add3A_237 = arith.addi %mul3A_236, %iota3A : vector<16xi32>
          %gather3A_238 = tpu.vector_load_idx %arg16[%add3A_237] : memref<528xi32, #tpu.memory_space<vmem>>[vector<16xi32>], vector<16xi32>,
          %broadcast_in_dim3A_239 = arith.constant true
          %broadcast_in_dim3A_240 = vector.broadcast %broadcast_in_dim3A_239 : i1 to vector<16xi1>
          %masked_cumsum3A_241 = tpu.scan <sum>, %gather3A_238 masked %broadcast_in_dim3A_240 : vector<16xi32>, vector<16xi1> -> vector<16xi32>
          %sub3A_242 = arith.subi %masked_cumsum3A_241, %gather3A_238 : vector<16xi32>
          %broadcast_in_dim3A_243 = vector.broadcast %scan3A_167 : i32 to vector<16xi32>
          %mul3A_244 = arith.constant 16 : i32
          %mul3A_245 = vector.broadcast %mul3A_244 : i32 to vector<16xi32>
          %mul3A_246 = arith.muli %broadcast_in_dim3A_243, %mul3A_245 : vector<16xi32>
          %add3A_247 = arith.addi %mul3A_246, %iota3A : vector<16xi32>
          %broadcast_in_dim3A_248 = vector.broadcast %add3A_232 : i32 to vector<16xi32>
          %add3A_249 = arith.addi %broadcast_in_dim3A_248, %sub3A_242 : vector<16xi32>
          tpu.vector_store_idx %arg20[%add3A_247], %add3A_249 : memref<528xi32, #tpu.memory_space<vmem>>[vector<16xi32>], vector<16xi32>,
          %reduce_sum3A_250 = arith.constant true
          %reduce_sum3A_251 = vector.broadcast %reduce_sum3A_250 : i1 to vector<16xi1>
          %reduce_sum3A_252 = tpu.scan <sum>, %gather3A_238 masked %reduce_sum3A_251 : vector<16xi32>, vector<16xi1> -> vector<16xi32>
          %reduce_sum3A_253 = vector.extract %reduce_sum3A_252[15] : i32 from vector<16xi32>
          %add3A_254 = arith.addi %add3A_232, %reduce_sum3A_253 : i32
          scf.yield %add3A_254 : i32
        }
        %scan3A_62 = arith.constant 33 : i32
        %swap3A = arith.constant 4096 : i32
        %swap3A_63 = arith.constant 33 : i32
        %swap3A_64 = arith.index_cast %swap3A_63 : i32 to index
        %swap3A_65 = memref.load %arg22[%swap3A_64] : memref<34xi32, #tpu.memory_space<smem>>
        memref.store %swap3A, %arg22[%swap3A_64] : memref<34xi32, #tpu.memory_space<smem>>
        %scan3A_66 = arith.constant 0 : i32
        %scan3A_67 = arith.constant 0 : i32
        %scan3A_68 = arith.constant 64 : i32
        %scan3A_69 = arith.addi %scan3A_67, %scan3A_68 : i32
        %scan3A_70 = arith.constant 1 : i32
        scf.for %scan3A_167 = %scan3A_67 to %scan3A_69 step %scan3A_70  : i32 {
          %mul3A_168 = arith.constant 4 : i32
          %mul3A_169 = arith.muli %mul3A_168, %scan3A_167 : i32
          %add3A_170 = arith.constant 0 : i32
          %add3A_171 = arith.addi %mul3A_169, %add3A_170 : i32
          %and3A = arith.constant 7 : i32
          %and3A_172 = arith.andi %add3A_171, %and3A : i32
          %mul3A_173 = arith.constant 16 : i32
          %mul3A_174 = arith.muli %and3A_172, %mul3A_173 : i32
          %add3A_175 = vector.broadcast %mul3A_174 : i32 to vector<16xi32>
          %add3A_176 = arith.addi %add3A_175, %iota3A : vector<16xi32>
          %shift_right_arithmetic3A_177 = arith.constant 3 : i32
          %shift_right_arithmetic3A_178 = arith.shrsi %add3A_171, %shift_right_arithmetic3A_177 : i32
          %broadcast_in_dim3A_179 = vector.broadcast %shift_right_arithmetic3A_178 : i32 to vector<16xi32>
          %gather3A = tpu.vector_load_idx %arg6[%broadcast_in_dim3A_179, %add3A_176] : memref<32x128xi32, #tpu.memory_space<vmem>>[vector<16xi32>, vector<16xi32>], vector<16xi32>,
          %shift_right_arithmetic3A_180 = arith.constant 3 : i32
          %shift_right_arithmetic3A_181 = arith.shrsi %add3A_171, %shift_right_arithmetic3A_180 : i32
          %mul3A_182 = arith.constant 128 : i32
          %mul3A_183 = arith.muli %shift_right_arithmetic3A_181, %mul3A_182 : i32
          %add3A_184 = vector.broadcast %mul3A_183 : i32 to vector<16xi32>
          %add3A_185 = arith.addi %add3A_184, %add3A_176 : vector<16xi32>
          %shift_right_arithmetic3A_186 = arith.constant 10 : i32
          %shift_right_arithmetic3A_187 = vector.broadcast %shift_right_arithmetic3A_186 : i32 to vector<16xi32>
          %shift_right_arithmetic3A_188 = arith.shrsi %gather3A, %shift_right_arithmetic3A_187 : vector<16xi32>
          %mul3A_189 = arith.constant 21846 : i32
          %mul3A_190 = vector.broadcast %mul3A_189 : i32 to vector<16xi32>
          %mul3A_191 = arith.muli %shift_right_arithmetic3A_188, %mul3A_190 : vector<16xi32>
          %shift_right_arithmetic3A_192 = arith.constant 16 : i32
          %shift_right_arithmetic3A_193 = vector.broadcast %shift_right_arithmetic3A_192 : i32 to vector<16xi32>
          %shift_right_arithmetic3A_194 = arith.shrsi %mul3A_191, %shift_right_arithmetic3A_193 : vector<16xi32>
          %mul3A_195 = arith.constant 16 : i32
          %mul3A_196 = vector.broadcast %mul3A_195 : i32 to vector<16xi32>
          %mul3A_197 = arith.muli %shift_right_arithmetic3A_194, %mul3A_196 : vector<16xi32>
          %add3A_198 = arith.addi %mul3A_197, %iota3A : vector<16xi32>
          %gather3A_199 = tpu.vector_load_idx %arg17[%add3A_198] : memref<528xi32, #tpu.memory_space<vmem>>[vector<16xi32>], vector<16xi32>,
          tpu.vector_store_idx %arg11[%gather3A_199], %gather3A : memref<4096xi32, #tpu.memory_space<vmem>>[vector<16xi32>], vector<16xi32>,
          tpu.vector_store_idx %arg12[%gather3A_199], %add3A_185 : memref<4096xi32, #tpu.memory_space<vmem>>[vector<16xi32>], vector<16xi32>,
          %mul3A_200 = arith.constant 16 : i32
          %mul3A_201 = vector.broadcast %mul3A_200 : i32 to vector<16xi32>
          %mul3A_202 = arith.muli %shift_right_arithmetic3A_194, %mul3A_201 : vector<16xi32>
          %add3A_203 = arith.addi %mul3A_202, %iota3A : vector<16xi32>
          tpu.vector_store_idx %arg17[%add3A_203], %broadcast_in_dim3A_1 {add = true} : memref<528xi32, #tpu.memory_space<vmem>>[vector<16xi32>], vector<16xi32>,
          %mul3A_204 = arith.constant 4 : i32
          %mul3A_205 = arith.muli %mul3A_204, %scan3A_167 : i32
          %add3A_206 = arith.constant 1 : i32
          %add3A_207 = arith.addi %mul3A_205, %add3A_206 : i32
          %and3A_208 = arith.constant 7 : i32
          %and3A_209 = arith.andi %add3A_207, %and3A_208 : i32
          %mul3A_210 = arith.constant 16 : i32
          %mul3A_211 = arith.muli %and3A_209, %mul3A_210 : i32
          %add3A_212 = vector.broadcast %mul3A_211 : i32 to vector<16xi32>
          %add3A_213 = arith.addi %add3A_212, %iota3A : vector<16xi32>
          %shift_right_arithmetic3A_214 = arith.constant 3 : i32
          %shift_right_arithmetic3A_215 = arith.shrsi %add3A_207, %shift_right_arithmetic3A_214 : i32
          %broadcast_in_dim3A_216 = vector.broadcast %shift_right_arithmetic3A_215 : i32 to vector<16xi32>
          %gather3A_217 = tpu.vector_load_idx %arg6[%broadcast_in_dim3A_216, %add3A_213] : memref<32x128xi32, #tpu.memory_space<vmem>>[vector<16xi32>, vector<16xi32>], vector<16xi32>,
          %shift_right_arithmetic3A_218 = arith.constant 3 : i32
          %shift_right_arithmetic3A_219 = arith.shrsi %add3A_207, %shift_right_arithmetic3A_218 : i32
          %mul3A_220 = arith.constant 128 : i32
          %mul3A_221 = arith.muli %shift_right_arithmetic3A_219, %mul3A_220 : i32
          %add3A_222 = vector.broadcast %mul3A_221 : i32 to vector<16xi32>
          %add3A_223 = arith.addi %add3A_222, %add3A_213 : vector<16xi32>
          %shift_right_arithmetic3A_224 = arith.constant 10 : i32
          %shift_right_arithmetic3A_225 = vector.broadcast %shift_right_arithmetic3A_224 : i32 to vector<16xi32>
          %shift_right_arithmetic3A_226 = arith.shrsi %gather3A_217, %shift_right_arithmetic3A_225 : vector<16xi32>
          %mul3A_227 = arith.constant 21846 : i32
          %mul3A_228 = vector.broadcast %mul3A_227 : i32 to vector<16xi32>
          %mul3A_229 = arith.muli %shift_right_arithmetic3A_226, %mul3A_228 : vector<16xi32>
          %shift_right_arithmetic3A_230 = arith.constant 16 : i32
          %shift_right_arithmetic3A_231 = vector.broadcast %shift_right_arithmetic3A_230 : i32 to vector<16xi32>
          %shift_right_arithmetic3A_232 = arith.shrsi %mul3A_229, %shift_right_arithmetic3A_231 : vector<16xi32>
          %mul3A_233 = arith.constant 16 : i32
          %mul3A_234 = vector.broadcast %mul3A_233 : i32 to vector<16xi32>
          %mul3A_235 = arith.muli %shift_right_arithmetic3A_232, %mul3A_234 : vector<16xi32>
          %add3A_236 = arith.addi %mul3A_235, %iota3A : vector<16xi32>
          %gather3A_237 = tpu.vector_load_idx %arg18[%add3A_236] : memref<528xi32, #tpu.memory_space<vmem>>[vector<16xi32>], vector<16xi32>,
          tpu.vector_store_idx %arg11[%gather3A_237], %gather3A_217 : memref<4096xi32, #tpu.memory_space<vmem>>[vector<16xi32>], vector<16xi32>,
          tpu.vector_store_idx %arg12[%gather3A_237], %add3A_223 : memref<4096xi32, #tpu.memory_space<vmem>>[vector<16xi32>], vector<16xi32>,
          %mul3A_238 = arith.constant 16 : i32
          %mul3A_239 = vector.broadcast %mul3A_238 : i32 to vector<16xi32>
          %mul3A_240 = arith.muli %shift_right_arithmetic3A_232, %mul3A_239 : vector<16xi32>
          %add3A_241 = arith.addi %mul3A_240, %iota3A : vector<16xi32>
          tpu.vector_store_idx %arg18[%add3A_241], %broadcast_in_dim3A_1 {add = true} : memref<528xi32, #tpu.memory_space<vmem>>[vector<16xi32>], vector<16xi32>,
          %mul3A_242 = arith.constant 4 : i32
          %mul3A_243 = arith.muli %mul3A_242, %scan3A_167 : i32
          %add3A_244 = arith.constant 2 : i32
          %add3A_245 = arith.addi %mul3A_243, %add3A_244 : i32
          %and3A_246 = arith.constant 7 : i32
          %and3A_247 = arith.andi %add3A_245, %and3A_246 : i32
          %mul3A_248 = arith.constant 16 : i32
          %mul3A_249 = arith.muli %and3A_247, %mul3A_248 : i32
          %add3A_250 = vector.broadcast %mul3A_249 : i32 to vector<16xi32>
          %add3A_251 = arith.addi %add3A_250, %iota3A : vector<16xi32>
          %shift_right_arithmetic3A_252 = arith.constant 3 : i32
          %shift_right_arithmetic3A_253 = arith.shrsi %add3A_245, %shift_right_arithmetic3A_252 : i32
          %broadcast_in_dim3A_254 = vector.broadcast %shift_right_arithmetic3A_253 : i32 to vector<16xi32>
          %gather3A_255 = tpu.vector_load_idx %arg6[%broadcast_in_dim3A_254, %add3A_251] : memref<32x128xi32, #tpu.memory_space<vmem>>[vector<16xi32>, vector<16xi32>], vector<16xi32>,
          %shift_right_arithmetic3A_256 = arith.constant 3 : i32
          %shift_right_arithmetic3A_257 = arith.shrsi %add3A_245, %shift_right_arithmetic3A_256 : i32
          %mul3A_258 = arith.constant 128 : i32
          %mul3A_259 = arith.muli %shift_right_arithmetic3A_257, %mul3A_258 : i32
          %add3A_260 = vector.broadcast %mul3A_259 : i32 to vector<16xi32>
          %add3A_261 = arith.addi %add3A_260, %add3A_251 : vector<16xi32>
          %shift_right_arithmetic3A_262 = arith.constant 10 : i32
          %shift_right_arithmetic3A_263 = vector.broadcast %shift_right_arithmetic3A_262 : i32 to vector<16xi32>
          %shift_right_arithmetic3A_264 = arith.shrsi %gather3A_255, %shift_right_arithmetic3A_263 : vector<16xi32>
          %mul3A_265 = arith.constant 21846 : i32
          %mul3A_266 = vector.broadcast %mul3A_265 : i32 to vector<16xi32>
          %mul3A_267 = arith.muli %shift_right_arithmetic3A_264, %mul3A_266 : vector<16xi32>
          %shift_right_arithmetic3A_268 = arith.constant 16 : i32
          %shift_right_arithmetic3A_269 = vector.broadcast %shift_right_arithmetic3A_268 : i32 to vector<16xi32>
          %shift_right_arithmetic3A_270 = arith.shrsi %mul3A_267, %shift_right_arithmetic3A_269 : vector<16xi32>
          %mul3A_271 = arith.constant 16 : i32
          %mul3A_272 = vector.broadcast %mul3A_271 : i32 to vector<16xi32>
          %mul3A_273 = arith.muli %shift_right_arithmetic3A_270, %mul3A_272 : vector<16xi32>
          %add3A_274 = arith.addi %mul3A_273, %iota3A : vector<16xi32>
          %gather3A_275 = tpu.vector_load_idx %arg19[%add3A_274] : memref<528xi32, #tpu.memory_space<vmem>>[vector<16xi32>], vector<16xi32>,
          tpu.vector_store_idx %arg11[%gather3A_275], %gather3A_255 : memref<4096xi32, #tpu.memory_space<vmem>>[vector<16xi32>], vector<16xi32>,
          tpu.vector_store_idx %arg12[%gather3A_275], %add3A_261 : memref<4096xi32, #tpu.memory_space<vmem>>[vector<16xi32>], vector<16xi32>,
          %mul3A_276 = arith.constant 16 : i32
          %mul3A_277 = vector.broadcast %mul3A_276 : i32 to vector<16xi32>
          %mul3A_278 = arith.muli %shift_right_arithmetic3A_270, %mul3A_277 : vector<16xi32>
          %add3A_279 = arith.addi %mul3A_278, %iota3A : vector<16xi32>
          tpu.vector_store_idx %arg19[%add3A_279], %broadcast_in_dim3A_1 {add = true} : memref<528xi32, #tpu.memory_space<vmem>>[vector<16xi32>], vector<16xi32>,
          %mul3A_280 = arith.constant 4 : i32
          %mul3A_281 = arith.muli %mul3A_280, %scan3A_167 : i32
          %add3A_282 = arith.constant 3 : i32
          %add3A_283 = arith.addi %mul3A_281, %add3A_282 : i32
          %and3A_284 = arith.constant 7 : i32
          %and3A_285 = arith.andi %add3A_283, %and3A_284 : i32
          %mul3A_286 = arith.constant 16 : i32
          %mul3A_287 = arith.muli %and3A_285, %mul3A_286 : i32
          %add3A_288 = vector.broadcast %mul3A_287 : i32 to vector<16xi32>
          %add3A_289 = arith.addi %add3A_288, %iota3A : vector<16xi32>
          %shift_right_arithmetic3A_290 = arith.constant 3 : i32
          %shift_right_arithmetic3A_291 = arith.shrsi %add3A_283, %shift_right_arithmetic3A_290 : i32
          %broadcast_in_dim3A_292 = vector.broadcast %shift_right_arithmetic3A_291 : i32 to vector<16xi32>
          %gather3A_293 = tpu.vector_load_idx %arg6[%broadcast_in_dim3A_292, %add3A_289] : memref<32x128xi32, #tpu.memory_space<vmem>>[vector<16xi32>, vector<16xi32>], vector<16xi32>,
          %shift_right_arithmetic3A_294 = arith.constant 3 : i32
          %shift_right_arithmetic3A_295 = arith.shrsi %add3A_283, %shift_right_arithmetic3A_294 : i32
          %mul3A_296 = arith.constant 128 : i32
          %mul3A_297 = arith.muli %shift_right_arithmetic3A_295, %mul3A_296 : i32
          %add3A_298 = vector.broadcast %mul3A_297 : i32 to vector<16xi32>
          %add3A_299 = arith.addi %add3A_298, %add3A_289 : vector<16xi32>
          %shift_right_arithmetic3A_300 = arith.constant 10 : i32
          %shift_right_arithmetic3A_301 = vector.broadcast %shift_right_arithmetic3A_300 : i32 to vector<16xi32>
          %shift_right_arithmetic3A_302 = arith.shrsi %gather3A_293, %shift_right_arithmetic3A_301 : vector<16xi32>
          %mul3A_303 = arith.constant 21846 : i32
          %mul3A_304 = vector.broadcast %mul3A_303 : i32 to vector<16xi32>
          %mul3A_305 = arith.muli %shift_right_arithmetic3A_302, %mul3A_304 : vector<16xi32>
          %shift_right_arithmetic3A_306 = arith.constant 16 : i32
          %shift_right_arithmetic3A_307 = vector.broadcast %shift_right_arithmetic3A_306 : i32 to vector<16xi32>
          %shift_right_arithmetic3A_308 = arith.shrsi %mul3A_305, %shift_right_arithmetic3A_307 : vector<16xi32>
          %mul3A_309 = arith.constant 16 : i32
          %mul3A_310 = vector.broadcast %mul3A_309 : i32 to vector<16xi32>
          %mul3A_311 = arith.muli %shift_right_arithmetic3A_308, %mul3A_310 : vector<16xi32>
          %add3A_312 = arith.addi %mul3A_311, %iota3A : vector<16xi32>
          %gather3A_313 = tpu.vector_load_idx %arg20[%add3A_312] : memref<528xi32, #tpu.memory_space<vmem>>[vector<16xi32>], vector<16xi32>,
          tpu.vector_store_idx %arg11[%gather3A_313], %gather3A_293 : memref<4096xi32, #tpu.memory_space<vmem>>[vector<16xi32>], vector<16xi32>,
          tpu.vector_store_idx %arg12[%gather3A_313], %add3A_299 : memref<4096xi32, #tpu.memory_space<vmem>>[vector<16xi32>], vector<16xi32>,
          %mul3A_314 = arith.constant 16 : i32
          %mul3A_315 = vector.broadcast %mul3A_314 : i32 to vector<16xi32>
          %mul3A_316 = arith.muli %shift_right_arithmetic3A_308, %mul3A_315 : vector<16xi32>
          %add3A_317 = arith.addi %mul3A_316, %iota3A : vector<16xi32>
          tpu.vector_store_idx %arg20[%add3A_317], %broadcast_in_dim3A_1 {add = true} : memref<528xi32, #tpu.memory_space<vmem>>[vector<16xi32>], vector<16xi32>,
        }
        %scan3A_71 = arith.constant 64 : i32
        %gt3A = arith.constant 0 : i32
        %gt3A_72 = arith.cmpi sgt, %scan3A_19, %gt3A : i32
        %convert_element_type3A_73 = arith.extui %gt3A_72 : i1 to i32
        %cond3A_74 = arith.constant 0 : i32
        %cond3A_75 = arith.cmpi ne, %convert_element_type3A_73, %cond3A_74 : i32
        scf.if %cond3A_75 {
          %sub3A = arith.constant 32 : i32
          %sub3A_167 = arith.subi %add3A_22, %sub3A : i32
          %mul3A_168 = arith.constant 8 : i32
          %mul3A_169 = arith.muli %sub3A_167, %mul3A_168 : i32
          %dma_wait3A_170 = arith.constant 0 : i32
          %dma_wait3A_171 = tpu.memref_slice %arg5[%mul3A_169, %dma_wait3A_170] : memref<832x4096xf32, #tpu.memory_space<hbm>> -> memref<8x4096xf32, #tpu.memory_space<hbm>>
          %dma_wait3A_172 = arith.constant 0 : i32
          %dma_wait3A_173 = tpu.memref_slice %arg5[%mul3A_169, %dma_wait3A_172] : memref<832x4096xf32, #tpu.memory_space<hbm>> -> memref<8x4096xf32, #tpu.memory_space<hbm>>
          tpu.wait_dma2 semaphore(%arg26 : memref<!tpu.dma_semaphore, #tpu.memory_space<semaphore_mem>>) src(%arg10 : memref<8x4096xf32, #tpu.memory_space<vmem>>) dst(%dma_wait3A_173 : memref<8x4096xf32, #tpu.memory_space<hbm>>)
        } else {
        }
        %scan3A_76 = arith.constant 0 : i32
        %scan3A_77 = arith.constant 0 : i32
        %scan3A_78 = arith.constant 10 : i32
        %scan3A_79 = arith.addi %scan3A_77, %scan3A_78 : i32
        %scan3A_80 = arith.constant 1 : i32
        scf.for %scan3A_167 = %scan3A_77 to %scan3A_79 step %scan3A_80  : i32 {
          %mul3A_168 = arith.constant 3 : i32
          %mul3A_169 = arith.muli %mul3A_168, %scan3A_167 : i32
          %add3A_170 = arith.constant 0 : i32
          %add3A_171 = arith.addi %mul3A_169, %add3A_170 : i32
          %mul3A_172 = arith.constant 3072 : i32
          %mul3A_173 = arith.muli %add3A_171, %mul3A_172 : i32
          %dma_wait3A_174 = tpu.memref_slice %arg3[%mul3A_28, %mul3A_173] : memref<832x100000xf32, #tpu.memory_space<hbm>> -> memref<8x3072xf32, #tpu.memory_space<hbm>>
          %dma_wait3A_175 = tpu.memref_slice %arg3[%mul3A_28, %mul3A_173] : memref<832x100000xf32, #tpu.memory_space<hbm>> -> memref<8x3072xf32, #tpu.memory_space<hbm>>
          tpu.wait_dma2 semaphore(%arg23 : memref<!tpu.dma_semaphore, #tpu.memory_space<semaphore_mem>>) src(%dma_wait3A_175 : memref<8x3072xf32, #tpu.memory_space<hbm>>) dst(%arg7 : memref<8x3072xf32, #tpu.memory_space<vmem>>)
          %get3A_176 = arith.index_cast %add3A_171 : i32 to index
          %get3A_177 = memref.load %arg22[%get3A_176] : memref<34xi32, #tpu.memory_space<smem>>
          %add3A_178 = arith.constant 1 : i32
          %add3A_179 = arith.addi %add3A_171, %add3A_178 : i32
          %get3A_180 = arith.index_cast %add3A_179 : i32 to index
          %get3A_181 = memref.load %arg22[%get3A_180] : memref<34xi32, #tpu.memory_space<smem>>
          %shift_right_arithmetic3A_182 = arith.constant 4 : i32
          %shift_right_arithmetic3A_183 = arith.shrsi %get3A_177, %shift_right_arithmetic3A_182 : i32
          %add3A_184 = arith.constant 15 : i32
          %add3A_185 = arith.addi %get3A_181, %add3A_184 : i32
          %shift_right_arithmetic3A_186 = arith.constant 4 : i32
          %shift_right_arithmetic3A_187 = arith.shrsi %add3A_185, %shift_right_arithmetic3A_186 : i32
          %while3A_188 = arith.constant 0 : i32
          %while3A_189 = arith.subi %shift_right_arithmetic3A_187, %shift_right_arithmetic3A_183 : i32
          %while3A_190 = arith.addi %shift_right_arithmetic3A_183, %while3A_189 : i32
          %while3A_191 = arith.constant 1 : i32
          %while3A_192 = arith.divsi %while3A_189, %while3A_191 : i32
          %while3A_193 = arith.muli %while3A_192, %while3A_191 : i32
          %while3A_194 = arith.addi %shift_right_arithmetic3A_183, %while3A_193 : i32
          %while3A_195 = arith.constant 1 : i32
          scf.for %while3A_292 = %shift_right_arithmetic3A_183 to %while3A_194 step %while3A_195  : i32 {
            %mul3A_293 = arith.constant 16 : i32
            %mul3A_294 = arith.muli %while3A_292, %mul3A_293 : i32
            %add3A_295 = vector.broadcast %mul3A_294 : i32 to vector<16xi32>
            %add3A_296 = arith.addi %add3A_295, %iota3A : vector<16xi32>
            %ge3A = vector.broadcast %get3A_177 : i32 to vector<16xi32>
            %ge3A_297 = arith.cmpi sge, %add3A_296, %ge3A : vector<16xi32>
            %lt3A_298 = vector.broadcast %get3A_181 : i32 to vector<16xi32>
            %lt3A_299 = arith.cmpi slt, %add3A_296, %lt3A_298 : vector<16xi32>
            %and3A = arith.andi %ge3A_297, %lt3A_299 : vector<16xi1>
            %gather3A = tpu.vector_load_idx %arg11[%add3A_296] masked %and3A : memref<4096xi32, #tpu.memory_space<vmem>>[vector<16xi32>], vector<16xi32>, vector<16xi1>
            %gather3A_300 = tpu.vector_load_idx %arg12[%add3A_296] masked %and3A : memref<4096xi32, #tpu.memory_space<vmem>>[vector<16xi32>], vector<16xi32>, vector<16xi1>
            %mul3A_301 = arith.constant 3072 : i32
            %mul3A_302 = arith.muli %add3A_171, %mul3A_301 : i32
            %sub3A = vector.broadcast %mul3A_302 : i32 to vector<16xi32>
            %sub3A_303 = arith.subi %gather3A, %sub3A : vector<16xi32>
            %max3A = arith.constant 0 : i32
            %max3A_304 = vector.broadcast %max3A : i32 to vector<16xi32>
            %max3A_305 = arith.maxsi %sub3A_303, %max3A_304 : vector<16xi32>
            %broadcast_in_dim3A_306 = arith.constant 0 : i32
            %broadcast_in_dim3A_307 = vector.broadcast %broadcast_in_dim3A_306 : i32 to vector<16xi32>
            %gather3A_308 = tpu.vector_load_idx %arg7[%broadcast_in_dim3A_307, %max3A_305] masked %and3A : memref<8x3072xf32, #tpu.memory_space<vmem>>[vector<16xi32>, vector<16xi32>], vector<16xf32>, vector<16xi1>
            %broadcast_in_dim3A_309 = arith.constant 0 : i32
            %broadcast_in_dim3A_310 = vector.broadcast %broadcast_in_dim3A_309 : i32 to vector<16xi32>
            tpu.vector_store_idx %arg10[%broadcast_in_dim3A_310, %gather3A_300], %gather3A_308 masked %and3A : memref<8x4096xf32, #tpu.memory_space<vmem>>[vector<16xi32>, vector<16xi32>], vector<16xf32>, vector<16xi1>
            %broadcast_in_dim3A_311 = arith.constant 1 : i32
            %broadcast_in_dim3A_312 = vector.broadcast %broadcast_in_dim3A_311 : i32 to vector<16xi32>
            %gather3A_313 = tpu.vector_load_idx %arg7[%broadcast_in_dim3A_312, %max3A_305] masked %and3A : memref<8x3072xf32, #tpu.memory_space<vmem>>[vector<16xi32>, vector<16xi32>], vector<16xf32>, vector<16xi1>
            %broadcast_in_dim3A_314 = arith.constant 1 : i32
            %broadcast_in_dim3A_315 = vector.broadcast %broadcast_in_dim3A_314 : i32 to vector<16xi32>
            tpu.vector_store_idx %arg10[%broadcast_in_dim3A_315, %gather3A_300], %gather3A_313 masked %and3A : memref<8x4096xf32, #tpu.memory_space<vmem>>[vector<16xi32>, vector<16xi32>], vector<16xf32>, vector<16xi1>
            %broadcast_in_dim3A_316 = arith.constant 2 : i32
            %broadcast_in_dim3A_317 = vector.broadcast %broadcast_in_dim3A_316 : i32 to vector<16xi32>
            %gather3A_318 = tpu.vector_load_idx %arg7[%broadcast_in_dim3A_317, %max3A_305] masked %and3A : memref<8x3072xf32, #tpu.memory_space<vmem>>[vector<16xi32>, vector<16xi32>], vector<16xf32>, vector<16xi1>
            %broadcast_in_dim3A_319 = arith.constant 2 : i32
            %broadcast_in_dim3A_320 = vector.broadcast %broadcast_in_dim3A_319 : i32 to vector<16xi32>
            tpu.vector_store_idx %arg10[%broadcast_in_dim3A_320, %gather3A_300], %gather3A_318 masked %and3A : memref<8x4096xf32, #tpu.memory_space<vmem>>[vector<16xi32>, vector<16xi32>], vector<16xf32>, vector<16xi1>
            %broadcast_in_dim3A_321 = arith.constant 3 : i32
            %broadcast_in_dim3A_322 = vector.broadcast %broadcast_in_dim3A_321 : i32 to vector<16xi32>
            %gather3A_323 = tpu.vector_load_idx %arg7[%broadcast_in_dim3A_322, %max3A_305] masked %and3A : memref<8x3072xf32, #tpu.memory_space<vmem>>[vector<16xi32>, vector<16xi32>], vector<16xf32>, vector<16xi1>
            %broadcast_in_dim3A_324 = arith.constant 3 : i32
            %broadcast_in_dim3A_325 = vector.broadcast %broadcast_in_dim3A_324 : i32 to vector<16xi32>
            tpu.vector_store_idx %arg10[%broadcast_in_dim3A_325, %gather3A_300], %gather3A_323 masked %and3A : memref<8x4096xf32, #tpu.memory_space<vmem>>[vector<16xi32>, vector<16xi32>], vector<16xf32>, vector<16xi1>
            %broadcast_in_dim3A_326 = arith.constant 4 : i32
            %broadcast_in_dim3A_327 = vector.broadcast %broadcast_in_dim3A_326 : i32 to vector<16xi32>
            %gather3A_328 = tpu.vector_load_idx %arg7[%broadcast_in_dim3A_327, %max3A_305] masked %and3A : memref<8x3072xf32, #tpu.memory_space<vmem>>[vector<16xi32>, vector<16xi32>], vector<16xf32>, vector<16xi1>
            %broadcast_in_dim3A_329 = arith.constant 4 : i32
            %broadcast_in_dim3A_330 = vector.broadcast %broadcast_in_dim3A_329 : i32 to vector<16xi32>
            tpu.vector_store_idx %arg10[%broadcast_in_dim3A_330, %gather3A_300], %gather3A_328 masked %and3A : memref<8x4096xf32, #tpu.memory_space<vmem>>[vector<16xi32>, vector<16xi32>], vector<16xf32>, vector<16xi1>
            %broadcast_in_dim3A_331 = arith.constant 5 : i32
            %broadcast_in_dim3A_332 = vector.broadcast %broadcast_in_dim3A_331 : i32 to vector<16xi32>
            %gather3A_333 = tpu.vector_load_idx %arg7[%broadcast_in_dim3A_332, %max3A_305] masked %and3A : memref<8x3072xf32, #tpu.memory_space<vmem>>[vector<16xi32>, vector<16xi32>], vector<16xf32>, vector<16xi1>
            %broadcast_in_dim3A_334 = arith.constant 5 : i32
            %broadcast_in_dim3A_335 = vector.broadcast %broadcast_in_dim3A_334 : i32 to vector<16xi32>
            tpu.vector_store_idx %arg10[%broadcast_in_dim3A_335, %gather3A_300], %gather3A_333 masked %and3A : memref<8x4096xf32, #tpu.memory_space<vmem>>[vector<16xi32>, vector<16xi32>], vector<16xf32>, vector<16xi1>
            %broadcast_in_dim3A_336 = arith.constant 6 : i32
            %broadcast_in_dim3A_337 = vector.broadcast %broadcast_in_dim3A_336 : i32 to vector<16xi32>
            %gather3A_338 = tpu.vector_load_idx %arg7[%broadcast_in_dim3A_337, %max3A_305] masked %and3A : memref<8x3072xf32, #tpu.memory_space<vmem>>[vector<16xi32>, vector<16xi32>], vector<16xf32>, vector<16xi1>
            %broadcast_in_dim3A_339 = arith.constant 6 : i32
            %broadcast_in_dim3A_340 = vector.broadcast %broadcast_in_dim3A_339 : i32 to vector<16xi32>
            tpu.vector_store_idx %arg10[%broadcast_in_dim3A_340, %gather3A_300], %gather3A_338 masked %and3A : memref<8x4096xf32, #tpu.memory_space<vmem>>[vector<16xi32>, vector<16xi32>], vector<16xf32>, vector<16xi1>
            %broadcast_in_dim3A_341 = arith.constant 7 : i32
            %broadcast_in_dim3A_342 = vector.broadcast %broadcast_in_dim3A_341 : i32 to vector<16xi32>
            %gather3A_343 = tpu.vector_load_idx %arg7[%broadcast_in_dim3A_342, %max3A_305] masked %and3A : memref<8x3072xf32, #tpu.memory_space<vmem>>[vector<16xi32>, vector<16xi32>], vector<16xf32>, vector<16xi1>
            %broadcast_in_dim3A_344 = arith.constant 7 : i32
            %broadcast_in_dim3A_345 = vector.broadcast %broadcast_in_dim3A_344 : i32 to vector<16xi32>
            tpu.vector_store_idx %arg10[%broadcast_in_dim3A_345, %gather3A_300], %gather3A_343 masked %and3A : memref<8x4096xf32, #tpu.memory_space<vmem>>[vector<16xi32>, vector<16xi32>], vector<16xf32>, vector<16xi1>
          }
          %while3A_196 = arith.constant 1 : i32
          scf.for %while3A_292 = %while3A_194 to %while3A_190 step %while3A_196  : i32 {
            %mul3A_293 = arith.constant 16 : i32
            %mul3A_294 = arith.muli %while3A_292, %mul3A_293 : i32
            %add3A_295 = vector.broadcast %mul3A_294 : i32 to vector<16xi32>
            %add3A_296 = arith.addi %add3A_295, %iota3A : vector<16xi32>
            %ge3A = vector.broadcast %get3A_177 : i32 to vector<16xi32>
            %ge3A_297 = arith.cmpi sge, %add3A_296, %ge3A : vector<16xi32>
            %lt3A_298 = vector.broadcast %get3A_181 : i32 to vector<16xi32>
            %lt3A_299 = arith.cmpi slt, %add3A_296, %lt3A_298 : vector<16xi32>
            %and3A = arith.andi %ge3A_297, %lt3A_299 : vector<16xi1>
            %gather3A = tpu.vector_load_idx %arg11[%add3A_296] masked %and3A : memref<4096xi32, #tpu.memory_space<vmem>>[vector<16xi32>], vector<16xi32>, vector<16xi1>
            %gather3A_300 = tpu.vector_load_idx %arg12[%add3A_296] masked %and3A : memref<4096xi32, #tpu.memory_space<vmem>>[vector<16xi32>], vector<16xi32>, vector<16xi1>
            %mul3A_301 = arith.constant 3072 : i32
            %mul3A_302 = arith.muli %add3A_171, %mul3A_301 : i32
            %sub3A = vector.broadcast %mul3A_302 : i32 to vector<16xi32>
            %sub3A_303 = arith.subi %gather3A, %sub3A : vector<16xi32>
            %max3A = arith.constant 0 : i32
            %max3A_304 = vector.broadcast %max3A : i32 to vector<16xi32>
            %max3A_305 = arith.maxsi %sub3A_303, %max3A_304 : vector<16xi32>
            %broadcast_in_dim3A_306 = arith.constant 0 : i32
            %broadcast_in_dim3A_307 = vector.broadcast %broadcast_in_dim3A_306 : i32 to vector<16xi32>
            %gather3A_308 = tpu.vector_load_idx %arg7[%broadcast_in_dim3A_307, %max3A_305] masked %and3A : memref<8x3072xf32, #tpu.memory_space<vmem>>[vector<16xi32>, vector<16xi32>], vector<16xf32>, vector<16xi1>
            %broadcast_in_dim3A_309 = arith.constant 0 : i32
            %broadcast_in_dim3A_310 = vector.broadcast %broadcast_in_dim3A_309 : i32 to vector<16xi32>
            tpu.vector_store_idx %arg10[%broadcast_in_dim3A_310, %gather3A_300], %gather3A_308 masked %and3A : memref<8x4096xf32, #tpu.memory_space<vmem>>[vector<16xi32>, vector<16xi32>], vector<16xf32>, vector<16xi1>
            %broadcast_in_dim3A_311 = arith.constant 1 : i32
            %broadcast_in_dim3A_312 = vector.broadcast %broadcast_in_dim3A_311 : i32 to vector<16xi32>
            %gather3A_313 = tpu.vector_load_idx %arg7[%broadcast_in_dim3A_312, %max3A_305] masked %and3A : memref<8x3072xf32, #tpu.memory_space<vmem>>[vector<16xi32>, vector<16xi32>], vector<16xf32>, vector<16xi1>
            %broadcast_in_dim3A_314 = arith.constant 1 : i32
            %broadcast_in_dim3A_315 = vector.broadcast %broadcast_in_dim3A_314 : i32 to vector<16xi32>
            tpu.vector_store_idx %arg10[%broadcast_in_dim3A_315, %gather3A_300], %gather3A_313 masked %and3A : memref<8x4096xf32, #tpu.memory_space<vmem>>[vector<16xi32>, vector<16xi32>], vector<16xf32>, vector<16xi1>
            %broadcast_in_dim3A_316 = arith.constant 2 : i32
            %broadcast_in_dim3A_317 = vector.broadcast %broadcast_in_dim3A_316 : i32 to vector<16xi32>
            %gather3A_318 = tpu.vector_load_idx %arg7[%broadcast_in_dim3A_317, %max3A_305] masked %and3A : memref<8x3072xf32, #tpu.memory_space<vmem>>[vector<16xi32>, vector<16xi32>], vector<16xf32>, vector<16xi1>
            %broadcast_in_dim3A_319 = arith.constant 2 : i32
            %broadcast_in_dim3A_320 = vector.broadcast %broadcast_in_dim3A_319 : i32 to vector<16xi32>
            tpu.vector_store_idx %arg10[%broadcast_in_dim3A_320, %gather3A_300], %gather3A_318 masked %and3A : memref<8x4096xf32, #tpu.memory_space<vmem>>[vector<16xi32>, vector<16xi32>], vector<16xf32>, vector<16xi1>
            %broadcast_in_dim3A_321 = arith.constant 3 : i32
            %broadcast_in_dim3A_322 = vector.broadcast %broadcast_in_dim3A_321 : i32 to vector<16xi32>
            %gather3A_323 = tpu.vector_load_idx %arg7[%broadcast_in_dim3A_322, %max3A_305] masked %and3A : memref<8x3072xf32, #tpu.memory_space<vmem>>[vector<16xi32>, vector<16xi32>], vector<16xf32>, vector<16xi1>
            %broadcast_in_dim3A_324 = arith.constant 3 : i32
            %broadcast_in_dim3A_325 = vector.broadcast %broadcast_in_dim3A_324 : i32 to vector<16xi32>
            tpu.vector_store_idx %arg10[%broadcast_in_dim3A_325, %gather3A_300], %gather3A_323 masked %and3A : memref<8x4096xf32, #tpu.memory_space<vmem>>[vector<16xi32>, vector<16xi32>], vector<16xf32>, vector<16xi1>
            %broadcast_in_dim3A_326 = arith.constant 4 : i32
            %broadcast_in_dim3A_327 = vector.broadcast %broadcast_in_dim3A_326 : i32 to vector<16xi32>
            %gather3A_328 = tpu.vector_load_idx %arg7[%broadcast_in_dim3A_327, %max3A_305] masked %and3A : memref<8x3072xf32, #tpu.memory_space<vmem>>[vector<16xi32>, vector<16xi32>], vector<16xf32>, vector<16xi1>
            %broadcast_in_dim3A_329 = arith.constant 4 : i32
            %broadcast_in_dim3A_330 = vector.broadcast %broadcast_in_dim3A_329 : i32 to vector<16xi32>
            tpu.vector_store_idx %arg10[%broadcast_in_dim3A_330, %gather3A_300], %gather3A_328 masked %and3A : memref<8x4096xf32, #tpu.memory_space<vmem>>[vector<16xi32>, vector<16xi32>], vector<16xf32>, vector<16xi1>
            %broadcast_in_dim3A_331 = arith.constant 5 : i32
            %broadcast_in_dim3A_332 = vector.broadcast %broadcast_in_dim3A_331 : i32 to vector<16xi32>
            %gather3A_333 = tpu.vector_load_idx %arg7[%broadcast_in_dim3A_332, %max3A_305] masked %and3A : memref<8x3072xf32, #tpu.memory_space<vmem>>[vector<16xi32>, vector<16xi32>], vector<16xf32>, vector<16xi1>
            %broadcast_in_dim3A_334 = arith.constant 5 : i32
            %broadcast_in_dim3A_335 = vector.broadcast %broadcast_in_dim3A_334 : i32 to vector<16xi32>
            tpu.vector_store_idx %arg10[%broadcast_in_dim3A_335, %gather3A_300], %gather3A_333 masked %and3A : memref<8x4096xf32, #tpu.memory_space<vmem>>[vector<16xi32>, vector<16xi32>], vector<16xf32>, vector<16xi1>
            %broadcast_in_dim3A_336 = arith.constant 6 : i32
            %broadcast_in_dim3A_337 = vector.broadcast %broadcast_in_dim3A_336 : i32 to vector<16xi32>
            %gather3A_338 = tpu.vector_load_idx %arg7[%broadcast_in_dim3A_337, %max3A_305] masked %and3A : memref<8x3072xf32, #tpu.memory_space<vmem>>[vector<16xi32>, vector<16xi32>], vector<16xf32>, vector<16xi1>
            %broadcast_in_dim3A_339 = arith.constant 6 : i32
            %broadcast_in_dim3A_340 = vector.broadcast %broadcast_in_dim3A_339 : i32 to vector<16xi32>
            tpu.vector_store_idx %arg10[%broadcast_in_dim3A_340, %gather3A_300], %gather3A_338 masked %and3A : memref<8x4096xf32, #tpu.memory_space<vmem>>[vector<16xi32>, vector<16xi32>], vector<16xf32>, vector<16xi1>
            %broadcast_in_dim3A_341 = arith.constant 7 : i32
            %broadcast_in_dim3A_342 = vector.broadcast %broadcast_in_dim3A_341 : i32 to vector<16xi32>
            %gather3A_343 = tpu.vector_load_idx %arg7[%broadcast_in_dim3A_342, %max3A_305] masked %and3A : memref<8x3072xf32, #tpu.memory_space<vmem>>[vector<16xi32>, vector<16xi32>], vector<16xf32>, vector<16xi1>
            %broadcast_in_dim3A_344 = arith.constant 7 : i32
            %broadcast_in_dim3A_345 = vector.broadcast %broadcast_in_dim3A_344 : i32 to vector<16xi32>
            tpu.vector_store_idx %arg10[%broadcast_in_dim3A_345, %gather3A_300], %gather3A_343 masked %and3A : memref<8x4096xf32, #tpu.memory_space<vmem>>[vector<16xi32>, vector<16xi32>], vector<16xf32>, vector<16xi1>
          }
          %add3A_197 = arith.constant 3 : i32
          %add3A_198 = arith.addi %add3A_171, %add3A_197 : i32
          %lt3A_199 = arith.constant 32 : i32
          %lt3A_200 = arith.cmpi slt, %add3A_198, %lt3A_199 : i32
          %convert_element_type3A_201 = arith.extui %lt3A_200 : i1 to i32
          %cond3A_202 = arith.constant 0 : i32
          %cond3A_203 = arith.cmpi ne, %convert_element_type3A_201, %cond3A_202 : i32
          scf.if %cond3A_203 {
            %add3A_292 = arith.constant 3 : i32
            %add3A_293 = arith.addi %add3A_171, %add3A_292 : i32
            %mul3A_294 = arith.constant 3072 : i32
            %mul3A_295 = arith.muli %add3A_293, %mul3A_294 : i32
            %dma_start3A_296 = tpu.memref_slice %arg3[%mul3A_28, %mul3A_295] : memref<832x100000xf32, #tpu.memory_space<hbm>> -> memref<8x3072xf32, #tpu.memory_space<hbm>>
            %dma_start3A_297 = tpu.memref_slice %arg3[%mul3A_28, %mul3A_295] : memref<832x100000xf32, #tpu.memory_space<hbm>> -> memref<8x3072xf32, #tpu.memory_space<hbm>>
            tpu.enqueue_dma source(%dma_start3A_297 : memref<8x3072xf32, #tpu.memory_space<hbm>>) target(%arg7 : memref<8x3072xf32, #tpu.memory_space<vmem>>) target_semaphore(%arg23 : memref<!tpu.dma_semaphore, #tpu.memory_space<semaphore_mem>>)
          } else {
          }
          %add3A_204 = arith.constant 3 : i32
          %add3A_205 = arith.addi %add3A_171, %add3A_204 : i32
          %eq3A = arith.constant 32 : i32
          %eq3A_206 = arith.cmpi eq, %add3A_205, %eq3A : i32
          %convert_element_type3A_207 = arith.extui %eq3A_206 : i1 to i32
          %cond3A_208 = arith.constant 0 : i32
          %cond3A_209 = arith.cmpi ne, %convert_element_type3A_207, %cond3A_208 : i32
          scf.if %cond3A_209 {
            %dma_start3A_292 = arith.constant 0 : i32
            %dma_start3A_293 = arith.constant 0 : i32
            %dma_start3A_294 = tpu.memref_slice %arg7[%dma_start3A_292, %dma_start3A_293] : memref<8x3072xf32, #tpu.memory_space<vmem>> -> memref<8x1664xf32, #tpu.memory_space<vmem>>
            %dma_start3A_295 = arith.constant 98304 : i32
            %dma_start3A_296 = tpu.memref_slice %arg3[%mul3A_28, %dma_start3A_295] : memref<832x100000xf32, #tpu.memory_space<hbm>> -> memref<8x1664xf32, #tpu.memory_space<hbm>>
            %dma_start3A_297 = arith.constant 0 : i32
            %dma_start3A_298 = arith.constant 0 : i32
            %dma_start3A_299 = tpu.memref_slice %arg7[%dma_start3A_297, %dma_start3A_298] : memref<8x3072xf32, #tpu.memory_space<vmem>> -> memref<8x1664xf32, #tpu.memory_space<vmem>>
            %dma_start3A_300 = arith.constant 98304 : i32
            %dma_start3A_301 = tpu.memref_slice %arg3[%mul3A_28, %dma_start3A_300] : memref<832x100000xf32, #tpu.memory_space<hbm>> -> memref<8x1664xf32, #tpu.memory_space<hbm>>
            tpu.enqueue_dma source(%dma_start3A_301 : memref<8x1664xf32, #tpu.memory_space<hbm>>) target(%dma_start3A_299 : memref<8x1664xf32, #tpu.memory_space<vmem>>) target_semaphore(%arg23 : memref<!tpu.dma_semaphore, #tpu.memory_space<semaphore_mem>>)
          } else {
          }
          %add3A_210 = arith.constant 1 : i32
          %add3A_211 = arith.addi %mul3A_169, %add3A_210 : i32
          %mul3A_212 = arith.constant 3072 : i32
          %mul3A_213 = arith.muli %add3A_211, %mul3A_212 : i32
          %dma_wait3A_214 = tpu.memref_slice %arg3[%mul3A_28, %mul3A_213] : memref<832x100000xf32, #tpu.memory_space<hbm>> -> memref<8x3072xf32, #tpu.memory_space<hbm>>
          %dma_wait3A_215 = tpu.memref_slice %arg3[%mul3A_28, %mul3A_213] : memref<832x100000xf32, #tpu.memory_space<hbm>> -> memref<8x3072xf32, #tpu.memory_space<hbm>>
          tpu.wait_dma2 semaphore(%arg24 : memref<!tpu.dma_semaphore, #tpu.memory_space<semaphore_mem>>) src(%dma_wait3A_215 : memref<8x3072xf32, #tpu.memory_space<hbm>>) dst(%arg8 : memref<8x3072xf32, #tpu.memory_space<vmem>>)
          %get3A_216 = arith.index_cast %add3A_211 : i32 to index
          %get3A_217 = memref.load %arg22[%get3A_216] : memref<34xi32, #tpu.memory_space<smem>>
          %add3A_218 = arith.constant 1 : i32
          %add3A_219 = arith.addi %add3A_211, %add3A_218 : i32
          %get3A_220 = arith.index_cast %add3A_219 : i32 to index
          %get3A_221 = memref.load %arg22[%get3A_220] : memref<34xi32, #tpu.memory_space<smem>>
          %shift_right_arithmetic3A_222 = arith.constant 4 : i32
          %shift_right_arithmetic3A_223 = arith.shrsi %get3A_217, %shift_right_arithmetic3A_222 : i32
          %add3A_224 = arith.constant 15 : i32
          %add3A_225 = arith.addi %get3A_221, %add3A_224 : i32
          %shift_right_arithmetic3A_226 = arith.constant 4 : i32
          %shift_right_arithmetic3A_227 = arith.shrsi %add3A_225, %shift_right_arithmetic3A_226 : i32
          %while3A_228 = arith.constant 0 : i32
          %while3A_229 = arith.subi %shift_right_arithmetic3A_227, %shift_right_arithmetic3A_223 : i32
          %while3A_230 = arith.addi %shift_right_arithmetic3A_223, %while3A_229 : i32
          %while3A_231 = arith.constant 1 : i32
          %while3A_232 = arith.divsi %while3A_229, %while3A_231 : i32
          %while3A_233 = arith.muli %while3A_232, %while3A_231 : i32
          %while3A_234 = arith.addi %shift_right_arithmetic3A_223, %while3A_233 : i32
          %while3A_235 = arith.constant 1 : i32
          scf.for %while3A_292 = %shift_right_arithmetic3A_223 to %while3A_234 step %while3A_235  : i32 {
            %mul3A_293 = arith.constant 16 : i32
            %mul3A_294 = arith.muli %while3A_292, %mul3A_293 : i32
            %add3A_295 = vector.broadcast %mul3A_294 : i32 to vector<16xi32>
            %add3A_296 = arith.addi %add3A_295, %iota3A : vector<16xi32>
            %ge3A = vector.broadcast %get3A_217 : i32 to vector<16xi32>
            %ge3A_297 = arith.cmpi sge, %add3A_296, %ge3A : vector<16xi32>
            %lt3A_298 = vector.broadcast %get3A_221 : i32 to vector<16xi32>
            %lt3A_299 = arith.cmpi slt, %add3A_296, %lt3A_298 : vector<16xi32>
            %and3A = arith.andi %ge3A_297, %lt3A_299 : vector<16xi1>
            %gather3A = tpu.vector_load_idx %arg11[%add3A_296] masked %and3A : memref<4096xi32, #tpu.memory_space<vmem>>[vector<16xi32>], vector<16xi32>, vector<16xi1>
            %gather3A_300 = tpu.vector_load_idx %arg12[%add3A_296] masked %and3A : memref<4096xi32, #tpu.memory_space<vmem>>[vector<16xi32>], vector<16xi32>, vector<16xi1>
            %mul3A_301 = arith.constant 3072 : i32
            %mul3A_302 = arith.muli %add3A_211, %mul3A_301 : i32
            %sub3A = vector.broadcast %mul3A_302 : i32 to vector<16xi32>
            %sub3A_303 = arith.subi %gather3A, %sub3A : vector<16xi32>
            %max3A = arith.constant 0 : i32
            %max3A_304 = vector.broadcast %max3A : i32 to vector<16xi32>
            %max3A_305 = arith.maxsi %sub3A_303, %max3A_304 : vector<16xi32>
            %broadcast_in_dim3A_306 = arith.constant 0 : i32
            %broadcast_in_dim3A_307 = vector.broadcast %broadcast_in_dim3A_306 : i32 to vector<16xi32>
            %gather3A_308 = tpu.vector_load_idx %arg8[%broadcast_in_dim3A_307, %max3A_305] masked %and3A : memref<8x3072xf32, #tpu.memory_space<vmem>>[vector<16xi32>, vector<16xi32>], vector<16xf32>, vector<16xi1>
            %broadcast_in_dim3A_309 = arith.constant 0 : i32
            %broadcast_in_dim3A_310 = vector.broadcast %broadcast_in_dim3A_309 : i32 to vector<16xi32>
            tpu.vector_store_idx %arg10[%broadcast_in_dim3A_310, %gather3A_300], %gather3A_308 masked %and3A : memref<8x4096xf32, #tpu.memory_space<vmem>>[vector<16xi32>, vector<16xi32>], vector<16xf32>, vector<16xi1>
            %broadcast_in_dim3A_311 = arith.constant 1 : i32
            %broadcast_in_dim3A_312 = vector.broadcast %broadcast_in_dim3A_311 : i32 to vector<16xi32>
            %gather3A_313 = tpu.vector_load_idx %arg8[%broadcast_in_dim3A_312, %max3A_305] masked %and3A : memref<8x3072xf32, #tpu.memory_space<vmem>>[vector<16xi32>, vector<16xi32>], vector<16xf32>, vector<16xi1>
            %broadcast_in_dim3A_314 = arith.constant 1 : i32
            %broadcast_in_dim3A_315 = vector.broadcast %broadcast_in_dim3A_314 : i32 to vector<16xi32>
            tpu.vector_store_idx %arg10[%broadcast_in_dim3A_315, %gather3A_300], %gather3A_313 masked %and3A : memref<8x4096xf32, #tpu.memory_space<vmem>>[vector<16xi32>, vector<16xi32>], vector<16xf32>, vector<16xi1>
            %broadcast_in_dim3A_316 = arith.constant 2 : i32
            %broadcast_in_dim3A_317 = vector.broadcast %broadcast_in_dim3A_316 : i32 to vector<16xi32>
            %gather3A_318 = tpu.vector_load_idx %arg8[%broadcast_in_dim3A_317, %max3A_305] masked %and3A : memref<8x3072xf32, #tpu.memory_space<vmem>>[vector<16xi32>, vector<16xi32>], vector<16xf32>, vector<16xi1>
            %broadcast_in_dim3A_319 = arith.constant 2 : i32
            %broadcast_in_dim3A_320 = vector.broadcast %broadcast_in_dim3A_319 : i32 to vector<16xi32>
            tpu.vector_store_idx %arg10[%broadcast_in_dim3A_320, %gather3A_300], %gather3A_318 masked %and3A : memref<8x4096xf32, #tpu.memory_space<vmem>>[vector<16xi32>, vector<16xi32>], vector<16xf32>, vector<16xi1>
            %broadcast_in_dim3A_321 = arith.constant 3 : i32
            %broadcast_in_dim3A_322 = vector.broadcast %broadcast_in_dim3A_321 : i32 to vector<16xi32>
            %gather3A_323 = tpu.vector_load_idx %arg8[%broadcast_in_dim3A_322, %max3A_305] masked %and3A : memref<8x3072xf32, #tpu.memory_space<vmem>>[vector<16xi32>, vector<16xi32>], vector<16xf32>, vector<16xi1>
            %broadcast_in_dim3A_324 = arith.constant 3 : i32
            %broadcast_in_dim3A_325 = vector.broadcast %broadcast_in_dim3A_324 : i32 to vector<16xi32>
            tpu.vector_store_idx %arg10[%broadcast_in_dim3A_325, %gather3A_300], %gather3A_323 masked %and3A : memref<8x4096xf32, #tpu.memory_space<vmem>>[vector<16xi32>, vector<16xi32>], vector<16xf32>, vector<16xi1>
            %broadcast_in_dim3A_326 = arith.constant 4 : i32
            %broadcast_in_dim3A_327 = vector.broadcast %broadcast_in_dim3A_326 : i32 to vector<16xi32>
            %gather3A_328 = tpu.vector_load_idx %arg8[%broadcast_in_dim3A_327, %max3A_305] masked %and3A : memref<8x3072xf32, #tpu.memory_space<vmem>>[vector<16xi32>, vector<16xi32>], vector<16xf32>, vector<16xi1>
            %broadcast_in_dim3A_329 = arith.constant 4 : i32
            %broadcast_in_dim3A_330 = vector.broadcast %broadcast_in_dim3A_329 : i32 to vector<16xi32>
            tpu.vector_store_idx %arg10[%broadcast_in_dim3A_330, %gather3A_300], %gather3A_328 masked %and3A : memref<8x4096xf32, #tpu.memory_space<vmem>>[vector<16xi32>, vector<16xi32>], vector<16xf32>, vector<16xi1>
            %broadcast_in_dim3A_331 = arith.constant 5 : i32
            %broadcast_in_dim3A_332 = vector.broadcast %broadcast_in_dim3A_331 : i32 to vector<16xi32>
            %gather3A_333 = tpu.vector_load_idx %arg8[%broadcast_in_dim3A_332, %max3A_305] masked %and3A : memref<8x3072xf32, #tpu.memory_space<vmem>>[vector<16xi32>, vector<16xi32>], vector<16xf32>, vector<16xi1>
            %broadcast_in_dim3A_334 = arith.constant 5 : i32
            %broadcast_in_dim3A_335 = vector.broadcast %broadcast_in_dim3A_334 : i32 to vector<16xi32>
            tpu.vector_store_idx %arg10[%broadcast_in_dim3A_335, %gather3A_300], %gather3A_333 masked %and3A : memref<8x4096xf32, #tpu.memory_space<vmem>>[vector<16xi32>, vector<16xi32>], vector<16xf32>, vector<16xi1>
            %broadcast_in_dim3A_336 = arith.constant 6 : i32
            %broadcast_in_dim3A_337 = vector.broadcast %broadcast_in_dim3A_336 : i32 to vector<16xi32>
            %gather3A_338 = tpu.vector_load_idx %arg8[%broadcast_in_dim3A_337, %max3A_305] masked %and3A : memref<8x3072xf32, #tpu.memory_space<vmem>>[vector<16xi32>, vector<16xi32>], vector<16xf32>, vector<16xi1>
            %broadcast_in_dim3A_339 = arith.constant 6 : i32
            %broadcast_in_dim3A_340 = vector.broadcast %broadcast_in_dim3A_339 : i32 to vector<16xi32>
            tpu.vector_store_idx %arg10[%broadcast_in_dim3A_340, %gather3A_300], %gather3A_338 masked %and3A : memref<8x4096xf32, #tpu.memory_space<vmem>>[vector<16xi32>, vector<16xi32>], vector<16xf32>, vector<16xi1>
            %broadcast_in_dim3A_341 = arith.constant 7 : i32
            %broadcast_in_dim3A_342 = vector.broadcast %broadcast_in_dim3A_341 : i32 to vector<16xi32>
            %gather3A_343 = tpu.vector_load_idx %arg8[%broadcast_in_dim3A_342, %max3A_305] masked %and3A : memref<8x3072xf32, #tpu.memory_space<vmem>>[vector<16xi32>, vector<16xi32>], vector<16xf32>, vector<16xi1>
            %broadcast_in_dim3A_344 = arith.constant 7 : i32
            %broadcast_in_dim3A_345 = vector.broadcast %broadcast_in_dim3A_344 : i32 to vector<16xi32>
            tpu.vector_store_idx %arg10[%broadcast_in_dim3A_345, %gather3A_300], %gather3A_343 masked %and3A : memref<8x4096xf32, #tpu.memory_space<vmem>>[vector<16xi32>, vector<16xi32>], vector<16xf32>, vector<16xi1>
          }
          %while3A_236 = arith.constant 1 : i32
          scf.for %while3A_292 = %while3A_234 to %while3A_230 step %while3A_236  : i32 {
            %mul3A_293 = arith.constant 16 : i32
            %mul3A_294 = arith.muli %while3A_292, %mul3A_293 : i32
            %add3A_295 = vector.broadcast %mul3A_294 : i32 to vector<16xi32>
            %add3A_296 = arith.addi %add3A_295, %iota3A : vector<16xi32>
            %ge3A = vector.broadcast %get3A_217 : i32 to vector<16xi32>
            %ge3A_297 = arith.cmpi sge, %add3A_296, %ge3A : vector<16xi32>
            %lt3A_298 = vector.broadcast %get3A_221 : i32 to vector<16xi32>
            %lt3A_299 = arith.cmpi slt, %add3A_296, %lt3A_298 : vector<16xi32>
            %and3A = arith.andi %ge3A_297, %lt3A_299 : vector<16xi1>
            %gather3A = tpu.vector_load_idx %arg11[%add3A_296] masked %and3A : memref<4096xi32, #tpu.memory_space<vmem>>[vector<16xi32>], vector<16xi32>, vector<16xi1>
            %gather3A_300 = tpu.vector_load_idx %arg12[%add3A_296] masked %and3A : memref<4096xi32, #tpu.memory_space<vmem>>[vector<16xi32>], vector<16xi32>, vector<16xi1>
            %mul3A_301 = arith.constant 3072 : i32
            %mul3A_302 = arith.muli %add3A_211, %mul3A_301 : i32
            %sub3A = vector.broadcast %mul3A_302 : i32 to vector<16xi32>
            %sub3A_303 = arith.subi %gather3A, %sub3A : vector<16xi32>
            %max3A = arith.constant 0 : i32
            %max3A_304 = vector.broadcast %max3A : i32 to vector<16xi32>
            %max3A_305 = arith.maxsi %sub3A_303, %max3A_304 : vector<16xi32>
            %broadcast_in_dim3A_306 = arith.constant 0 : i32
            %broadcast_in_dim3A_307 = vector.broadcast %broadcast_in_dim3A_306 : i32 to vector<16xi32>
            %gather3A_308 = tpu.vector_load_idx %arg8[%broadcast_in_dim3A_307, %max3A_305] masked %and3A : memref<8x3072xf32, #tpu.memory_space<vmem>>[vector<16xi32>, vector<16xi32>], vector<16xf32>, vector<16xi1>
            %broadcast_in_dim3A_309 = arith.constant 0 : i32
            %broadcast_in_dim3A_310 = vector.broadcast %broadcast_in_dim3A_309 : i32 to vector<16xi32>
            tpu.vector_store_idx %arg10[%broadcast_in_dim3A_310, %gather3A_300], %gather3A_308 masked %and3A : memref<8x4096xf32, #tpu.memory_space<vmem>>[vector<16xi32>, vector<16xi32>], vector<16xf32>, vector<16xi1>
            %broadcast_in_dim3A_311 = arith.constant 1 : i32
            %broadcast_in_dim3A_312 = vector.broadcast %broadcast_in_dim3A_311 : i32 to vector<16xi32>
            %gather3A_313 = tpu.vector_load_idx %arg8[%broadcast_in_dim3A_312, %max3A_305] masked %and3A : memref<8x3072xf32, #tpu.memory_space<vmem>>[vector<16xi32>, vector<16xi32>], vector<16xf32>, vector<16xi1>
            %broadcast_in_dim3A_314 = arith.constant 1 : i32
            %broadcast_in_dim3A_315 = vector.broadcast %broadcast_in_dim3A_314 : i32 to vector<16xi32>
            tpu.vector_store_idx %arg10[%broadcast_in_dim3A_315, %gather3A_300], %gather3A_313 masked %and3A : memref<8x4096xf32, #tpu.memory_space<vmem>>[vector<16xi32>, vector<16xi32>], vector<16xf32>, vector<16xi1>
            %broadcast_in_dim3A_316 = arith.constant 2 : i32
            %broadcast_in_dim3A_317 = vector.broadcast %broadcast_in_dim3A_316 : i32 to vector<16xi32>
            %gather3A_318 = tpu.vector_load_idx %arg8[%broadcast_in_dim3A_317, %max3A_305] masked %and3A : memref<8x3072xf32, #tpu.memory_space<vmem>>[vector<16xi32>, vector<16xi32>], vector<16xf32>, vector<16xi1>
            %broadcast_in_dim3A_319 = arith.constant 2 : i32
            %broadcast_in_dim3A_320 = vector.broadcast %broadcast_in_dim3A_319 : i32 to vector<16xi32>
            tpu.vector_store_idx %arg10[%broadcast_in_dim3A_320, %gather3A_300], %gather3A_318 masked %and3A : memref<8x4096xf32, #tpu.memory_space<vmem>>[vector<16xi32>, vector<16xi32>], vector<16xf32>, vector<16xi1>
            %broadcast_in_dim3A_321 = arith.constant 3 : i32
            %broadcast_in_dim3A_322 = vector.broadcast %broadcast_in_dim3A_321 : i32 to vector<16xi32>
            %gather3A_323 = tpu.vector_load_idx %arg8[%broadcast_in_dim3A_322, %max3A_305] masked %and3A : memref<8x3072xf32, #tpu.memory_space<vmem>>[vector<16xi32>, vector<16xi32>], vector<16xf32>, vector<16xi1>
            %broadcast_in_dim3A_324 = arith.constant 3 : i32
            %broadcast_in_dim3A_325 = vector.broadcast %broadcast_in_dim3A_324 : i32 to vector<16xi32>
            tpu.vector_store_idx %arg10[%broadcast_in_dim3A_325, %gather3A_300], %gather3A_323 masked %and3A : memref<8x4096xf32, #tpu.memory_space<vmem>>[vector<16xi32>, vector<16xi32>], vector<16xf32>, vector<16xi1>
            %broadcast_in_dim3A_326 = arith.constant 4 : i32
            %broadcast_in_dim3A_327 = vector.broadcast %broadcast_in_dim3A_326 : i32 to vector<16xi32>
            %gather3A_328 = tpu.vector_load_idx %arg8[%broadcast_in_dim3A_327, %max3A_305] masked %and3A : memref<8x3072xf32, #tpu.memory_space<vmem>>[vector<16xi32>, vector<16xi32>], vector<16xf32>, vector<16xi1>
            %broadcast_in_dim3A_329 = arith.constant 4 : i32
            %broadcast_in_dim3A_330 = vector.broadcast %broadcast_in_dim3A_329 : i32 to vector<16xi32>
            tpu.vector_store_idx %arg10[%broadcast_in_dim3A_330, %gather3A_300], %gather3A_328 masked %and3A : memref<8x4096xf32, #tpu.memory_space<vmem>>[vector<16xi32>, vector<16xi32>], vector<16xf32>, vector<16xi1>
            %broadcast_in_dim3A_331 = arith.constant 5 : i32
            %broadcast_in_dim3A_332 = vector.broadcast %broadcast_in_dim3A_331 : i32 to vector<16xi32>
            %gather3A_333 = tpu.vector_load_idx %arg8[%broadcast_in_dim3A_332, %max3A_305] masked %and3A : memref<8x3072xf32, #tpu.memory_space<vmem>>[vector<16xi32>, vector<16xi32>], vector<16xf32>, vector<16xi1>
            %broadcast_in_dim3A_334 = arith.constant 5 : i32
            %broadcast_in_dim3A_335 = vector.broadcast %broadcast_in_dim3A_334 : i32 to vector<16xi32>
            tpu.vector_store_idx %arg10[%broadcast_in_dim3A_335, %gather3A_300], %gather3A_333 masked %and3A : memref<8x4096xf32, #tpu.memory_space<vmem>>[vector<16xi32>, vector<16xi32>], vector<16xf32>, vector<16xi1>
            %broadcast_in_dim3A_336 = arith.constant 6 : i32
            %broadcast_in_dim3A_337 = vector.broadcast %broadcast_in_dim3A_336 : i32 to vector<16xi32>
            %gather3A_338 = tpu.vector_load_idx %arg8[%broadcast_in_dim3A_337, %max3A_305] masked %and3A : memref<8x3072xf32, #tpu.memory_space<vmem>>[vector<16xi32>, vector<16xi32>], vector<16xf32>, vector<16xi1>
            %broadcast_in_dim3A_339 = arith.constant 6 : i32
            %broadcast_in_dim3A_340 = vector.broadcast %broadcast_in_dim3A_339 : i32 to vector<16xi32>
            tpu.vector_store_idx %arg10[%broadcast_in_dim3A_340, %gather3A_300], %gather3A_338 masked %and3A : memref<8x4096xf32, #tpu.memory_space<vmem>>[vector<16xi32>, vector<16xi32>], vector<16xf32>, vector<16xi1>
            %broadcast_in_dim3A_341 = arith.constant 7 : i32
            %broadcast_in_dim3A_342 = vector.broadcast %broadcast_in_dim3A_341 : i32 to vector<16xi32>
            %gather3A_343 = tpu.vector_load_idx %arg8[%broadcast_in_dim3A_342, %max3A_305] masked %and3A : memref<8x3072xf32, #tpu.memory_space<vmem>>[vector<16xi32>, vector<16xi32>], vector<16xf32>, vector<16xi1>
            %broadcast_in_dim3A_344 = arith.constant 7 : i32
            %broadcast_in_dim3A_345 = vector.broadcast %broadcast_in_dim3A_344 : i32 to vector<16xi32>
            tpu.vector_store_idx %arg10[%broadcast_in_dim3A_345, %gather3A_300], %gather3A_343 masked %and3A : memref<8x4096xf32, #tpu.memory_space<vmem>>[vector<16xi32>, vector<16xi32>], vector<16xf32>, vector<16xi1>
          }
          %add3A_237 = arith.constant 3 : i32
          %add3A_238 = arith.addi %add3A_211, %add3A_237 : i32
          %lt3A_239 = arith.constant 32 : i32
          %lt3A_240 = arith.cmpi slt, %add3A_238, %lt3A_239 : i32
          %convert_element_type3A_241 = arith.extui %lt3A_240 : i1 to i32
          %cond3A_242 = arith.constant 0 : i32
          %cond3A_243 = arith.cmpi ne, %convert_element_type3A_241, %cond3A_242 : i32
          scf.if %cond3A_243 {
            %add3A_292 = arith.constant 3 : i32
            %add3A_293 = arith.addi %add3A_211, %add3A_292 : i32
            %mul3A_294 = arith.constant 3072 : i32
            %mul3A_295 = arith.muli %add3A_293, %mul3A_294 : i32
            %dma_start3A_296 = tpu.memref_slice %arg3[%mul3A_28, %mul3A_295] : memref<832x100000xf32, #tpu.memory_space<hbm>> -> memref<8x3072xf32, #tpu.memory_space<hbm>>
            %dma_start3A_297 = tpu.memref_slice %arg3[%mul3A_28, %mul3A_295] : memref<832x100000xf32, #tpu.memory_space<hbm>> -> memref<8x3072xf32, #tpu.memory_space<hbm>>
            tpu.enqueue_dma source(%dma_start3A_297 : memref<8x3072xf32, #tpu.memory_space<hbm>>) target(%arg8 : memref<8x3072xf32, #tpu.memory_space<vmem>>) target_semaphore(%arg24 : memref<!tpu.dma_semaphore, #tpu.memory_space<semaphore_mem>>)
          } else {
          }
          %add3A_244 = arith.constant 3 : i32
          %add3A_245 = arith.addi %add3A_211, %add3A_244 : i32
          %eq3A_246 = arith.constant 32 : i32
          %eq3A_247 = arith.cmpi eq, %add3A_245, %eq3A_246 : i32
          %convert_element_type3A_248 = arith.extui %eq3A_247 : i1 to i32
          %cond3A_249 = arith.constant 0 : i32
          %cond3A_250 = arith.cmpi ne, %convert_element_type3A_248, %cond3A_249 : i32
          scf.if %cond3A_250 {
            %dma_start3A_292 = arith.constant 0 : i32
            %dma_start3A_293 = arith.constant 0 : i32
            %dma_start3A_294 = tpu.memref_slice %arg8[%dma_start3A_292, %dma_start3A_293] : memref<8x3072xf32, #tpu.memory_space<vmem>> -> memref<8x1664xf32, #tpu.memory_space<vmem>>
            %dma_start3A_295 = arith.constant 98304 : i32
            %dma_start3A_296 = tpu.memref_slice %arg3[%mul3A_28, %dma_start3A_295] : memref<832x100000xf32, #tpu.memory_space<hbm>> -> memref<8x1664xf32, #tpu.memory_space<hbm>>
            %dma_start3A_297 = arith.constant 0 : i32
            %dma_start3A_298 = arith.constant 0 : i32
            %dma_start3A_299 = tpu.memref_slice %arg8[%dma_start3A_297, %dma_start3A_298] : memref<8x3072xf32, #tpu.memory_space<vmem>> -> memref<8x1664xf32, #tpu.memory_space<vmem>>
            %dma_start3A_300 = arith.constant 98304 : i32
            %dma_start3A_301 = tpu.memref_slice %arg3[%mul3A_28, %dma_start3A_300] : memref<832x100000xf32, #tpu.memory_space<hbm>> -> memref<8x1664xf32, #tpu.memory_space<hbm>>
            tpu.enqueue_dma source(%dma_start3A_301 : memref<8x1664xf32, #tpu.memory_space<hbm>>) target(%dma_start3A_299 : memref<8x1664xf32, #tpu.memory_space<vmem>>) target_semaphore(%arg24 : memref<!tpu.dma_semaphore, #tpu.memory_space<semaphore_mem>>)
          } else {
          }
          %add3A_251 = arith.constant 2 : i32
          %add3A_252 = arith.addi %mul3A_169, %add3A_251 : i32
          %mul3A_253 = arith.constant 3072 : i32
          %mul3A_254 = arith.muli %add3A_252, %mul3A_253 : i32
          %dma_wait3A_255 = tpu.memref_slice %arg3[%mul3A_28, %mul3A_254] : memref<832x100000xf32, #tpu.memory_space<hbm>> -> memref<8x3072xf32, #tpu.memory_space<hbm>>
          %dma_wait3A_256 = tpu.memref_slice %arg3[%mul3A_28, %mul3A_254] : memref<832x100000xf32, #tpu.memory_space<hbm>> -> memref<8x3072xf32, #tpu.memory_space<hbm>>
          tpu.wait_dma2 semaphore(%arg25 : memref<!tpu.dma_semaphore, #tpu.memory_space<semaphore_mem>>) src(%dma_wait3A_256 : memref<8x3072xf32, #tpu.memory_space<hbm>>) dst(%arg9 : memref<8x3072xf32, #tpu.memory_space<vmem>>)
          %get3A_257 = arith.index_cast %add3A_252 : i32 to index
          %get3A_258 = memref.load %arg22[%get3A_257] : memref<34xi32, #tpu.memory_space<smem>>
          %add3A_259 = arith.constant 1 : i32
          %add3A_260 = arith.addi %add3A_252, %add3A_259 : i32
          %get3A_261 = arith.index_cast %add3A_260 : i32 to index
          %get3A_262 = memref.load %arg22[%get3A_261] : memref<34xi32, #tpu.memory_space<smem>>
          %shift_right_arithmetic3A_263 = arith.constant 4 : i32
          %shift_right_arithmetic3A_264 = arith.shrsi %get3A_258, %shift_right_arithmetic3A_263 : i32
          %add3A_265 = arith.constant 15 : i32
          %add3A_266 = arith.addi %get3A_262, %add3A_265 : i32
          %shift_right_arithmetic3A_267 = arith.constant 4 : i32
          %shift_right_arithmetic3A_268 = arith.shrsi %add3A_266, %shift_right_arithmetic3A_267 : i32
          %while3A_269 = arith.constant 0 : i32
          %while3A_270 = arith.subi %shift_right_arithmetic3A_268, %shift_right_arithmetic3A_264 : i32
          %while3A_271 = arith.addi %shift_right_arithmetic3A_264, %while3A_270 : i32
          %while3A_272 = arith.constant 1 : i32
          %while3A_273 = arith.divsi %while3A_270, %while3A_272 : i32
          %while3A_274 = arith.muli %while3A_273, %while3A_272 : i32
          %while3A_275 = arith.addi %shift_right_arithmetic3A_264, %while3A_274 : i32
          %while3A_276 = arith.constant 1 : i32
          scf.for %while3A_292 = %shift_right_arithmetic3A_264 to %while3A_275 step %while3A_276  : i32 {
            %mul3A_293 = arith.constant 16 : i32
            %mul3A_294 = arith.muli %while3A_292, %mul3A_293 : i32
            %add3A_295 = vector.broadcast %mul3A_294 : i32 to vector<16xi32>
            %add3A_296 = arith.addi %add3A_295, %iota3A : vector<16xi32>
            %ge3A = vector.broadcast %get3A_258 : i32 to vector<16xi32>
            %ge3A_297 = arith.cmpi sge, %add3A_296, %ge3A : vector<16xi32>
            %lt3A_298 = vector.broadcast %get3A_262 : i32 to vector<16xi32>
            %lt3A_299 = arith.cmpi slt, %add3A_296, %lt3A_298 : vector<16xi32>
            %and3A = arith.andi %ge3A_297, %lt3A_299 : vector<16xi1>
            %gather3A = tpu.vector_load_idx %arg11[%add3A_296] masked %and3A : memref<4096xi32, #tpu.memory_space<vmem>>[vector<16xi32>], vector<16xi32>, vector<16xi1>
            %gather3A_300 = tpu.vector_load_idx %arg12[%add3A_296] masked %and3A : memref<4096xi32, #tpu.memory_space<vmem>>[vector<16xi32>], vector<16xi32>, vector<16xi1>
            %mul3A_301 = arith.constant 3072 : i32
            %mul3A_302 = arith.muli %add3A_252, %mul3A_301 : i32
            %sub3A = vector.broadcast %mul3A_302 : i32 to vector<16xi32>
            %sub3A_303 = arith.subi %gather3A, %sub3A : vector<16xi32>
            %max3A = arith.constant 0 : i32
            %max3A_304 = vector.broadcast %max3A : i32 to vector<16xi32>
            %max3A_305 = arith.maxsi %sub3A_303, %max3A_304 : vector<16xi32>
            %broadcast_in_dim3A_306 = arith.constant 0 : i32
            %broadcast_in_dim3A_307 = vector.broadcast %broadcast_in_dim3A_306 : i32 to vector<16xi32>
            %gather3A_308 = tpu.vector_load_idx %arg9[%broadcast_in_dim3A_307, %max3A_305] masked %and3A : memref<8x3072xf32, #tpu.memory_space<vmem>>[vector<16xi32>, vector<16xi32>], vector<16xf32>, vector<16xi1>
            %broadcast_in_dim3A_309 = arith.constant 0 : i32
            %broadcast_in_dim3A_310 = vector.broadcast %broadcast_in_dim3A_309 : i32 to vector<16xi32>
            tpu.vector_store_idx %arg10[%broadcast_in_dim3A_310, %gather3A_300], %gather3A_308 masked %and3A : memref<8x4096xf32, #tpu.memory_space<vmem>>[vector<16xi32>, vector<16xi32>], vector<16xf32>, vector<16xi1>
            %broadcast_in_dim3A_311 = arith.constant 1 : i32
            %broadcast_in_dim3A_312 = vector.broadcast %broadcast_in_dim3A_311 : i32 to vector<16xi32>
            %gather3A_313 = tpu.vector_load_idx %arg9[%broadcast_in_dim3A_312, %max3A_305] masked %and3A : memref<8x3072xf32, #tpu.memory_space<vmem>>[vector<16xi32>, vector<16xi32>], vector<16xf32>, vector<16xi1>
            %broadcast_in_dim3A_314 = arith.constant 1 : i32
            %broadcast_in_dim3A_315 = vector.broadcast %broadcast_in_dim3A_314 : i32 to vector<16xi32>
            tpu.vector_store_idx %arg10[%broadcast_in_dim3A_315, %gather3A_300], %gather3A_313 masked %and3A : memref<8x4096xf32, #tpu.memory_space<vmem>>[vector<16xi32>, vector<16xi32>], vector<16xf32>, vector<16xi1>
            %broadcast_in_dim3A_316 = arith.constant 2 : i32
            %broadcast_in_dim3A_317 = vector.broadcast %broadcast_in_dim3A_316 : i32 to vector<16xi32>
            %gather3A_318 = tpu.vector_load_idx %arg9[%broadcast_in_dim3A_317, %max3A_305] masked %and3A : memref<8x3072xf32, #tpu.memory_space<vmem>>[vector<16xi32>, vector<16xi32>], vector<16xf32>, vector<16xi1>
            %broadcast_in_dim3A_319 = arith.constant 2 : i32
            %broadcast_in_dim3A_320 = vector.broadcast %broadcast_in_dim3A_319 : i32 to vector<16xi32>
            tpu.vector_store_idx %arg10[%broadcast_in_dim3A_320, %gather3A_300], %gather3A_318 masked %and3A : memref<8x4096xf32, #tpu.memory_space<vmem>>[vector<16xi32>, vector<16xi32>], vector<16xf32>, vector<16xi1>
            %broadcast_in_dim3A_321 = arith.constant 3 : i32
            %broadcast_in_dim3A_322 = vector.broadcast %broadcast_in_dim3A_321 : i32 to vector<16xi32>
            %gather3A_323 = tpu.vector_load_idx %arg9[%broadcast_in_dim3A_322, %max3A_305] masked %and3A : memref<8x3072xf32, #tpu.memory_space<vmem>>[vector<16xi32>, vector<16xi32>], vector<16xf32>, vector<16xi1>
            %broadcast_in_dim3A_324 = arith.constant 3 : i32
            %broadcast_in_dim3A_325 = vector.broadcast %broadcast_in_dim3A_324 : i32 to vector<16xi32>
            tpu.vector_store_idx %arg10[%broadcast_in_dim3A_325, %gather3A_300], %gather3A_323 masked %and3A : memref<8x4096xf32, #tpu.memory_space<vmem>>[vector<16xi32>, vector<16xi32>], vector<16xf32>, vector<16xi1>
            %broadcast_in_dim3A_326 = arith.constant 4 : i32
            %broadcast_in_dim3A_327 = vector.broadcast %broadcast_in_dim3A_326 : i32 to vector<16xi32>
            %gather3A_328 = tpu.vector_load_idx %arg9[%broadcast_in_dim3A_327, %max3A_305] masked %and3A : memref<8x3072xf32, #tpu.memory_space<vmem>>[vector<16xi32>, vector<16xi32>], vector<16xf32>, vector<16xi1>
            %broadcast_in_dim3A_329 = arith.constant 4 : i32
            %broadcast_in_dim3A_330 = vector.broadcast %broadcast_in_dim3A_329 : i32 to vector<16xi32>
            tpu.vector_store_idx %arg10[%broadcast_in_dim3A_330, %gather3A_300], %gather3A_328 masked %and3A : memref<8x4096xf32, #tpu.memory_space<vmem>>[vector<16xi32>, vector<16xi32>], vector<16xf32>, vector<16xi1>
            %broadcast_in_dim3A_331 = arith.constant 5 : i32
            %broadcast_in_dim3A_332 = vector.broadcast %broadcast_in_dim3A_331 : i32 to vector<16xi32>
            %gather3A_333 = tpu.vector_load_idx %arg9[%broadcast_in_dim3A_332, %max3A_305] masked %and3A : memref<8x3072xf32, #tpu.memory_space<vmem>>[vector<16xi32>, vector<16xi32>], vector<16xf32>, vector<16xi1>
            %broadcast_in_dim3A_334 = arith.constant 5 : i32
            %broadcast_in_dim3A_335 = vector.broadcast %broadcast_in_dim3A_334 : i32 to vector<16xi32>
            tpu.vector_store_idx %arg10[%broadcast_in_dim3A_335, %gather3A_300], %gather3A_333 masked %and3A : memref<8x4096xf32, #tpu.memory_space<vmem>>[vector<16xi32>, vector<16xi32>], vector<16xf32>, vector<16xi1>
            %broadcast_in_dim3A_336 = arith.constant 6 : i32
            %broadcast_in_dim3A_337 = vector.broadcast %broadcast_in_dim3A_336 : i32 to vector<16xi32>
            %gather3A_338 = tpu.vector_load_idx %arg9[%broadcast_in_dim3A_337, %max3A_305] masked %and3A : memref<8x3072xf32, #tpu.memory_space<vmem>>[vector<16xi32>, vector<16xi32>], vector<16xf32>, vector<16xi1>
            %broadcast_in_dim3A_339 = arith.constant 6 : i32
            %broadcast_in_dim3A_340 = vector.broadcast %broadcast_in_dim3A_339 : i32 to vector<16xi32>
            tpu.vector_store_idx %arg10[%broadcast_in_dim3A_340, %gather3A_300], %gather3A_338 masked %and3A : memref<8x4096xf32, #tpu.memory_space<vmem>>[vector<16xi32>, vector<16xi32>], vector<16xf32>, vector<16xi1>
            %broadcast_in_dim3A_341 = arith.constant 7 : i32
            %broadcast_in_dim3A_342 = vector.broadcast %broadcast_in_dim3A_341 : i32 to vector<16xi32>
            %gather3A_343 = tpu.vector_load_idx %arg9[%broadcast_in_dim3A_342, %max3A_305] masked %and3A : memref<8x3072xf32, #tpu.memory_space<vmem>>[vector<16xi32>, vector<16xi32>], vector<16xf32>, vector<16xi1>
            %broadcast_in_dim3A_344 = arith.constant 7 : i32
            %broadcast_in_dim3A_345 = vector.broadcast %broadcast_in_dim3A_344 : i32 to vector<16xi32>
            tpu.vector_store_idx %arg10[%broadcast_in_dim3A_345, %gather3A_300], %gather3A_343 masked %and3A : memref<8x4096xf32, #tpu.memory_space<vmem>>[vector<16xi32>, vector<16xi32>], vector<16xf32>, vector<16xi1>
          }
          %while3A_277 = arith.constant 1 : i32
          scf.for %while3A_292 = %while3A_275 to %while3A_271 step %while3A_277  : i32 {
            %mul3A_293 = arith.constant 16 : i32
            %mul3A_294 = arith.muli %while3A_292, %mul3A_293 : i32
            %add3A_295 = vector.broadcast %mul3A_294 : i32 to vector<16xi32>
            %add3A_296 = arith.addi %add3A_295, %iota3A : vector<16xi32>
            %ge3A = vector.broadcast %get3A_258 : i32 to vector<16xi32>
            %ge3A_297 = arith.cmpi sge, %add3A_296, %ge3A : vector<16xi32>
            %lt3A_298 = vector.broadcast %get3A_262 : i32 to vector<16xi32>
            %lt3A_299 = arith.cmpi slt, %add3A_296, %lt3A_298 : vector<16xi32>
            %and3A = arith.andi %ge3A_297, %lt3A_299 : vector<16xi1>
            %gather3A = tpu.vector_load_idx %arg11[%add3A_296] masked %and3A : memref<4096xi32, #tpu.memory_space<vmem>>[vector<16xi32>], vector<16xi32>, vector<16xi1>
            %gather3A_300 = tpu.vector_load_idx %arg12[%add3A_296] masked %and3A : memref<4096xi32, #tpu.memory_space<vmem>>[vector<16xi32>], vector<16xi32>, vector<16xi1>
            %mul3A_301 = arith.constant 3072 : i32
            %mul3A_302 = arith.muli %add3A_252, %mul3A_301 : i32
            %sub3A = vector.broadcast %mul3A_302 : i32 to vector<16xi32>
            %sub3A_303 = arith.subi %gather3A, %sub3A : vector<16xi32>
            %max3A = arith.constant 0 : i32
            %max3A_304 = vector.broadcast %max3A : i32 to vector<16xi32>
            %max3A_305 = arith.maxsi %sub3A_303, %max3A_304 : vector<16xi32>
            %broadcast_in_dim3A_306 = arith.constant 0 : i32
            %broadcast_in_dim3A_307 = vector.broadcast %broadcast_in_dim3A_306 : i32 to vector<16xi32>
            %gather3A_308 = tpu.vector_load_idx %arg9[%broadcast_in_dim3A_307, %max3A_305] masked %and3A : memref<8x3072xf32, #tpu.memory_space<vmem>>[vector<16xi32>, vector<16xi32>], vector<16xf32>, vector<16xi1>
            %broadcast_in_dim3A_309 = arith.constant 0 : i32
            %broadcast_in_dim3A_310 = vector.broadcast %broadcast_in_dim3A_309 : i32 to vector<16xi32>
            tpu.vector_store_idx %arg10[%broadcast_in_dim3A_310, %gather3A_300], %gather3A_308 masked %and3A : memref<8x4096xf32, #tpu.memory_space<vmem>>[vector<16xi32>, vector<16xi32>], vector<16xf32>, vector<16xi1>
            %broadcast_in_dim3A_311 = arith.constant 1 : i32
            %broadcast_in_dim3A_312 = vector.broadcast %broadcast_in_dim3A_311 : i32 to vector<16xi32>
            %gather3A_313 = tpu.vector_load_idx %arg9[%broadcast_in_dim3A_312, %max3A_305] masked %and3A : memref<8x3072xf32, #tpu.memory_space<vmem>>[vector<16xi32>, vector<16xi32>], vector<16xf32>, vector<16xi1>
            %broadcast_in_dim3A_314 = arith.constant 1 : i32
            %broadcast_in_dim3A_315 = vector.broadcast %broadcast_in_dim3A_314 : i32 to vector<16xi32>
            tpu.vector_store_idx %arg10[%broadcast_in_dim3A_315, %gather3A_300], %gather3A_313 masked %and3A : memref<8x4096xf32, #tpu.memory_space<vmem>>[vector<16xi32>, vector<16xi32>], vector<16xf32>, vector<16xi1>
            %broadcast_in_dim3A_316 = arith.constant 2 : i32
            %broadcast_in_dim3A_317 = vector.broadcast %broadcast_in_dim3A_316 : i32 to vector<16xi32>
            %gather3A_318 = tpu.vector_load_idx %arg9[%broadcast_in_dim3A_317, %max3A_305] masked %and3A : memref<8x3072xf32, #tpu.memory_space<vmem>>[vector<16xi32>, vector<16xi32>], vector<16xf32>, vector<16xi1>
            %broadcast_in_dim3A_319 = arith.constant 2 : i32
            %broadcast_in_dim3A_320 = vector.broadcast %broadcast_in_dim3A_319 : i32 to vector<16xi32>
            tpu.vector_store_idx %arg10[%broadcast_in_dim3A_320, %gather3A_300], %gather3A_318 masked %and3A : memref<8x4096xf32, #tpu.memory_space<vmem>>[vector<16xi32>, vector<16xi32>], vector<16xf32>, vector<16xi1>
            %broadcast_in_dim3A_321 = arith.constant 3 : i32
            %broadcast_in_dim3A_322 = vector.broadcast %broadcast_in_dim3A_321 : i32 to vector<16xi32>
            %gather3A_323 = tpu.vector_load_idx %arg9[%broadcast_in_dim3A_322, %max3A_305] masked %and3A : memref<8x3072xf32, #tpu.memory_space<vmem>>[vector<16xi32>, vector<16xi32>], vector<16xf32>, vector<16xi1>
            %broadcast_in_dim3A_324 = arith.constant 3 : i32
            %broadcast_in_dim3A_325 = vector.broadcast %broadcast_in_dim3A_324 : i32 to vector<16xi32>
            tpu.vector_store_idx %arg10[%broadcast_in_dim3A_325, %gather3A_300], %gather3A_323 masked %and3A : memref<8x4096xf32, #tpu.memory_space<vmem>>[vector<16xi32>, vector<16xi32>], vector<16xf32>, vector<16xi1>
            %broadcast_in_dim3A_326 = arith.constant 4 : i32
            %broadcast_in_dim3A_327 = vector.broadcast %broadcast_in_dim3A_326 : i32 to vector<16xi32>
            %gather3A_328 = tpu.vector_load_idx %arg9[%broadcast_in_dim3A_327, %max3A_305] masked %and3A : memref<8x3072xf32, #tpu.memory_space<vmem>>[vector<16xi32>, vector<16xi32>], vector<16xf32>, vector<16xi1>
            %broadcast_in_dim3A_329 = arith.constant 4 : i32
            %broadcast_in_dim3A_330 = vector.broadcast %broadcast_in_dim3A_329 : i32 to vector<16xi32>
            tpu.vector_store_idx %arg10[%broadcast_in_dim3A_330, %gather3A_300], %gather3A_328 masked %and3A : memref<8x4096xf32, #tpu.memory_space<vmem>>[vector<16xi32>, vector<16xi32>], vector<16xf32>, vector<16xi1>
            %broadcast_in_dim3A_331 = arith.constant 5 : i32
            %broadcast_in_dim3A_332 = vector.broadcast %broadcast_in_dim3A_331 : i32 to vector<16xi32>
            %gather3A_333 = tpu.vector_load_idx %arg9[%broadcast_in_dim3A_332, %max3A_305] masked %and3A : memref<8x3072xf32, #tpu.memory_space<vmem>>[vector<16xi32>, vector<16xi32>], vector<16xf32>, vector<16xi1>
            %broadcast_in_dim3A_334 = arith.constant 5 : i32
            %broadcast_in_dim3A_335 = vector.broadcast %broadcast_in_dim3A_334 : i32 to vector<16xi32>
            tpu.vector_store_idx %arg10[%broadcast_in_dim3A_335, %gather3A_300], %gather3A_333 masked %and3A : memref<8x4096xf32, #tpu.memory_space<vmem>>[vector<16xi32>, vector<16xi32>], vector<16xf32>, vector<16xi1>
            %broadcast_in_dim3A_336 = arith.constant 6 : i32
            %broadcast_in_dim3A_337 = vector.broadcast %broadcast_in_dim3A_336 : i32 to vector<16xi32>
            %gather3A_338 = tpu.vector_load_idx %arg9[%broadcast_in_dim3A_337, %max3A_305] masked %and3A : memref<8x3072xf32, #tpu.memory_space<vmem>>[vector<16xi32>, vector<16xi32>], vector<16xf32>, vector<16xi1>
            %broadcast_in_dim3A_339 = arith.constant 6 : i32
            %broadcast_in_dim3A_340 = vector.broadcast %broadcast_in_dim3A_339 : i32 to vector<16xi32>
            tpu.vector_store_idx %arg10[%broadcast_in_dim3A_340, %gather3A_300], %gather3A_338 masked %and3A : memref<8x4096xf32, #tpu.memory_space<vmem>>[vector<16xi32>, vector<16xi32>], vector<16xf32>, vector<16xi1>
            %broadcast_in_dim3A_341 = arith.constant 7 : i32
            %broadcast_in_dim3A_342 = vector.broadcast %broadcast_in_dim3A_341 : i32 to vector<16xi32>
            %gather3A_343 = tpu.vector_load_idx %arg9[%broadcast_in_dim3A_342, %max3A_305] masked %and3A : memref<8x3072xf32, #tpu.memory_space<vmem>>[vector<16xi32>, vector<16xi32>], vector<16xf32>, vector<16xi1>
            %broadcast_in_dim3A_344 = arith.constant 7 : i32
            %broadcast_in_dim3A_345 = vector.broadcast %broadcast_in_dim3A_344 : i32 to vector<16xi32>
            tpu.vector_store_idx %arg10[%broadcast_in_dim3A_345, %gather3A_300], %gather3A_343 masked %and3A : memref<8x4096xf32, #tpu.memory_space<vmem>>[vector<16xi32>, vector<16xi32>], vector<16xf32>, vector<16xi1>
          }
          %add3A_278 = arith.constant 3 : i32
          %add3A_279 = arith.addi %add3A_252, %add3A_278 : i32
          %lt3A_280 = arith.constant 32 : i32
          %lt3A_281 = arith.cmpi slt, %add3A_279, %lt3A_280 : i32
          %convert_element_type3A_282 = arith.extui %lt3A_281 : i1 to i32
          %cond3A_283 = arith.constant 0 : i32
          %cond3A_284 = arith.cmpi ne, %convert_element_type3A_282, %cond3A_283 : i32
          scf.if %cond3A_284 {
            %add3A_292 = arith.constant 3 : i32
            %add3A_293 = arith.addi %add3A_252, %add3A_292 : i32
            %mul3A_294 = arith.constant 3072 : i32
            %mul3A_295 = arith.muli %add3A_293, %mul3A_294 : i32
            %dma_start3A_296 = tpu.memref_slice %arg3[%mul3A_28, %mul3A_295] : memref<832x100000xf32, #tpu.memory_space<hbm>> -> memref<8x3072xf32, #tpu.memory_space<hbm>>
            %dma_start3A_297 = tpu.memref_slice %arg3[%mul3A_28, %mul3A_295] : memref<832x100000xf32, #tpu.memory_space<hbm>> -> memref<8x3072xf32, #tpu.memory_space<hbm>>
            tpu.enqueue_dma source(%dma_start3A_297 : memref<8x3072xf32, #tpu.memory_space<hbm>>) target(%arg9 : memref<8x3072xf32, #tpu.memory_space<vmem>>) target_semaphore(%arg25 : memref<!tpu.dma_semaphore, #tpu.memory_space<semaphore_mem>>)
          } else {
          }
          %add3A_285 = arith.constant 3 : i32
          %add3A_286 = arith.addi %add3A_252, %add3A_285 : i32
          %eq3A_287 = arith.constant 32 : i32
          %eq3A_288 = arith.cmpi eq, %add3A_286, %eq3A_287 : i32
          %convert_element_type3A_289 = arith.extui %eq3A_288 : i1 to i32
          %cond3A_290 = arith.constant 0 : i32
          %cond3A_291 = arith.cmpi ne, %convert_element_type3A_289, %cond3A_290 : i32
          scf.if %cond3A_291 {
            %dma_start3A_292 = arith.constant 0 : i32
            %dma_start3A_293 = arith.constant 0 : i32
            %dma_start3A_294 = tpu.memref_slice %arg9[%dma_start3A_292, %dma_start3A_293] : memref<8x3072xf32, #tpu.memory_space<vmem>> -> memref<8x1664xf32, #tpu.memory_space<vmem>>
            %dma_start3A_295 = arith.constant 98304 : i32
            %dma_start3A_296 = tpu.memref_slice %arg3[%mul3A_28, %dma_start3A_295] : memref<832x100000xf32, #tpu.memory_space<hbm>> -> memref<8x1664xf32, #tpu.memory_space<hbm>>
            %dma_start3A_297 = arith.constant 0 : i32
            %dma_start3A_298 = arith.constant 0 : i32
            %dma_start3A_299 = tpu.memref_slice %arg9[%dma_start3A_297, %dma_start3A_298] : memref<8x3072xf32, #tpu.memory_space<vmem>> -> memref<8x1664xf32, #tpu.memory_space<vmem>>
            %dma_start3A_300 = arith.constant 98304 : i32
            %dma_start3A_301 = tpu.memref_slice %arg3[%mul3A_28, %dma_start3A_300] : memref<832x100000xf32, #tpu.memory_space<hbm>> -> memref<8x1664xf32, #tpu.memory_space<hbm>>
            tpu.enqueue_dma source(%dma_start3A_301 : memref<8x1664xf32, #tpu.memory_space<hbm>>) target(%dma_start3A_299 : memref<8x1664xf32, #tpu.memory_space<vmem>>) target_semaphore(%arg25 : memref<!tpu.dma_semaphore, #tpu.memory_space<semaphore_mem>>)
          } else {
          }
        }
        %scan3A_81 = arith.constant 10 : i32
        %dma_wait3A_82 = arith.constant 92160 : i32
        %dma_wait3A_83 = tpu.memref_slice %arg3[%mul3A_28, %dma_wait3A_82] : memref<832x100000xf32, #tpu.memory_space<hbm>> -> memref<8x3072xf32, #tpu.memory_space<hbm>>
        %dma_wait3A_84 = arith.constant 92160 : i32
        %dma_wait3A_85 = tpu.memref_slice %arg3[%mul3A_28, %dma_wait3A_84] : memref<832x100000xf32, #tpu.memory_space<hbm>> -> memref<8x3072xf32, #tpu.memory_space<hbm>>
        tpu.wait_dma2 semaphore(%arg23 : memref<!tpu.dma_semaphore, #tpu.memory_space<semaphore_mem>>) src(%dma_wait3A_85 : memref<8x3072xf32, #tpu.memory_space<hbm>>) dst(%arg7 : memref<8x3072xf32, #tpu.memory_space<vmem>>)
        %get3A = arith.constant 30 : i32
        %get3A_86 = arith.index_cast %get3A : i32 to index
        %get3A_87 = memref.load %arg22[%get3A_86] : memref<34xi32, #tpu.memory_space<smem>>
        %get3A_88 = arith.constant 31 : i32
        %get3A_89 = arith.index_cast %get3A_88 : i32 to index
        %get3A_90 = memref.load %arg22[%get3A_89] : memref<34xi32, #tpu.memory_space<smem>>
        %shift_right_arithmetic3A_91 = arith.constant 4 : i32
        %shift_right_arithmetic3A_92 = arith.shrsi %get3A_87, %shift_right_arithmetic3A_91 : i32
        %add3A_93 = arith.constant 15 : i32
        %add3A_94 = arith.addi %get3A_90, %add3A_93 : i32
        %shift_right_arithmetic3A_95 = arith.constant 4 : i32
        %shift_right_arithmetic3A_96 = arith.shrsi %add3A_94, %shift_right_arithmetic3A_95 : i32
        %while3A = arith.constant 0 : i32
        %while3A_97 = arith.subi %shift_right_arithmetic3A_96, %shift_right_arithmetic3A_92 : i32
        %while3A_98 = arith.addi %shift_right_arithmetic3A_92, %while3A_97 : i32
        %while3A_99 = arith.constant 1 : i32
        %while3A_100 = arith.divsi %while3A_97, %while3A_99 : i32
        %while3A_101 = arith.muli %while3A_100, %while3A_99 : i32
        %while3A_102 = arith.addi %shift_right_arithmetic3A_92, %while3A_101 : i32
        %while3A_103 = arith.constant 1 : i32
        scf.for %while3A_167 = %shift_right_arithmetic3A_92 to %while3A_102 step %while3A_103  : i32 {
          %mul3A_168 = arith.constant 16 : i32
          %mul3A_169 = arith.muli %while3A_167, %mul3A_168 : i32
          %add3A_170 = vector.broadcast %mul3A_169 : i32 to vector<16xi32>
          %add3A_171 = arith.addi %add3A_170, %iota3A : vector<16xi32>
          %ge3A = vector.broadcast %get3A_87 : i32 to vector<16xi32>
          %ge3A_172 = arith.cmpi sge, %add3A_171, %ge3A : vector<16xi32>
          %lt3A_173 = vector.broadcast %get3A_90 : i32 to vector<16xi32>
          %lt3A_174 = arith.cmpi slt, %add3A_171, %lt3A_173 : vector<16xi32>
          %and3A = arith.andi %ge3A_172, %lt3A_174 : vector<16xi1>
          %gather3A = tpu.vector_load_idx %arg11[%add3A_171] masked %and3A : memref<4096xi32, #tpu.memory_space<vmem>>[vector<16xi32>], vector<16xi32>, vector<16xi1>
          %gather3A_175 = tpu.vector_load_idx %arg12[%add3A_171] masked %and3A : memref<4096xi32, #tpu.memory_space<vmem>>[vector<16xi32>], vector<16xi32>, vector<16xi1>
          %sub3A = arith.constant 92160 : i32
          %sub3A_176 = vector.broadcast %sub3A : i32 to vector<16xi32>
          %sub3A_177 = arith.subi %gather3A, %sub3A_176 : vector<16xi32>
          %max3A = arith.constant 0 : i32
          %max3A_178 = vector.broadcast %max3A : i32 to vector<16xi32>
          %max3A_179 = arith.maxsi %sub3A_177, %max3A_178 : vector<16xi32>
          %broadcast_in_dim3A_180 = arith.constant 0 : i32
          %broadcast_in_dim3A_181 = vector.broadcast %broadcast_in_dim3A_180 : i32 to vector<16xi32>
          %gather3A_182 = tpu.vector_load_idx %arg7[%broadcast_in_dim3A_181, %max3A_179] masked %and3A : memref<8x3072xf32, #tpu.memory_space<vmem>>[vector<16xi32>, vector<16xi32>], vector<16xf32>, vector<16xi1>
          %broadcast_in_dim3A_183 = arith.constant 0 : i32
          %broadcast_in_dim3A_184 = vector.broadcast %broadcast_in_dim3A_183 : i32 to vector<16xi32>
          tpu.vector_store_idx %arg10[%broadcast_in_dim3A_184, %gather3A_175], %gather3A_182 masked %and3A : memref<8x4096xf32, #tpu.memory_space<vmem>>[vector<16xi32>, vector<16xi32>], vector<16xf32>, vector<16xi1>
          %broadcast_in_dim3A_185 = arith.constant 1 : i32
          %broadcast_in_dim3A_186 = vector.broadcast %broadcast_in_dim3A_185 : i32 to vector<16xi32>
          %gather3A_187 = tpu.vector_load_idx %arg7[%broadcast_in_dim3A_186, %max3A_179] masked %and3A : memref<8x3072xf32, #tpu.memory_space<vmem>>[vector<16xi32>, vector<16xi32>], vector<16xf32>, vector<16xi1>
          %broadcast_in_dim3A_188 = arith.constant 1 : i32
          %broadcast_in_dim3A_189 = vector.broadcast %broadcast_in_dim3A_188 : i32 to vector<16xi32>
          tpu.vector_store_idx %arg10[%broadcast_in_dim3A_189, %gather3A_175], %gather3A_187 masked %and3A : memref<8x4096xf32, #tpu.memory_space<vmem>>[vector<16xi32>, vector<16xi32>], vector<16xf32>, vector<16xi1>
          %broadcast_in_dim3A_190 = arith.constant 2 : i32
          %broadcast_in_dim3A_191 = vector.broadcast %broadcast_in_dim3A_190 : i32 to vector<16xi32>
          %gather3A_192 = tpu.vector_load_idx %arg7[%broadcast_in_dim3A_191, %max3A_179] masked %and3A : memref<8x3072xf32, #tpu.memory_space<vmem>>[vector<16xi32>, vector<16xi32>], vector<16xf32>, vector<16xi1>
          %broadcast_in_dim3A_193 = arith.constant 2 : i32
          %broadcast_in_dim3A_194 = vector.broadcast %broadcast_in_dim3A_193 : i32 to vector<16xi32>
          tpu.vector_store_idx %arg10[%broadcast_in_dim3A_194, %gather3A_175], %gather3A_192 masked %and3A : memref<8x4096xf32, #tpu.memory_space<vmem>>[vector<16xi32>, vector<16xi32>], vector<16xf32>, vector<16xi1>
          %broadcast_in_dim3A_195 = arith.constant 3 : i32
          %broadcast_in_dim3A_196 = vector.broadcast %broadcast_in_dim3A_195 : i32 to vector<16xi32>
          %gather3A_197 = tpu.vector_load_idx %arg7[%broadcast_in_dim3A_196, %max3A_179] masked %and3A : memref<8x3072xf32, #tpu.memory_space<vmem>>[vector<16xi32>, vector<16xi32>], vector<16xf32>, vector<16xi1>
          %broadcast_in_dim3A_198 = arith.constant 3 : i32
          %broadcast_in_dim3A_199 = vector.broadcast %broadcast_in_dim3A_198 : i32 to vector<16xi32>
          tpu.vector_store_idx %arg10[%broadcast_in_dim3A_199, %gather3A_175], %gather3A_197 masked %and3A : memref<8x4096xf32, #tpu.memory_space<vmem>>[vector<16xi32>, vector<16xi32>], vector<16xf32>, vector<16xi1>
          %broadcast_in_dim3A_200 = arith.constant 4 : i32
          %broadcast_in_dim3A_201 = vector.broadcast %broadcast_in_dim3A_200 : i32 to vector<16xi32>
          %gather3A_202 = tpu.vector_load_idx %arg7[%broadcast_in_dim3A_201, %max3A_179] masked %and3A : memref<8x3072xf32, #tpu.memory_space<vmem>>[vector<16xi32>, vector<16xi32>], vector<16xf32>, vector<16xi1>
          %broadcast_in_dim3A_203 = arith.constant 4 : i32
          %broadcast_in_dim3A_204 = vector.broadcast %broadcast_in_dim3A_203 : i32 to vector<16xi32>
          tpu.vector_store_idx %arg10[%broadcast_in_dim3A_204, %gather3A_175], %gather3A_202 masked %and3A : memref<8x4096xf32, #tpu.memory_space<vmem>>[vector<16xi32>, vector<16xi32>], vector<16xf32>, vector<16xi1>
          %broadcast_in_dim3A_205 = arith.constant 5 : i32
          %broadcast_in_dim3A_206 = vector.broadcast %broadcast_in_dim3A_205 : i32 to vector<16xi32>
          %gather3A_207 = tpu.vector_load_idx %arg7[%broadcast_in_dim3A_206, %max3A_179] masked %and3A : memref<8x3072xf32, #tpu.memory_space<vmem>>[vector<16xi32>, vector<16xi32>], vector<16xf32>, vector<16xi1>
          %broadcast_in_dim3A_208 = arith.constant 5 : i32
          %broadcast_in_dim3A_209 = vector.broadcast %broadcast_in_dim3A_208 : i32 to vector<16xi32>
          tpu.vector_store_idx %arg10[%broadcast_in_dim3A_209, %gather3A_175], %gather3A_207 masked %and3A : memref<8x4096xf32, #tpu.memory_space<vmem>>[vector<16xi32>, vector<16xi32>], vector<16xf32>, vector<16xi1>
          %broadcast_in_dim3A_210 = arith.constant 6 : i32
          %broadcast_in_dim3A_211 = vector.broadcast %broadcast_in_dim3A_210 : i32 to vector<16xi32>
          %gather3A_212 = tpu.vector_load_idx %arg7[%broadcast_in_dim3A_211, %max3A_179] masked %and3A : memref<8x3072xf32, #tpu.memory_space<vmem>>[vector<16xi32>, vector<16xi32>], vector<16xf32>, vector<16xi1>
          %broadcast_in_dim3A_213 = arith.constant 6 : i32
          %broadcast_in_dim3A_214 = vector.broadcast %broadcast_in_dim3A_213 : i32 to vector<16xi32>
          tpu.vector_store_idx %arg10[%broadcast_in_dim3A_214, %gather3A_175], %gather3A_212 masked %and3A : memref<8x4096xf32, #tpu.memory_space<vmem>>[vector<16xi32>, vector<16xi32>], vector<16xf32>, vector<16xi1>
          %broadcast_in_dim3A_215 = arith.constant 7 : i32
          %broadcast_in_dim3A_216 = vector.broadcast %broadcast_in_dim3A_215 : i32 to vector<16xi32>
          %gather3A_217 = tpu.vector_load_idx %arg7[%broadcast_in_dim3A_216, %max3A_179] masked %and3A : memref<8x3072xf32, #tpu.memory_space<vmem>>[vector<16xi32>, vector<16xi32>], vector<16xf32>, vector<16xi1>
          %broadcast_in_dim3A_218 = arith.constant 7 : i32
          %broadcast_in_dim3A_219 = vector.broadcast %broadcast_in_dim3A_218 : i32 to vector<16xi32>
          tpu.vector_store_idx %arg10[%broadcast_in_dim3A_219, %gather3A_175], %gather3A_217 masked %and3A : memref<8x4096xf32, #tpu.memory_space<vmem>>[vector<16xi32>, vector<16xi32>], vector<16xf32>, vector<16xi1>
        }
        %while3A_104 = arith.constant 1 : i32
        scf.for %while3A_167 = %while3A_102 to %while3A_98 step %while3A_104  : i32 {
          %mul3A_168 = arith.constant 16 : i32
          %mul3A_169 = arith.muli %while3A_167, %mul3A_168 : i32
          %add3A_170 = vector.broadcast %mul3A_169 : i32 to vector<16xi32>
          %add3A_171 = arith.addi %add3A_170, %iota3A : vector<16xi32>
          %ge3A = vector.broadcast %get3A_87 : i32 to vector<16xi32>
          %ge3A_172 = arith.cmpi sge, %add3A_171, %ge3A : vector<16xi32>
          %lt3A_173 = vector.broadcast %get3A_90 : i32 to vector<16xi32>
          %lt3A_174 = arith.cmpi slt, %add3A_171, %lt3A_173 : vector<16xi32>
          %and3A = arith.andi %ge3A_172, %lt3A_174 : vector<16xi1>
          %gather3A = tpu.vector_load_idx %arg11[%add3A_171] masked %and3A : memref<4096xi32, #tpu.memory_space<vmem>>[vector<16xi32>], vector<16xi32>, vector<16xi1>
          %gather3A_175 = tpu.vector_load_idx %arg12[%add3A_171] masked %and3A : memref<4096xi32, #tpu.memory_space<vmem>>[vector<16xi32>], vector<16xi32>, vector<16xi1>
          %sub3A = arith.constant 92160 : i32
          %sub3A_176 = vector.broadcast %sub3A : i32 to vector<16xi32>
          %sub3A_177 = arith.subi %gather3A, %sub3A_176 : vector<16xi32>
          %max3A = arith.constant 0 : i32
          %max3A_178 = vector.broadcast %max3A : i32 to vector<16xi32>
          %max3A_179 = arith.maxsi %sub3A_177, %max3A_178 : vector<16xi32>
          %broadcast_in_dim3A_180 = arith.constant 0 : i32
          %broadcast_in_dim3A_181 = vector.broadcast %broadcast_in_dim3A_180 : i32 to vector<16xi32>
          %gather3A_182 = tpu.vector_load_idx %arg7[%broadcast_in_dim3A_181, %max3A_179] masked %and3A : memref<8x3072xf32, #tpu.memory_space<vmem>>[vector<16xi32>, vector<16xi32>], vector<16xf32>, vector<16xi1>
          %broadcast_in_dim3A_183 = arith.constant 0 : i32
          %broadcast_in_dim3A_184 = vector.broadcast %broadcast_in_dim3A_183 : i32 to vector<16xi32>
          tpu.vector_store_idx %arg10[%broadcast_in_dim3A_184, %gather3A_175], %gather3A_182 masked %and3A : memref<8x4096xf32, #tpu.memory_space<vmem>>[vector<16xi32>, vector<16xi32>], vector<16xf32>, vector<16xi1>
          %broadcast_in_dim3A_185 = arith.constant 1 : i32
          %broadcast_in_dim3A_186 = vector.broadcast %broadcast_in_dim3A_185 : i32 to vector<16xi32>
          %gather3A_187 = tpu.vector_load_idx %arg7[%broadcast_in_dim3A_186, %max3A_179] masked %and3A : memref<8x3072xf32, #tpu.memory_space<vmem>>[vector<16xi32>, vector<16xi32>], vector<16xf32>, vector<16xi1>
          %broadcast_in_dim3A_188 = arith.constant 1 : i32
          %broadcast_in_dim3A_189 = vector.broadcast %broadcast_in_dim3A_188 : i32 to vector<16xi32>
          tpu.vector_store_idx %arg10[%broadcast_in_dim3A_189, %gather3A_175], %gather3A_187 masked %and3A : memref<8x4096xf32, #tpu.memory_space<vmem>>[vector<16xi32>, vector<16xi32>], vector<16xf32>, vector<16xi1>
          %broadcast_in_dim3A_190 = arith.constant 2 : i32
          %broadcast_in_dim3A_191 = vector.broadcast %broadcast_in_dim3A_190 : i32 to vector<16xi32>
          %gather3A_192 = tpu.vector_load_idx %arg7[%broadcast_in_dim3A_191, %max3A_179] masked %and3A : memref<8x3072xf32, #tpu.memory_space<vmem>>[vector<16xi32>, vector<16xi32>], vector<16xf32>, vector<16xi1>
          %broadcast_in_dim3A_193 = arith.constant 2 : i32
          %broadcast_in_dim3A_194 = vector.broadcast %broadcast_in_dim3A_193 : i32 to vector<16xi32>
          tpu.vector_store_idx %arg10[%broadcast_in_dim3A_194, %gather3A_175], %gather3A_192 masked %and3A : memref<8x4096xf32, #tpu.memory_space<vmem>>[vector<16xi32>, vector<16xi32>], vector<16xf32>, vector<16xi1>
          %broadcast_in_dim3A_195 = arith.constant 3 : i32
          %broadcast_in_dim3A_196 = vector.broadcast %broadcast_in_dim3A_195 : i32 to vector<16xi32>
          %gather3A_197 = tpu.vector_load_idx %arg7[%broadcast_in_dim3A_196, %max3A_179] masked %and3A : memref<8x3072xf32, #tpu.memory_space<vmem>>[vector<16xi32>, vector<16xi32>], vector<16xf32>, vector<16xi1>
          %broadcast_in_dim3A_198 = arith.constant 3 : i32
          %broadcast_in_dim3A_199 = vector.broadcast %broadcast_in_dim3A_198 : i32 to vector<16xi32>
          tpu.vector_store_idx %arg10[%broadcast_in_dim3A_199, %gather3A_175], %gather3A_197 masked %and3A : memref<8x4096xf32, #tpu.memory_space<vmem>>[vector<16xi32>, vector<16xi32>], vector<16xf32>, vector<16xi1>
          %broadcast_in_dim3A_200 = arith.constant 4 : i32
          %broadcast_in_dim3A_201 = vector.broadcast %broadcast_in_dim3A_200 : i32 to vector<16xi32>
          %gather3A_202 = tpu.vector_load_idx %arg7[%broadcast_in_dim3A_201, %max3A_179] masked %and3A : memref<8x3072xf32, #tpu.memory_space<vmem>>[vector<16xi32>, vector<16xi32>], vector<16xf32>, vector<16xi1>
          %broadcast_in_dim3A_203 = arith.constant 4 : i32
          %broadcast_in_dim3A_204 = vector.broadcast %broadcast_in_dim3A_203 : i32 to vector<16xi32>
          tpu.vector_store_idx %arg10[%broadcast_in_dim3A_204, %gather3A_175], %gather3A_202 masked %and3A : memref<8x4096xf32, #tpu.memory_space<vmem>>[vector<16xi32>, vector<16xi32>], vector<16xf32>, vector<16xi1>
          %broadcast_in_dim3A_205 = arith.constant 5 : i32
          %broadcast_in_dim3A_206 = vector.broadcast %broadcast_in_dim3A_205 : i32 to vector<16xi32>
          %gather3A_207 = tpu.vector_load_idx %arg7[%broadcast_in_dim3A_206, %max3A_179] masked %and3A : memref<8x3072xf32, #tpu.memory_space<vmem>>[vector<16xi32>, vector<16xi32>], vector<16xf32>, vector<16xi1>
          %broadcast_in_dim3A_208 = arith.constant 5 : i32
          %broadcast_in_dim3A_209 = vector.broadcast %broadcast_in_dim3A_208 : i32 to vector<16xi32>
          tpu.vector_store_idx %arg10[%broadcast_in_dim3A_209, %gather3A_175], %gather3A_207 masked %and3A : memref<8x4096xf32, #tpu.memory_space<vmem>>[vector<16xi32>, vector<16xi32>], vector<16xf32>, vector<16xi1>
          %broadcast_in_dim3A_210 = arith.constant 6 : i32
          %broadcast_in_dim3A_211 = vector.broadcast %broadcast_in_dim3A_210 : i32 to vector<16xi32>
          %gather3A_212 = tpu.vector_load_idx %arg7[%broadcast_in_dim3A_211, %max3A_179] masked %and3A : memref<8x3072xf32, #tpu.memory_space<vmem>>[vector<16xi32>, vector<16xi32>], vector<16xf32>, vector<16xi1>
          %broadcast_in_dim3A_213 = arith.constant 6 : i32
          %broadcast_in_dim3A_214 = vector.broadcast %broadcast_in_dim3A_213 : i32 to vector<16xi32>
          tpu.vector_store_idx %arg10[%broadcast_in_dim3A_214, %gather3A_175], %gather3A_212 masked %and3A : memref<8x4096xf32, #tpu.memory_space<vmem>>[vector<16xi32>, vector<16xi32>], vector<16xf32>, vector<16xi1>
          %broadcast_in_dim3A_215 = arith.constant 7 : i32
          %broadcast_in_dim3A_216 = vector.broadcast %broadcast_in_dim3A_215 : i32 to vector<16xi32>
          %gather3A_217 = tpu.vector_load_idx %arg7[%broadcast_in_dim3A_216, %max3A_179] masked %and3A : memref<8x3072xf32, #tpu.memory_space<vmem>>[vector<16xi32>, vector<16xi32>], vector<16xf32>, vector<16xi1>
          %broadcast_in_dim3A_218 = arith.constant 7 : i32
          %broadcast_in_dim3A_219 = vector.broadcast %broadcast_in_dim3A_218 : i32 to vector<16xi32>
          tpu.vector_store_idx %arg10[%broadcast_in_dim3A_219, %gather3A_175], %gather3A_217 masked %and3A : memref<8x4096xf32, #tpu.memory_space<vmem>>[vector<16xi32>, vector<16xi32>], vector<16xf32>, vector<16xi1>
        }
        %dma_wait3A_105 = arith.constant 95232 : i32
        %dma_wait3A_106 = tpu.memref_slice %arg3[%mul3A_28, %dma_wait3A_105] : memref<832x100000xf32, #tpu.memory_space<hbm>> -> memref<8x3072xf32, #tpu.memory_space<hbm>>
        %dma_wait3A_107 = arith.constant 95232 : i32
        %dma_wait3A_108 = tpu.memref_slice %arg3[%mul3A_28, %dma_wait3A_107] : memref<832x100000xf32, #tpu.memory_space<hbm>> -> memref<8x3072xf32, #tpu.memory_space<hbm>>
        tpu.wait_dma2 semaphore(%arg24 : memref<!tpu.dma_semaphore, #tpu.memory_space<semaphore_mem>>) src(%dma_wait3A_108 : memref<8x3072xf32, #tpu.memory_space<hbm>>) dst(%arg8 : memref<8x3072xf32, #tpu.memory_space<vmem>>)
        %get3A_109 = arith.constant 31 : i32
        %get3A_110 = arith.index_cast %get3A_109 : i32 to index
        %get3A_111 = memref.load %arg22[%get3A_110] : memref<34xi32, #tpu.memory_space<smem>>
        %get3A_112 = arith.constant 32 : i32
        %get3A_113 = arith.index_cast %get3A_112 : i32 to index
        %get3A_114 = memref.load %arg22[%get3A_113] : memref<34xi32, #tpu.memory_space<smem>>
        %shift_right_arithmetic3A_115 = arith.constant 4 : i32
        %shift_right_arithmetic3A_116 = arith.shrsi %get3A_111, %shift_right_arithmetic3A_115 : i32
        %add3A_117 = arith.constant 15 : i32
        %add3A_118 = arith.addi %get3A_114, %add3A_117 : i32
        %shift_right_arithmetic3A_119 = arith.constant 4 : i32
        %shift_right_arithmetic3A_120 = arith.shrsi %add3A_118, %shift_right_arithmetic3A_119 : i32
        %while3A_121 = arith.constant 0 : i32
        %while3A_122 = arith.subi %shift_right_arithmetic3A_120, %shift_right_arithmetic3A_116 : i32
        %while3A_123 = arith.addi %shift_right_arithmetic3A_116, %while3A_122 : i32
        %while3A_124 = arith.constant 1 : i32
        %while3A_125 = arith.divsi %while3A_122, %while3A_124 : i32
        %while3A_126 = arith.muli %while3A_125, %while3A_124 : i32
        %while3A_127 = arith.addi %shift_right_arithmetic3A_116, %while3A_126 : i32
        %while3A_128 = arith.constant 1 : i32
        scf.for %while3A_167 = %shift_right_arithmetic3A_116 to %while3A_127 step %while3A_128  : i32 {
          %mul3A_168 = arith.constant 16 : i32
          %mul3A_169 = arith.muli %while3A_167, %mul3A_168 : i32
          %add3A_170 = vector.broadcast %mul3A_169 : i32 to vector<16xi32>
          %add3A_171 = arith.addi %add3A_170, %iota3A : vector<16xi32>
          %ge3A = vector.broadcast %get3A_111 : i32 to vector<16xi32>
          %ge3A_172 = arith.cmpi sge, %add3A_171, %ge3A : vector<16xi32>
          %lt3A_173 = vector.broadcast %get3A_114 : i32 to vector<16xi32>
          %lt3A_174 = arith.cmpi slt, %add3A_171, %lt3A_173 : vector<16xi32>
          %and3A = arith.andi %ge3A_172, %lt3A_174 : vector<16xi1>
          %gather3A = tpu.vector_load_idx %arg11[%add3A_171] masked %and3A : memref<4096xi32, #tpu.memory_space<vmem>>[vector<16xi32>], vector<16xi32>, vector<16xi1>
          %gather3A_175 = tpu.vector_load_idx %arg12[%add3A_171] masked %and3A : memref<4096xi32, #tpu.memory_space<vmem>>[vector<16xi32>], vector<16xi32>, vector<16xi1>
          %sub3A = arith.constant 95232 : i32
          %sub3A_176 = vector.broadcast %sub3A : i32 to vector<16xi32>
          %sub3A_177 = arith.subi %gather3A, %sub3A_176 : vector<16xi32>
          %max3A = arith.constant 0 : i32
          %max3A_178 = vector.broadcast %max3A : i32 to vector<16xi32>
          %max3A_179 = arith.maxsi %sub3A_177, %max3A_178 : vector<16xi32>
          %broadcast_in_dim3A_180 = arith.constant 0 : i32
          %broadcast_in_dim3A_181 = vector.broadcast %broadcast_in_dim3A_180 : i32 to vector<16xi32>
          %gather3A_182 = tpu.vector_load_idx %arg8[%broadcast_in_dim3A_181, %max3A_179] masked %and3A : memref<8x3072xf32, #tpu.memory_space<vmem>>[vector<16xi32>, vector<16xi32>], vector<16xf32>, vector<16xi1>
          %broadcast_in_dim3A_183 = arith.constant 0 : i32
          %broadcast_in_dim3A_184 = vector.broadcast %broadcast_in_dim3A_183 : i32 to vector<16xi32>
          tpu.vector_store_idx %arg10[%broadcast_in_dim3A_184, %gather3A_175], %gather3A_182 masked %and3A : memref<8x4096xf32, #tpu.memory_space<vmem>>[vector<16xi32>, vector<16xi32>], vector<16xf32>, vector<16xi1>
          %broadcast_in_dim3A_185 = arith.constant 1 : i32
          %broadcast_in_dim3A_186 = vector.broadcast %broadcast_in_dim3A_185 : i32 to vector<16xi32>
          %gather3A_187 = tpu.vector_load_idx %arg8[%broadcast_in_dim3A_186, %max3A_179] masked %and3A : memref<8x3072xf32, #tpu.memory_space<vmem>>[vector<16xi32>, vector<16xi32>], vector<16xf32>, vector<16xi1>
          %broadcast_in_dim3A_188 = arith.constant 1 : i32
          %broadcast_in_dim3A_189 = vector.broadcast %broadcast_in_dim3A_188 : i32 to vector<16xi32>
          tpu.vector_store_idx %arg10[%broadcast_in_dim3A_189, %gather3A_175], %gather3A_187 masked %and3A : memref<8x4096xf32, #tpu.memory_space<vmem>>[vector<16xi32>, vector<16xi32>], vector<16xf32>, vector<16xi1>
          %broadcast_in_dim3A_190 = arith.constant 2 : i32
          %broadcast_in_dim3A_191 = vector.broadcast %broadcast_in_dim3A_190 : i32 to vector<16xi32>
          %gather3A_192 = tpu.vector_load_idx %arg8[%broadcast_in_dim3A_191, %max3A_179] masked %and3A : memref<8x3072xf32, #tpu.memory_space<vmem>>[vector<16xi32>, vector<16xi32>], vector<16xf32>, vector<16xi1>
          %broadcast_in_dim3A_193 = arith.constant 2 : i32
          %broadcast_in_dim3A_194 = vector.broadcast %broadcast_in_dim3A_193 : i32 to vector<16xi32>
          tpu.vector_store_idx %arg10[%broadcast_in_dim3A_194, %gather3A_175], %gather3A_192 masked %and3A : memref<8x4096xf32, #tpu.memory_space<vmem>>[vector<16xi32>, vector<16xi32>], vector<16xf32>, vector<16xi1>
          %broadcast_in_dim3A_195 = arith.constant 3 : i32
          %broadcast_in_dim3A_196 = vector.broadcast %broadcast_in_dim3A_195 : i32 to vector<16xi32>
          %gather3A_197 = tpu.vector_load_idx %arg8[%broadcast_in_dim3A_196, %max3A_179] masked %and3A : memref<8x3072xf32, #tpu.memory_space<vmem>>[vector<16xi32>, vector<16xi32>], vector<16xf32>, vector<16xi1>
          %broadcast_in_dim3A_198 = arith.constant 3 : i32
          %broadcast_in_dim3A_199 = vector.broadcast %broadcast_in_dim3A_198 : i32 to vector<16xi32>
          tpu.vector_store_idx %arg10[%broadcast_in_dim3A_199, %gather3A_175], %gather3A_197 masked %and3A : memref<8x4096xf32, #tpu.memory_space<vmem>>[vector<16xi32>, vector<16xi32>], vector<16xf32>, vector<16xi1>
          %broadcast_in_dim3A_200 = arith.constant 4 : i32
          %broadcast_in_dim3A_201 = vector.broadcast %broadcast_in_dim3A_200 : i32 to vector<16xi32>
          %gather3A_202 = tpu.vector_load_idx %arg8[%broadcast_in_dim3A_201, %max3A_179] masked %and3A : memref<8x3072xf32, #tpu.memory_space<vmem>>[vector<16xi32>, vector<16xi32>], vector<16xf32>, vector<16xi1>
          %broadcast_in_dim3A_203 = arith.constant 4 : i32
          %broadcast_in_dim3A_204 = vector.broadcast %broadcast_in_dim3A_203 : i32 to vector<16xi32>
          tpu.vector_store_idx %arg10[%broadcast_in_dim3A_204, %gather3A_175], %gather3A_202 masked %and3A : memref<8x4096xf32, #tpu.memory_space<vmem>>[vector<16xi32>, vector<16xi32>], vector<16xf32>, vector<16xi1>
          %broadcast_in_dim3A_205 = arith.constant 5 : i32
          %broadcast_in_dim3A_206 = vector.broadcast %broadcast_in_dim3A_205 : i32 to vector<16xi32>
          %gather3A_207 = tpu.vector_load_idx %arg8[%broadcast_in_dim3A_206, %max3A_179] masked %and3A : memref<8x3072xf32, #tpu.memory_space<vmem>>[vector<16xi32>, vector<16xi32>], vector<16xf32>, vector<16xi1>
          %broadcast_in_dim3A_208 = arith.constant 5 : i32
          %broadcast_in_dim3A_209 = vector.broadcast %broadcast_in_dim3A_208 : i32 to vector<16xi32>
          tpu.vector_store_idx %arg10[%broadcast_in_dim3A_209, %gather3A_175], %gather3A_207 masked %and3A : memref<8x4096xf32, #tpu.memory_space<vmem>>[vector<16xi32>, vector<16xi32>], vector<16xf32>, vector<16xi1>
          %broadcast_in_dim3A_210 = arith.constant 6 : i32
          %broadcast_in_dim3A_211 = vector.broadcast %broadcast_in_dim3A_210 : i32 to vector<16xi32>
          %gather3A_212 = tpu.vector_load_idx %arg8[%broadcast_in_dim3A_211, %max3A_179] masked %and3A : memref<8x3072xf32, #tpu.memory_space<vmem>>[vector<16xi32>, vector<16xi32>], vector<16xf32>, vector<16xi1>
          %broadcast_in_dim3A_213 = arith.constant 6 : i32
          %broadcast_in_dim3A_214 = vector.broadcast %broadcast_in_dim3A_213 : i32 to vector<16xi32>
          tpu.vector_store_idx %arg10[%broadcast_in_dim3A_214, %gather3A_175], %gather3A_212 masked %and3A : memref<8x4096xf32, #tpu.memory_space<vmem>>[vector<16xi32>, vector<16xi32>], vector<16xf32>, vector<16xi1>
          %broadcast_in_dim3A_215 = arith.constant 7 : i32
          %broadcast_in_dim3A_216 = vector.broadcast %broadcast_in_dim3A_215 : i32 to vector<16xi32>
          %gather3A_217 = tpu.vector_load_idx %arg8[%broadcast_in_dim3A_216, %max3A_179] masked %and3A : memref<8x3072xf32, #tpu.memory_space<vmem>>[vector<16xi32>, vector<16xi32>], vector<16xf32>, vector<16xi1>
          %broadcast_in_dim3A_218 = arith.constant 7 : i32
          %broadcast_in_dim3A_219 = vector.broadcast %broadcast_in_dim3A_218 : i32 to vector<16xi32>
          tpu.vector_store_idx %arg10[%broadcast_in_dim3A_219, %gather3A_175], %gather3A_217 masked %and3A : memref<8x4096xf32, #tpu.memory_space<vmem>>[vector<16xi32>, vector<16xi32>], vector<16xf32>, vector<16xi1>
        }
        %while3A_129 = arith.constant 1 : i32
        scf.for %while3A_167 = %while3A_127 to %while3A_123 step %while3A_129  : i32 {
          %mul3A_168 = arith.constant 16 : i32
          %mul3A_169 = arith.muli %while3A_167, %mul3A_168 : i32
          %add3A_170 = vector.broadcast %mul3A_169 : i32 to vector<16xi32>
          %add3A_171 = arith.addi %add3A_170, %iota3A : vector<16xi32>
          %ge3A = vector.broadcast %get3A_111 : i32 to vector<16xi32>
          %ge3A_172 = arith.cmpi sge, %add3A_171, %ge3A : vector<16xi32>
          %lt3A_173 = vector.broadcast %get3A_114 : i32 to vector<16xi32>
          %lt3A_174 = arith.cmpi slt, %add3A_171, %lt3A_173 : vector<16xi32>
          %and3A = arith.andi %ge3A_172, %lt3A_174 : vector<16xi1>
          %gather3A = tpu.vector_load_idx %arg11[%add3A_171] masked %and3A : memref<4096xi32, #tpu.memory_space<vmem>>[vector<16xi32>], vector<16xi32>, vector<16xi1>
          %gather3A_175 = tpu.vector_load_idx %arg12[%add3A_171] masked %and3A : memref<4096xi32, #tpu.memory_space<vmem>>[vector<16xi32>], vector<16xi32>, vector<16xi1>
          %sub3A = arith.constant 95232 : i32
          %sub3A_176 = vector.broadcast %sub3A : i32 to vector<16xi32>
          %sub3A_177 = arith.subi %gather3A, %sub3A_176 : vector<16xi32>
          %max3A = arith.constant 0 : i32
          %max3A_178 = vector.broadcast %max3A : i32 to vector<16xi32>
          %max3A_179 = arith.maxsi %sub3A_177, %max3A_178 : vector<16xi32>
          %broadcast_in_dim3A_180 = arith.constant 0 : i32
          %broadcast_in_dim3A_181 = vector.broadcast %broadcast_in_dim3A_180 : i32 to vector<16xi32>
          %gather3A_182 = tpu.vector_load_idx %arg8[%broadcast_in_dim3A_181, %max3A_179] masked %and3A : memref<8x3072xf32, #tpu.memory_space<vmem>>[vector<16xi32>, vector<16xi32>], vector<16xf32>, vector<16xi1>
          %broadcast_in_dim3A_183 = arith.constant 0 : i32
          %broadcast_in_dim3A_184 = vector.broadcast %broadcast_in_dim3A_183 : i32 to vector<16xi32>
          tpu.vector_store_idx %arg10[%broadcast_in_dim3A_184, %gather3A_175], %gather3A_182 masked %and3A : memref<8x4096xf32, #tpu.memory_space<vmem>>[vector<16xi32>, vector<16xi32>], vector<16xf32>, vector<16xi1>
          %broadcast_in_dim3A_185 = arith.constant 1 : i32
          %broadcast_in_dim3A_186 = vector.broadcast %broadcast_in_dim3A_185 : i32 to vector<16xi32>
          %gather3A_187 = tpu.vector_load_idx %arg8[%broadcast_in_dim3A_186, %max3A_179] masked %and3A : memref<8x3072xf32, #tpu.memory_space<vmem>>[vector<16xi32>, vector<16xi32>], vector<16xf32>, vector<16xi1>
          %broadcast_in_dim3A_188 = arith.constant 1 : i32
          %broadcast_in_dim3A_189 = vector.broadcast %broadcast_in_dim3A_188 : i32 to vector<16xi32>
          tpu.vector_store_idx %arg10[%broadcast_in_dim3A_189, %gather3A_175], %gather3A_187 masked %and3A : memref<8x4096xf32, #tpu.memory_space<vmem>>[vector<16xi32>, vector<16xi32>], vector<16xf32>, vector<16xi1>
          %broadcast_in_dim3A_190 = arith.constant 2 : i32
          %broadcast_in_dim3A_191 = vector.broadcast %broadcast_in_dim3A_190 : i32 to vector<16xi32>
          %gather3A_192 = tpu.vector_load_idx %arg8[%broadcast_in_dim3A_191, %max3A_179] masked %and3A : memref<8x3072xf32, #tpu.memory_space<vmem>>[vector<16xi32>, vector<16xi32>], vector<16xf32>, vector<16xi1>
          %broadcast_in_dim3A_193 = arith.constant 2 : i32
          %broadcast_in_dim3A_194 = vector.broadcast %broadcast_in_dim3A_193 : i32 to vector<16xi32>
          tpu.vector_store_idx %arg10[%broadcast_in_dim3A_194, %gather3A_175], %gather3A_192 masked %and3A : memref<8x4096xf32, #tpu.memory_space<vmem>>[vector<16xi32>, vector<16xi32>], vector<16xf32>, vector<16xi1>
          %broadcast_in_dim3A_195 = arith.constant 3 : i32
          %broadcast_in_dim3A_196 = vector.broadcast %broadcast_in_dim3A_195 : i32 to vector<16xi32>
          %gather3A_197 = tpu.vector_load_idx %arg8[%broadcast_in_dim3A_196, %max3A_179] masked %and3A : memref<8x3072xf32, #tpu.memory_space<vmem>>[vector<16xi32>, vector<16xi32>], vector<16xf32>, vector<16xi1>
          %broadcast_in_dim3A_198 = arith.constant 3 : i32
          %broadcast_in_dim3A_199 = vector.broadcast %broadcast_in_dim3A_198 : i32 to vector<16xi32>
          tpu.vector_store_idx %arg10[%broadcast_in_dim3A_199, %gather3A_175], %gather3A_197 masked %and3A : memref<8x4096xf32, #tpu.memory_space<vmem>>[vector<16xi32>, vector<16xi32>], vector<16xf32>, vector<16xi1>
          %broadcast_in_dim3A_200 = arith.constant 4 : i32
          %broadcast_in_dim3A_201 = vector.broadcast %broadcast_in_dim3A_200 : i32 to vector<16xi32>
          %gather3A_202 = tpu.vector_load_idx %arg8[%broadcast_in_dim3A_201, %max3A_179] masked %and3A : memref<8x3072xf32, #tpu.memory_space<vmem>>[vector<16xi32>, vector<16xi32>], vector<16xf32>, vector<16xi1>
          %broadcast_in_dim3A_203 = arith.constant 4 : i32
          %broadcast_in_dim3A_204 = vector.broadcast %broadcast_in_dim3A_203 : i32 to vector<16xi32>
          tpu.vector_store_idx %arg10[%broadcast_in_dim3A_204, %gather3A_175], %gather3A_202 masked %and3A : memref<8x4096xf32, #tpu.memory_space<vmem>>[vector<16xi32>, vector<16xi32>], vector<16xf32>, vector<16xi1>
          %broadcast_in_dim3A_205 = arith.constant 5 : i32
          %broadcast_in_dim3A_206 = vector.broadcast %broadcast_in_dim3A_205 : i32 to vector<16xi32>
          %gather3A_207 = tpu.vector_load_idx %arg8[%broadcast_in_dim3A_206, %max3A_179] masked %and3A : memref<8x3072xf32, #tpu.memory_space<vmem>>[vector<16xi32>, vector<16xi32>], vector<16xf32>, vector<16xi1>
          %broadcast_in_dim3A_208 = arith.constant 5 : i32
          %broadcast_in_dim3A_209 = vector.broadcast %broadcast_in_dim3A_208 : i32 to vector<16xi32>
          tpu.vector_store_idx %arg10[%broadcast_in_dim3A_209, %gather3A_175], %gather3A_207 masked %and3A : memref<8x4096xf32, #tpu.memory_space<vmem>>[vector<16xi32>, vector<16xi32>], vector<16xf32>, vector<16xi1>
          %broadcast_in_dim3A_210 = arith.constant 6 : i32
          %broadcast_in_dim3A_211 = vector.broadcast %broadcast_in_dim3A_210 : i32 to vector<16xi32>
          %gather3A_212 = tpu.vector_load_idx %arg8[%broadcast_in_dim3A_211, %max3A_179] masked %and3A : memref<8x3072xf32, #tpu.memory_space<vmem>>[vector<16xi32>, vector<16xi32>], vector<16xf32>, vector<16xi1>
          %broadcast_in_dim3A_213 = arith.constant 6 : i32
          %broadcast_in_dim3A_214 = vector.broadcast %broadcast_in_dim3A_213 : i32 to vector<16xi32>
          tpu.vector_store_idx %arg10[%broadcast_in_dim3A_214, %gather3A_175], %gather3A_212 masked %and3A : memref<8x4096xf32, #tpu.memory_space<vmem>>[vector<16xi32>, vector<16xi32>], vector<16xf32>, vector<16xi1>
          %broadcast_in_dim3A_215 = arith.constant 7 : i32
          %broadcast_in_dim3A_216 = vector.broadcast %broadcast_in_dim3A_215 : i32 to vector<16xi32>
          %gather3A_217 = tpu.vector_load_idx %arg8[%broadcast_in_dim3A_216, %max3A_179] masked %and3A : memref<8x3072xf32, #tpu.memory_space<vmem>>[vector<16xi32>, vector<16xi32>], vector<16xf32>, vector<16xi1>
          %broadcast_in_dim3A_218 = arith.constant 7 : i32
          %broadcast_in_dim3A_219 = vector.broadcast %broadcast_in_dim3A_218 : i32 to vector<16xi32>
          tpu.vector_store_idx %arg10[%broadcast_in_dim3A_219, %gather3A_175], %gather3A_217 masked %and3A : memref<8x4096xf32, #tpu.memory_space<vmem>>[vector<16xi32>, vector<16xi32>], vector<16xf32>, vector<16xi1>
        }
        %dma_wait3A_130 = arith.constant 0 : i32
        %dma_wait3A_131 = arith.constant 0 : i32
        %dma_wait3A_132 = tpu.memref_slice %arg9[%dma_wait3A_130, %dma_wait3A_131] : memref<8x3072xf32, #tpu.memory_space<vmem>> -> memref<8x1664xf32, #tpu.memory_space<vmem>>
        %dma_wait3A_133 = arith.constant 98304 : i32
        %dma_wait3A_134 = tpu.memref_slice %arg3[%mul3A_28, %dma_wait3A_133] : memref<832x100000xf32, #tpu.memory_space<hbm>> -> memref<8x1664xf32, #tpu.memory_space<hbm>>
        %dma_wait3A_135 = arith.constant 0 : i32
        %dma_wait3A_136 = arith.constant 0 : i32
        %dma_wait3A_137 = tpu.memref_slice %arg9[%dma_wait3A_135, %dma_wait3A_136] : memref<8x3072xf32, #tpu.memory_space<vmem>> -> memref<8x1664xf32, #tpu.memory_space<vmem>>
        %dma_wait3A_138 = arith.constant 98304 : i32
        %dma_wait3A_139 = tpu.memref_slice %arg3[%mul3A_28, %dma_wait3A_138] : memref<832x100000xf32, #tpu.memory_space<hbm>> -> memref<8x1664xf32, #tpu.memory_space<hbm>>
        tpu.wait_dma2 semaphore(%arg25 : memref<!tpu.dma_semaphore, #tpu.memory_space<semaphore_mem>>) src(%dma_wait3A_139 : memref<8x1664xf32, #tpu.memory_space<hbm>>) dst(%dma_wait3A_137 : memref<8x1664xf32, #tpu.memory_space<vmem>>)
        %get3A_140 = arith.constant 32 : i32
        %get3A_141 = arith.index_cast %get3A_140 : i32 to index
        %get3A_142 = memref.load %arg22[%get3A_141] : memref<34xi32, #tpu.memory_space<smem>>
        %get3A_143 = arith.constant 33 : i32
        %get3A_144 = arith.index_cast %get3A_143 : i32 to index
        %get3A_145 = memref.load %arg22[%get3A_144] : memref<34xi32, #tpu.memory_space<smem>>
        %shift_right_arithmetic3A_146 = arith.constant 4 : i32
        %shift_right_arithmetic3A_147 = arith.shrsi %get3A_142, %shift_right_arithmetic3A_146 : i32
        %add3A_148 = arith.constant 15 : i32
        %add3A_149 = arith.addi %get3A_145, %add3A_148 : i32
        %shift_right_arithmetic3A_150 = arith.constant 4 : i32
        %shift_right_arithmetic3A_151 = arith.shrsi %add3A_149, %shift_right_arithmetic3A_150 : i32
        %while3A_152 = arith.constant 0 : i32
        %while3A_153 = arith.subi %shift_right_arithmetic3A_151, %shift_right_arithmetic3A_147 : i32
        %while3A_154 = arith.addi %shift_right_arithmetic3A_147, %while3A_153 : i32
        %while3A_155 = arith.constant 1 : i32
        %while3A_156 = arith.divsi %while3A_153, %while3A_155 : i32
        %while3A_157 = arith.muli %while3A_156, %while3A_155 : i32
        %while3A_158 = arith.addi %shift_right_arithmetic3A_147, %while3A_157 : i32
        %while3A_159 = arith.constant 1 : i32
        scf.for %while3A_167 = %shift_right_arithmetic3A_147 to %while3A_158 step %while3A_159  : i32 {
          %mul3A_168 = arith.constant 16 : i32
          %mul3A_169 = arith.muli %while3A_167, %mul3A_168 : i32
          %add3A_170 = vector.broadcast %mul3A_169 : i32 to vector<16xi32>
          %add3A_171 = arith.addi %add3A_170, %iota3A : vector<16xi32>
          %ge3A = vector.broadcast %get3A_142 : i32 to vector<16xi32>
          %ge3A_172 = arith.cmpi sge, %add3A_171, %ge3A : vector<16xi32>
          %lt3A_173 = vector.broadcast %get3A_145 : i32 to vector<16xi32>
          %lt3A_174 = arith.cmpi slt, %add3A_171, %lt3A_173 : vector<16xi32>
          %and3A = arith.andi %ge3A_172, %lt3A_174 : vector<16xi1>
          %gather3A = tpu.vector_load_idx %arg11[%add3A_171] masked %and3A : memref<4096xi32, #tpu.memory_space<vmem>>[vector<16xi32>], vector<16xi32>, vector<16xi1>
          %gather3A_175 = tpu.vector_load_idx %arg12[%add3A_171] masked %and3A : memref<4096xi32, #tpu.memory_space<vmem>>[vector<16xi32>], vector<16xi32>, vector<16xi1>
          %sub3A = arith.constant 98304 : i32
          %sub3A_176 = vector.broadcast %sub3A : i32 to vector<16xi32>
          %sub3A_177 = arith.subi %gather3A, %sub3A_176 : vector<16xi32>
          %max3A = arith.constant 0 : i32
          %max3A_178 = vector.broadcast %max3A : i32 to vector<16xi32>
          %max3A_179 = arith.maxsi %sub3A_177, %max3A_178 : vector<16xi32>
          %ge3A_180 = arith.constant 99968 : i32
          %ge3A_181 = vector.broadcast %ge3A_180 : i32 to vector<16xi32>
          %ge3A_182 = arith.cmpi sge, %gather3A, %ge3A_181 : vector<16xi32>
          %sub3A_183 = arith.constant 99968 : i32
          %sub3A_184 = vector.broadcast %sub3A_183 : i32 to vector<16xi32>
          %sub3A_185 = arith.subi %gather3A, %sub3A_184 : vector<16xi32>
          %max3A_186 = arith.constant 0 : i32
          %max3A_187 = vector.broadcast %max3A_186 : i32 to vector<16xi32>
          %max3A_188 = arith.maxsi %sub3A_185, %max3A_187 : vector<16xi32>
          %broadcast_in_dim3A_189 = arith.constant 0 : i32
          %broadcast_in_dim3A_190 = vector.broadcast %broadcast_in_dim3A_189 : i32 to vector<16xi32>
          %gather3A_191 = tpu.vector_load_idx %arg9[%broadcast_in_dim3A_190, %max3A_179] masked %and3A : memref<8x3072xf32, #tpu.memory_space<vmem>>[vector<16xi32>, vector<16xi32>], vector<16xf32>, vector<16xi1>
          %and3A_192 = arith.constant 3 : i32
          %and3A_193 = arith.andi %add3A_22, %and3A_192 : i32
          %mul3A_194 = arith.constant 2 : i32
          %mul3A_195 = arith.muli %mul3A_194, %and3A_193 : i32
          %add3A_196 = arith.constant 0 : i32
          %add3A_197 = arith.addi %mul3A_195, %add3A_196 : i32
          %broadcast_in_dim3A_198 = vector.broadcast %add3A_197 : i32 to vector<16xi32>
          %add3A_199 = arith.constant 0 : i32
          %add3A_200 = vector.broadcast %add3A_199 : i32 to vector<16xi32>
          %add3A_201 = arith.addi %add3A_200, %max3A_188 : vector<16xi32>
          %gather3A_202 = tpu.vector_load_idx %arg21[%broadcast_in_dim3A_198, %add3A_201] masked %and3A : memref<8x128xf32, #tpu.memory_space<vmem>>[vector<16xi32>, vector<16xi32>], vector<16xf32>, vector<16xi1>
          %select_n3A_203 = arith.select %ge3A_182, %gather3A_202, %gather3A_191 : vector<16xi1>, vector<16xf32>
          %broadcast_in_dim3A_204 = arith.constant 0 : i32
          %broadcast_in_dim3A_205 = vector.broadcast %broadcast_in_dim3A_204 : i32 to vector<16xi32>
          tpu.vector_store_idx %arg10[%broadcast_in_dim3A_205, %gather3A_175], %select_n3A_203 masked %and3A : memref<8x4096xf32, #tpu.memory_space<vmem>>[vector<16xi32>, vector<16xi32>], vector<16xf32>, vector<16xi1>
          %broadcast_in_dim3A_206 = arith.constant 1 : i32
          %broadcast_in_dim3A_207 = vector.broadcast %broadcast_in_dim3A_206 : i32 to vector<16xi32>
          %gather3A_208 = tpu.vector_load_idx %arg9[%broadcast_in_dim3A_207, %max3A_179] masked %and3A : memref<8x3072xf32, #tpu.memory_space<vmem>>[vector<16xi32>, vector<16xi32>], vector<16xf32>, vector<16xi1>
          %and3A_209 = arith.constant 3 : i32
          %and3A_210 = arith.andi %add3A_22, %and3A_209 : i32
          %mul3A_211 = arith.constant 2 : i32
          %mul3A_212 = arith.muli %mul3A_211, %and3A_210 : i32
          %add3A_213 = arith.constant 0 : i32
          %add3A_214 = arith.addi %mul3A_212, %add3A_213 : i32
          %broadcast_in_dim3A_215 = vector.broadcast %add3A_214 : i32 to vector<16xi32>
          %add3A_216 = arith.constant 32 : i32
          %add3A_217 = vector.broadcast %add3A_216 : i32 to vector<16xi32>
          %add3A_218 = arith.addi %add3A_217, %max3A_188 : vector<16xi32>
          %gather3A_219 = tpu.vector_load_idx %arg21[%broadcast_in_dim3A_215, %add3A_218] masked %and3A : memref<8x128xf32, #tpu.memory_space<vmem>>[vector<16xi32>, vector<16xi32>], vector<16xf32>, vector<16xi1>
          %select_n3A_220 = arith.select %ge3A_182, %gather3A_219, %gather3A_208 : vector<16xi1>, vector<16xf32>
          %broadcast_in_dim3A_221 = arith.constant 1 : i32
          %broadcast_in_dim3A_222 = vector.broadcast %broadcast_in_dim3A_221 : i32 to vector<16xi32>
          tpu.vector_store_idx %arg10[%broadcast_in_dim3A_222, %gather3A_175], %select_n3A_220 masked %and3A : memref<8x4096xf32, #tpu.memory_space<vmem>>[vector<16xi32>, vector<16xi32>], vector<16xf32>, vector<16xi1>
          %broadcast_in_dim3A_223 = arith.constant 2 : i32
          %broadcast_in_dim3A_224 = vector.broadcast %broadcast_in_dim3A_223 : i32 to vector<16xi32>
          %gather3A_225 = tpu.vector_load_idx %arg9[%broadcast_in_dim3A_224, %max3A_179] masked %and3A : memref<8x3072xf32, #tpu.memory_space<vmem>>[vector<16xi32>, vector<16xi32>], vector<16xf32>, vector<16xi1>
          %and3A_226 = arith.constant 3 : i32
          %and3A_227 = arith.andi %add3A_22, %and3A_226 : i32
          %mul3A_228 = arith.constant 2 : i32
          %mul3A_229 = arith.muli %mul3A_228, %and3A_227 : i32
          %add3A_230 = arith.constant 0 : i32
          %add3A_231 = arith.addi %mul3A_229, %add3A_230 : i32
          %broadcast_in_dim3A_232 = vector.broadcast %add3A_231 : i32 to vector<16xi32>
          %add3A_233 = arith.constant 64 : i32
          %add3A_234 = vector.broadcast %add3A_233 : i32 to vector<16xi32>
          %add3A_235 = arith.addi %add3A_234, %max3A_188 : vector<16xi32>
          %gather3A_236 = tpu.vector_load_idx %arg21[%broadcast_in_dim3A_232, %add3A_235] masked %and3A : memref<8x128xf32, #tpu.memory_space<vmem>>[vector<16xi32>, vector<16xi32>], vector<16xf32>, vector<16xi1>
          %select_n3A_237 = arith.select %ge3A_182, %gather3A_236, %gather3A_225 : vector<16xi1>, vector<16xf32>
          %broadcast_in_dim3A_238 = arith.constant 2 : i32
          %broadcast_in_dim3A_239 = vector.broadcast %broadcast_in_dim3A_238 : i32 to vector<16xi32>
          tpu.vector_store_idx %arg10[%broadcast_in_dim3A_239, %gather3A_175], %select_n3A_237 masked %and3A : memref<8x4096xf32, #tpu.memory_space<vmem>>[vector<16xi32>, vector<16xi32>], vector<16xf32>, vector<16xi1>
          %broadcast_in_dim3A_240 = arith.constant 3 : i32
          %broadcast_in_dim3A_241 = vector.broadcast %broadcast_in_dim3A_240 : i32 to vector<16xi32>
          %gather3A_242 = tpu.vector_load_idx %arg9[%broadcast_in_dim3A_241, %max3A_179] masked %and3A : memref<8x3072xf32, #tpu.memory_space<vmem>>[vector<16xi32>, vector<16xi32>], vector<16xf32>, vector<16xi1>
          %and3A_243 = arith.constant 3 : i32
          %and3A_244 = arith.andi %add3A_22, %and3A_243 : i32
          %mul3A_245 = arith.constant 2 : i32
          %mul3A_246 = arith.muli %mul3A_245, %and3A_244 : i32
          %add3A_247 = arith.constant 0 : i32
          %add3A_248 = arith.addi %mul3A_246, %add3A_247 : i32
          %broadcast_in_dim3A_249 = vector.broadcast %add3A_248 : i32 to vector<16xi32>
          %add3A_250 = arith.constant 96 : i32
          %add3A_251 = vector.broadcast %add3A_250 : i32 to vector<16xi32>
          %add3A_252 = arith.addi %add3A_251, %max3A_188 : vector<16xi32>
          %gather3A_253 = tpu.vector_load_idx %arg21[%broadcast_in_dim3A_249, %add3A_252] masked %and3A : memref<8x128xf32, #tpu.memory_space<vmem>>[vector<16xi32>, vector<16xi32>], vector<16xf32>, vector<16xi1>
          %select_n3A_254 = arith.select %ge3A_182, %gather3A_253, %gather3A_242 : vector<16xi1>, vector<16xf32>
          %broadcast_in_dim3A_255 = arith.constant 3 : i32
          %broadcast_in_dim3A_256 = vector.broadcast %broadcast_in_dim3A_255 : i32 to vector<16xi32>
          tpu.vector_store_idx %arg10[%broadcast_in_dim3A_256, %gather3A_175], %select_n3A_254 masked %and3A : memref<8x4096xf32, #tpu.memory_space<vmem>>[vector<16xi32>, vector<16xi32>], vector<16xf32>, vector<16xi1>
          %broadcast_in_dim3A_257 = arith.constant 4 : i32
          %broadcast_in_dim3A_258 = vector.broadcast %broadcast_in_dim3A_257 : i32 to vector<16xi32>
          %gather3A_259 = tpu.vector_load_idx %arg9[%broadcast_in_dim3A_258, %max3A_179] masked %and3A : memref<8x3072xf32, #tpu.memory_space<vmem>>[vector<16xi32>, vector<16xi32>], vector<16xf32>, vector<16xi1>
          %and3A_260 = arith.constant 3 : i32
          %and3A_261 = arith.andi %add3A_22, %and3A_260 : i32
          %mul3A_262 = arith.constant 2 : i32
          %mul3A_263 = arith.muli %mul3A_262, %and3A_261 : i32
          %add3A_264 = arith.constant 1 : i32
          %add3A_265 = arith.addi %mul3A_263, %add3A_264 : i32
          %broadcast_in_dim3A_266 = vector.broadcast %add3A_265 : i32 to vector<16xi32>
          %add3A_267 = arith.constant 0 : i32
          %add3A_268 = vector.broadcast %add3A_267 : i32 to vector<16xi32>
          %add3A_269 = arith.addi %add3A_268, %max3A_188 : vector<16xi32>
          %gather3A_270 = tpu.vector_load_idx %arg21[%broadcast_in_dim3A_266, %add3A_269] masked %and3A : memref<8x128xf32, #tpu.memory_space<vmem>>[vector<16xi32>, vector<16xi32>], vector<16xf32>, vector<16xi1>
          %select_n3A_271 = arith.select %ge3A_182, %gather3A_270, %gather3A_259 : vector<16xi1>, vector<16xf32>
          %broadcast_in_dim3A_272 = arith.constant 4 : i32
          %broadcast_in_dim3A_273 = vector.broadcast %broadcast_in_dim3A_272 : i32 to vector<16xi32>
          tpu.vector_store_idx %arg10[%broadcast_in_dim3A_273, %gather3A_175], %select_n3A_271 masked %and3A : memref<8x4096xf32, #tpu.memory_space<vmem>>[vector<16xi32>, vector<16xi32>], vector<16xf32>, vector<16xi1>
          %broadcast_in_dim3A_274 = arith.constant 5 : i32
          %broadcast_in_dim3A_275 = vector.broadcast %broadcast_in_dim3A_274 : i32 to vector<16xi32>
          %gather3A_276 = tpu.vector_load_idx %arg9[%broadcast_in_dim3A_275, %max3A_179] masked %and3A : memref<8x3072xf32, #tpu.memory_space<vmem>>[vector<16xi32>, vector<16xi32>], vector<16xf32>, vector<16xi1>
          %and3A_277 = arith.constant 3 : i32
          %and3A_278 = arith.andi %add3A_22, %and3A_277 : i32
          %mul3A_279 = arith.constant 2 : i32
          %mul3A_280 = arith.muli %mul3A_279, %and3A_278 : i32
          %add3A_281 = arith.constant 1 : i32
          %add3A_282 = arith.addi %mul3A_280, %add3A_281 : i32
          %broadcast_in_dim3A_283 = vector.broadcast %add3A_282 : i32 to vector<16xi32>
          %add3A_284 = arith.constant 32 : i32
          %add3A_285 = vector.broadcast %add3A_284 : i32 to vector<16xi32>
          %add3A_286 = arith.addi %add3A_285, %max3A_188 : vector<16xi32>
          %gather3A_287 = tpu.vector_load_idx %arg21[%broadcast_in_dim3A_283, %add3A_286] masked %and3A : memref<8x128xf32, #tpu.memory_space<vmem>>[vector<16xi32>, vector<16xi32>], vector<16xf32>, vector<16xi1>
          %select_n3A_288 = arith.select %ge3A_182, %gather3A_287, %gather3A_276 : vector<16xi1>, vector<16xf32>
          %broadcast_in_dim3A_289 = arith.constant 5 : i32
          %broadcast_in_dim3A_290 = vector.broadcast %broadcast_in_dim3A_289 : i32 to vector<16xi32>
          tpu.vector_store_idx %arg10[%broadcast_in_dim3A_290, %gather3A_175], %select_n3A_288 masked %and3A : memref<8x4096xf32, #tpu.memory_space<vmem>>[vector<16xi32>, vector<16xi32>], vector<16xf32>, vector<16xi1>
          %broadcast_in_dim3A_291 = arith.constant 6 : i32
          %broadcast_in_dim3A_292 = vector.broadcast %broadcast_in_dim3A_291 : i32 to vector<16xi32>
          %gather3A_293 = tpu.vector_load_idx %arg9[%broadcast_in_dim3A_292, %max3A_179] masked %and3A : memref<8x3072xf32, #tpu.memory_space<vmem>>[vector<16xi32>, vector<16xi32>], vector<16xf32>, vector<16xi1>
          %and3A_294 = arith.constant 3 : i32
          %and3A_295 = arith.andi %add3A_22, %and3A_294 : i32
          %mul3A_296 = arith.constant 2 : i32
          %mul3A_297 = arith.muli %mul3A_296, %and3A_295 : i32
          %add3A_298 = arith.constant 1 : i32
          %add3A_299 = arith.addi %mul3A_297, %add3A_298 : i32
          %broadcast_in_dim3A_300 = vector.broadcast %add3A_299 : i32 to vector<16xi32>
          %add3A_301 = arith.constant 64 : i32
          %add3A_302 = vector.broadcast %add3A_301 : i32 to vector<16xi32>
          %add3A_303 = arith.addi %add3A_302, %max3A_188 : vector<16xi32>
          %gather3A_304 = tpu.vector_load_idx %arg21[%broadcast_in_dim3A_300, %add3A_303] masked %and3A : memref<8x128xf32, #tpu.memory_space<vmem>>[vector<16xi32>, vector<16xi32>], vector<16xf32>, vector<16xi1>
          %select_n3A_305 = arith.select %ge3A_182, %gather3A_304, %gather3A_293 : vector<16xi1>, vector<16xf32>
          %broadcast_in_dim3A_306 = arith.constant 6 : i32
          %broadcast_in_dim3A_307 = vector.broadcast %broadcast_in_dim3A_306 : i32 to vector<16xi32>
          tpu.vector_store_idx %arg10[%broadcast_in_dim3A_307, %gather3A_175], %select_n3A_305 masked %and3A : memref<8x4096xf32, #tpu.memory_space<vmem>>[vector<16xi32>, vector<16xi32>], vector<16xf32>, vector<16xi1>
          %broadcast_in_dim3A_308 = arith.constant 7 : i32
          %broadcast_in_dim3A_309 = vector.broadcast %broadcast_in_dim3A_308 : i32 to vector<16xi32>
          %gather3A_310 = tpu.vector_load_idx %arg9[%broadcast_in_dim3A_309, %max3A_179] masked %and3A : memref<8x3072xf32, #tpu.memory_space<vmem>>[vector<16xi32>, vector<16xi32>], vector<16xf32>, vector<16xi1>
          %and3A_311 = arith.constant 3 : i32
          %and3A_312 = arith.andi %add3A_22, %and3A_311 : i32
          %mul3A_313 = arith.constant 2 : i32
          %mul3A_314 = arith.muli %mul3A_313, %and3A_312 : i32
          %add3A_315 = arith.constant 1 : i32
          %add3A_316 = arith.addi %mul3A_314, %add3A_315 : i32
          %broadcast_in_dim3A_317 = vector.broadcast %add3A_316 : i32 to vector<16xi32>
          %add3A_318 = arith.constant 96 : i32
          %add3A_319 = vector.broadcast %add3A_318 : i32 to vector<16xi32>
          %add3A_320 = arith.addi %add3A_319, %max3A_188 : vector<16xi32>
          %gather3A_321 = tpu.vector_load_idx %arg21[%broadcast_in_dim3A_317, %add3A_320] masked %and3A : memref<8x128xf32, #tpu.memory_space<vmem>>[vector<16xi32>, vector<16xi32>], vector<16xf32>, vector<16xi1>
          %select_n3A_322 = arith.select %ge3A_182, %gather3A_321, %gather3A_310 : vector<16xi1>, vector<16xf32>
          %broadcast_in_dim3A_323 = arith.constant 7 : i32
          %broadcast_in_dim3A_324 = vector.broadcast %broadcast_in_dim3A_323 : i32 to vector<16xi32>
          tpu.vector_store_idx %arg10[%broadcast_in_dim3A_324, %gather3A_175], %select_n3A_322 masked %and3A : memref<8x4096xf32, #tpu.memory_space<vmem>>[vector<16xi32>, vector<16xi32>], vector<16xf32>, vector<16xi1>
        }
        %while3A_160 = arith.constant 1 : i32
        scf.for %while3A_167 = %while3A_158 to %while3A_154 step %while3A_160  : i32 {
          %mul3A_168 = arith.constant 16 : i32
          %mul3A_169 = arith.muli %while3A_167, %mul3A_168 : i32
          %add3A_170 = vector.broadcast %mul3A_169 : i32 to vector<16xi32>
          %add3A_171 = arith.addi %add3A_170, %iota3A : vector<16xi32>
          %ge3A = vector.broadcast %get3A_142 : i32 to vector<16xi32>
          %ge3A_172 = arith.cmpi sge, %add3A_171, %ge3A : vector<16xi32>
          %lt3A_173 = vector.broadcast %get3A_145 : i32 to vector<16xi32>
          %lt3A_174 = arith.cmpi slt, %add3A_171, %lt3A_173 : vector<16xi32>
          %and3A = arith.andi %ge3A_172, %lt3A_174 : vector<16xi1>
          %gather3A = tpu.vector_load_idx %arg11[%add3A_171] masked %and3A : memref<4096xi32, #tpu.memory_space<vmem>>[vector<16xi32>], vector<16xi32>, vector<16xi1>
          %gather3A_175 = tpu.vector_load_idx %arg12[%add3A_171] masked %and3A : memref<4096xi32, #tpu.memory_space<vmem>>[vector<16xi32>], vector<16xi32>, vector<16xi1>
          %sub3A = arith.constant 98304 : i32
          %sub3A_176 = vector.broadcast %sub3A : i32 to vector<16xi32>
          %sub3A_177 = arith.subi %gather3A, %sub3A_176 : vector<16xi32>
          %max3A = arith.constant 0 : i32
          %max3A_178 = vector.broadcast %max3A : i32 to vector<16xi32>
          %max3A_179 = arith.maxsi %sub3A_177, %max3A_178 : vector<16xi32>
          %ge3A_180 = arith.constant 99968 : i32
          %ge3A_181 = vector.broadcast %ge3A_180 : i32 to vector<16xi32>
          %ge3A_182 = arith.cmpi sge, %gather3A, %ge3A_181 : vector<16xi32>
          %sub3A_183 = arith.constant 99968 : i32
          %sub3A_184 = vector.broadcast %sub3A_183 : i32 to vector<16xi32>
          %sub3A_185 = arith.subi %gather3A, %sub3A_184 : vector<16xi32>
          %max3A_186 = arith.constant 0 : i32
          %max3A_187 = vector.broadcast %max3A_186 : i32 to vector<16xi32>
          %max3A_188 = arith.maxsi %sub3A_185, %max3A_187 : vector<16xi32>
          %broadcast_in_dim3A_189 = arith.constant 0 : i32
          %broadcast_in_dim3A_190 = vector.broadcast %broadcast_in_dim3A_189 : i32 to vector<16xi32>
          %gather3A_191 = tpu.vector_load_idx %arg9[%broadcast_in_dim3A_190, %max3A_179] masked %and3A : memref<8x3072xf32, #tpu.memory_space<vmem>>[vector<16xi32>, vector<16xi32>], vector<16xf32>, vector<16xi1>
          %and3A_192 = arith.constant 3 : i32
          %and3A_193 = arith.andi %add3A_22, %and3A_192 : i32
          %mul3A_194 = arith.constant 2 : i32
          %mul3A_195 = arith.muli %mul3A_194, %and3A_193 : i32
          %add3A_196 = arith.constant 0 : i32
          %add3A_197 = arith.addi %mul3A_195, %add3A_196 : i32
          %broadcast_in_dim3A_198 = vector.broadcast %add3A_197 : i32 to vector<16xi32>
          %add3A_199 = arith.constant 0 : i32
          %add3A_200 = vector.broadcast %add3A_199 : i32 to vector<16xi32>
          %add3A_201 = arith.addi %add3A_200, %max3A_188 : vector<16xi32>
          %gather3A_202 = tpu.vector_load_idx %arg21[%broadcast_in_dim3A_198, %add3A_201] masked %and3A : memref<8x128xf32, #tpu.memory_space<vmem>>[vector<16xi32>, vector<16xi32>], vector<16xf32>, vector<16xi1>
          %select_n3A_203 = arith.select %ge3A_182, %gather3A_202, %gather3A_191 : vector<16xi1>, vector<16xf32>
          %broadcast_in_dim3A_204 = arith.constant 0 : i32
          %broadcast_in_dim3A_205 = vector.broadcast %broadcast_in_dim3A_204 : i32 to vector<16xi32>
          tpu.vector_store_idx %arg10[%broadcast_in_dim3A_205, %gather3A_175], %select_n3A_203 masked %and3A : memref<8x4096xf32, #tpu.memory_space<vmem>>[vector<16xi32>, vector<16xi32>], vector<16xf32>, vector<16xi1>
          %broadcast_in_dim3A_206 = arith.constant 1 : i32
          %broadcast_in_dim3A_207 = vector.broadcast %broadcast_in_dim3A_206 : i32 to vector<16xi32>
          %gather3A_208 = tpu.vector_load_idx %arg9[%broadcast_in_dim3A_207, %max3A_179] masked %and3A : memref<8x3072xf32, #tpu.memory_space<vmem>>[vector<16xi32>, vector<16xi32>], vector<16xf32>, vector<16xi1>
          %and3A_209 = arith.constant 3 : i32
          %and3A_210 = arith.andi %add3A_22, %and3A_209 : i32
          %mul3A_211 = arith.constant 2 : i32
          %mul3A_212 = arith.muli %mul3A_211, %and3A_210 : i32
          %add3A_213 = arith.constant 0 : i32
          %add3A_214 = arith.addi %mul3A_212, %add3A_213 : i32
          %broadcast_in_dim3A_215 = vector.broadcast %add3A_214 : i32 to vector<16xi32>
          %add3A_216 = arith.constant 32 : i32
          %add3A_217 = vector.broadcast %add3A_216 : i32 to vector<16xi32>
          %add3A_218 = arith.addi %add3A_217, %max3A_188 : vector<16xi32>
          %gather3A_219 = tpu.vector_load_idx %arg21[%broadcast_in_dim3A_215, %add3A_218] masked %and3A : memref<8x128xf32, #tpu.memory_space<vmem>>[vector<16xi32>, vector<16xi32>], vector<16xf32>, vector<16xi1>
          %select_n3A_220 = arith.select %ge3A_182, %gather3A_219, %gather3A_208 : vector<16xi1>, vector<16xf32>
          %broadcast_in_dim3A_221 = arith.constant 1 : i32
          %broadcast_in_dim3A_222 = vector.broadcast %broadcast_in_dim3A_221 : i32 to vector<16xi32>
          tpu.vector_store_idx %arg10[%broadcast_in_dim3A_222, %gather3A_175], %select_n3A_220 masked %and3A : memref<8x4096xf32, #tpu.memory_space<vmem>>[vector<16xi32>, vector<16xi32>], vector<16xf32>, vector<16xi1>
          %broadcast_in_dim3A_223 = arith.constant 2 : i32
          %broadcast_in_dim3A_224 = vector.broadcast %broadcast_in_dim3A_223 : i32 to vector<16xi32>
          %gather3A_225 = tpu.vector_load_idx %arg9[%broadcast_in_dim3A_224, %max3A_179] masked %and3A : memref<8x3072xf32, #tpu.memory_space<vmem>>[vector<16xi32>, vector<16xi32>], vector<16xf32>, vector<16xi1>
          %and3A_226 = arith.constant 3 : i32
          %and3A_227 = arith.andi %add3A_22, %and3A_226 : i32
          %mul3A_228 = arith.constant 2 : i32
          %mul3A_229 = arith.muli %mul3A_228, %and3A_227 : i32
          %add3A_230 = arith.constant 0 : i32
          %add3A_231 = arith.addi %mul3A_229, %add3A_230 : i32
          %broadcast_in_dim3A_232 = vector.broadcast %add3A_231 : i32 to vector<16xi32>
          %add3A_233 = arith.constant 64 : i32
          %add3A_234 = vector.broadcast %add3A_233 : i32 to vector<16xi32>
          %add3A_235 = arith.addi %add3A_234, %max3A_188 : vector<16xi32>
          %gather3A_236 = tpu.vector_load_idx %arg21[%broadcast_in_dim3A_232, %add3A_235] masked %and3A : memref<8x128xf32, #tpu.memory_space<vmem>>[vector<16xi32>, vector<16xi32>], vector<16xf32>, vector<16xi1>
          %select_n3A_237 = arith.select %ge3A_182, %gather3A_236, %gather3A_225 : vector<16xi1>, vector<16xf32>
          %broadcast_in_dim3A_238 = arith.constant 2 : i32
          %broadcast_in_dim3A_239 = vector.broadcast %broadcast_in_dim3A_238 : i32 to vector<16xi32>
          tpu.vector_store_idx %arg10[%broadcast_in_dim3A_239, %gather3A_175], %select_n3A_237 masked %and3A : memref<8x4096xf32, #tpu.memory_space<vmem>>[vector<16xi32>, vector<16xi32>], vector<16xf32>, vector<16xi1>
          %broadcast_in_dim3A_240 = arith.constant 3 : i32
          %broadcast_in_dim3A_241 = vector.broadcast %broadcast_in_dim3A_240 : i32 to vector<16xi32>
          %gather3A_242 = tpu.vector_load_idx %arg9[%broadcast_in_dim3A_241, %max3A_179] masked %and3A : memref<8x3072xf32, #tpu.memory_space<vmem>>[vector<16xi32>, vector<16xi32>], vector<16xf32>, vector<16xi1>
          %and3A_243 = arith.constant 3 : i32
          %and3A_244 = arith.andi %add3A_22, %and3A_243 : i32
          %mul3A_245 = arith.constant 2 : i32
          %mul3A_246 = arith.muli %mul3A_245, %and3A_244 : i32
          %add3A_247 = arith.constant 0 : i32
          %add3A_248 = arith.addi %mul3A_246, %add3A_247 : i32
          %broadcast_in_dim3A_249 = vector.broadcast %add3A_248 : i32 to vector<16xi32>
          %add3A_250 = arith.constant 96 : i32
          %add3A_251 = vector.broadcast %add3A_250 : i32 to vector<16xi32>
          %add3A_252 = arith.addi %add3A_251, %max3A_188 : vector<16xi32>
          %gather3A_253 = tpu.vector_load_idx %arg21[%broadcast_in_dim3A_249, %add3A_252] masked %and3A : memref<8x128xf32, #tpu.memory_space<vmem>>[vector<16xi32>, vector<16xi32>], vector<16xf32>, vector<16xi1>
          %select_n3A_254 = arith.select %ge3A_182, %gather3A_253, %gather3A_242 : vector<16xi1>, vector<16xf32>
          %broadcast_in_dim3A_255 = arith.constant 3 : i32
          %broadcast_in_dim3A_256 = vector.broadcast %broadcast_in_dim3A_255 : i32 to vector<16xi32>
          tpu.vector_store_idx %arg10[%broadcast_in_dim3A_256, %gather3A_175], %select_n3A_254 masked %and3A : memref<8x4096xf32, #tpu.memory_space<vmem>>[vector<16xi32>, vector<16xi32>], vector<16xf32>, vector<16xi1>
          %broadcast_in_dim3A_257 = arith.constant 4 : i32
          %broadcast_in_dim3A_258 = vector.broadcast %broadcast_in_dim3A_257 : i32 to vector<16xi32>
          %gather3A_259 = tpu.vector_load_idx %arg9[%broadcast_in_dim3A_258, %max3A_179] masked %and3A : memref<8x3072xf32, #tpu.memory_space<vmem>>[vector<16xi32>, vector<16xi32>], vector<16xf32>, vector<16xi1>
          %and3A_260 = arith.constant 3 : i32
          %and3A_261 = arith.andi %add3A_22, %and3A_260 : i32
          %mul3A_262 = arith.constant 2 : i32
          %mul3A_263 = arith.muli %mul3A_262, %and3A_261 : i32
          %add3A_264 = arith.constant 1 : i32
          %add3A_265 = arith.addi %mul3A_263, %add3A_264 : i32
          %broadcast_in_dim3A_266 = vector.broadcast %add3A_265 : i32 to vector<16xi32>
          %add3A_267 = arith.constant 0 : i32
          %add3A_268 = vector.broadcast %add3A_267 : i32 to vector<16xi32>
          %add3A_269 = arith.addi %add3A_268, %max3A_188 : vector<16xi32>
          %gather3A_270 = tpu.vector_load_idx %arg21[%broadcast_in_dim3A_266, %add3A_269] masked %and3A : memref<8x128xf32, #tpu.memory_space<vmem>>[vector<16xi32>, vector<16xi32>], vector<16xf32>, vector<16xi1>
          %select_n3A_271 = arith.select %ge3A_182, %gather3A_270, %gather3A_259 : vector<16xi1>, vector<16xf32>
          %broadcast_in_dim3A_272 = arith.constant 4 : i32
          %broadcast_in_dim3A_273 = vector.broadcast %broadcast_in_dim3A_272 : i32 to vector<16xi32>
          tpu.vector_store_idx %arg10[%broadcast_in_dim3A_273, %gather3A_175], %select_n3A_271 masked %and3A : memref<8x4096xf32, #tpu.memory_space<vmem>>[vector<16xi32>, vector<16xi32>], vector<16xf32>, vector<16xi1>
          %broadcast_in_dim3A_274 = arith.constant 5 : i32
          %broadcast_in_dim3A_275 = vector.broadcast %broadcast_in_dim3A_274 : i32 to vector<16xi32>
          %gather3A_276 = tpu.vector_load_idx %arg9[%broadcast_in_dim3A_275, %max3A_179] masked %and3A : memref<8x3072xf32, #tpu.memory_space<vmem>>[vector<16xi32>, vector<16xi32>], vector<16xf32>, vector<16xi1>
          %and3A_277 = arith.constant 3 : i32
          %and3A_278 = arith.andi %add3A_22, %and3A_277 : i32
          %mul3A_279 = arith.constant 2 : i32
          %mul3A_280 = arith.muli %mul3A_279, %and3A_278 : i32
          %add3A_281 = arith.constant 1 : i32
          %add3A_282 = arith.addi %mul3A_280, %add3A_281 : i32
          %broadcast_in_dim3A_283 = vector.broadcast %add3A_282 : i32 to vector<16xi32>
          %add3A_284 = arith.constant 32 : i32
          %add3A_285 = vector.broadcast %add3A_284 : i32 to vector<16xi32>
          %add3A_286 = arith.addi %add3A_285, %max3A_188 : vector<16xi32>
          %gather3A_287 = tpu.vector_load_idx %arg21[%broadcast_in_dim3A_283, %add3A_286] masked %and3A : memref<8x128xf32, #tpu.memory_space<vmem>>[vector<16xi32>, vector<16xi32>], vector<16xf32>, vector<16xi1>
          %select_n3A_288 = arith.select %ge3A_182, %gather3A_287, %gather3A_276 : vector<16xi1>, vector<16xf32>
          %broadcast_in_dim3A_289 = arith.constant 5 : i32
          %broadcast_in_dim3A_290 = vector.broadcast %broadcast_in_dim3A_289 : i32 to vector<16xi32>
          tpu.vector_store_idx %arg10[%broadcast_in_dim3A_290, %gather3A_175], %select_n3A_288 masked %and3A : memref<8x4096xf32, #tpu.memory_space<vmem>>[vector<16xi32>, vector<16xi32>], vector<16xf32>, vector<16xi1>
          %broadcast_in_dim3A_291 = arith.constant 6 : i32
          %broadcast_in_dim3A_292 = vector.broadcast %broadcast_in_dim3A_291 : i32 to vector<16xi32>
          %gather3A_293 = tpu.vector_load_idx %arg9[%broadcast_in_dim3A_292, %max3A_179] masked %and3A : memref<8x3072xf32, #tpu.memory_space<vmem>>[vector<16xi32>, vector<16xi32>], vector<16xf32>, vector<16xi1>
          %and3A_294 = arith.constant 3 : i32
          %and3A_295 = arith.andi %add3A_22, %and3A_294 : i32
          %mul3A_296 = arith.constant 2 : i32
          %mul3A_297 = arith.muli %mul3A_296, %and3A_295 : i32
          %add3A_298 = arith.constant 1 : i32
          %add3A_299 = arith.addi %mul3A_297, %add3A_298 : i32
          %broadcast_in_dim3A_300 = vector.broadcast %add3A_299 : i32 to vector<16xi32>
          %add3A_301 = arith.constant 64 : i32
          %add3A_302 = vector.broadcast %add3A_301 : i32 to vector<16xi32>
          %add3A_303 = arith.addi %add3A_302, %max3A_188 : vector<16xi32>
          %gather3A_304 = tpu.vector_load_idx %arg21[%broadcast_in_dim3A_300, %add3A_303] masked %and3A : memref<8x128xf32, #tpu.memory_space<vmem>>[vector<16xi32>, vector<16xi32>], vector<16xf32>, vector<16xi1>
          %select_n3A_305 = arith.select %ge3A_182, %gather3A_304, %gather3A_293 : vector<16xi1>, vector<16xf32>
          %broadcast_in_dim3A_306 = arith.constant 6 : i32
          %broadcast_in_dim3A_307 = vector.broadcast %broadcast_in_dim3A_306 : i32 to vector<16xi32>
          tpu.vector_store_idx %arg10[%broadcast_in_dim3A_307, %gather3A_175], %select_n3A_305 masked %and3A : memref<8x4096xf32, #tpu.memory_space<vmem>>[vector<16xi32>, vector<16xi32>], vector<16xf32>, vector<16xi1>
          %broadcast_in_dim3A_308 = arith.constant 7 : i32
          %broadcast_in_dim3A_309 = vector.broadcast %broadcast_in_dim3A_308 : i32 to vector<16xi32>
          %gather3A_310 = tpu.vector_load_idx %arg9[%broadcast_in_dim3A_309, %max3A_179] masked %and3A : memref<8x3072xf32, #tpu.memory_space<vmem>>[vector<16xi32>, vector<16xi32>], vector<16xf32>, vector<16xi1>
          %and3A_311 = arith.constant 3 : i32
          %and3A_312 = arith.andi %add3A_22, %and3A_311 : i32
          %mul3A_313 = arith.constant 2 : i32
          %mul3A_314 = arith.muli %mul3A_313, %and3A_312 : i32
          %add3A_315 = arith.constant 1 : i32
          %add3A_316 = arith.addi %mul3A_314, %add3A_315 : i32
          %broadcast_in_dim3A_317 = vector.broadcast %add3A_316 : i32 to vector<16xi32>
          %add3A_318 = arith.constant 96 : i32
          %add3A_319 = vector.broadcast %add3A_318 : i32 to vector<16xi32>
          %add3A_320 = arith.addi %add3A_319, %max3A_188 : vector<16xi32>
          %gather3A_321 = tpu.vector_load_idx %arg21[%broadcast_in_dim3A_317, %add3A_320] masked %and3A : memref<8x128xf32, #tpu.memory_space<vmem>>[vector<16xi32>, vector<16xi32>], vector<16xf32>, vector<16xi1>
          %select_n3A_322 = arith.select %ge3A_182, %gather3A_321, %gather3A_310 : vector<16xi1>, vector<16xf32>
          %broadcast_in_dim3A_323 = arith.constant 7 : i32
          %broadcast_in_dim3A_324 = vector.broadcast %broadcast_in_dim3A_323 : i32 to vector<16xi32>
          tpu.vector_store_idx %arg10[%broadcast_in_dim3A_324, %gather3A_175], %select_n3A_322 masked %and3A : memref<8x4096xf32, #tpu.memory_space<vmem>>[vector<16xi32>, vector<16xi32>], vector<16xf32>, vector<16xi1>
        }
        %mul3A_161 = arith.constant 8 : i32
        %mul3A_162 = arith.muli %add3A_22, %mul3A_161 : i32
        %dma_start3A_163 = arith.constant 0 : i32
        %dma_start3A_164 = tpu.memref_slice %arg5[%mul3A_162, %dma_start3A_163] : memref<832x4096xf32, #tpu.memory_space<hbm>> -> memref<8x4096xf32, #tpu.memory_space<hbm>>
        %dma_start3A_165 = arith.constant 0 : i32
        %dma_start3A_166 = tpu.memref_slice %arg5[%mul3A_162, %dma_start3A_165] : memref<832x4096xf32, #tpu.memory_space<hbm>> -> memref<8x4096xf32, #tpu.memory_space<hbm>>
        tpu.enqueue_dma source(%arg10 : memref<8x4096xf32, #tpu.memory_space<vmem>>) target(%dma_start3A_166 : memref<8x4096xf32, #tpu.memory_space<hbm>>) target_semaphore(%arg26 : memref<!tpu.dma_semaphore, #tpu.memory_space<semaphore_mem>>)
      } else {
      }
    }
    %scan3A_8 = arith.constant 4 : i32
    %lt3A = arith.constant 8 : i32
    %lt3A_9 = arith.cmpi slt, %add3A, %lt3A : i32
    %jit3A = arith.constant 3 : i32
    %jit3A_10 = arith.constant 2 : i32
    %select_n3A = arith.select %lt3A_9, %jit3A, %jit3A_10 : i32
    %mul3A_11 = arith.constant 32 : i32
    %mul3A_12 = arith.muli %mul3A_11, %select_n3A : i32
    %add3A_13 = arith.addi %add3A, %mul3A_12 : i32
    %mul3A_14 = arith.constant 8 : i32
    %mul3A_15 = arith.muli %add3A_13, %mul3A_14 : i32
    %dma_wait3A = arith.constant 0 : i32
    %dma_wait3A_16 = tpu.memref_slice %arg5[%mul3A_15, %dma_wait3A] : memref<832x4096xf32, #tpu.memory_space<hbm>> -> memref<8x4096xf32, #tpu.memory_space<hbm>>
    %dma_wait3A_17 = arith.constant 0 : i32
    %dma_wait3A_18 = tpu.memref_slice %arg5[%mul3A_15, %dma_wait3A_17] : memref<832x4096xf32, #tpu.memory_space<hbm>> -> memref<8x4096xf32, #tpu.memory_space<hbm>>
    tpu.wait_dma2 semaphore(%arg26 : memref<!tpu.dma_semaphore, #tpu.memory_space<semaphore_mem>>) src(%arg10 : memref<8x4096xf32, #tpu.memory_space<vmem>>) dst(%dma_wait3A_18 : memref<8x4096xf32, #tpu.memory_space<hbm>>)
    return
  }
}

</mosaic_0001>

<sc_bundles>
// kernel: kernel.3.cloned.1.call-start
scs
__scs_entry_jumppad:
0x0: {  	(pc) =	sbr.rel $0x88, $3  }
0x1: {  	(tag) =	ssettag $0x0;
	lr =	simm.s32 $0x1  }
0x2: {  	[smem:$0x3F9F] =	sst lr;
	_ =	strace $0xD0000000  }
0x3: {  	_ = 	snop  }
0x4: {  	_ = 	snop  }
0x5: {  	_ = 	snop  }
0x6: {  	_ = 	snop  }
0x7: {  	_ = 	snop  }
__scs_overlays_trampoline_lowered:
0x8: {  	[smem:$0x3FAE] =	sst s0  }
0x9: {  	[smem:$0x3FAF] =	sst s1  }
0xa: {  	[smem:$0x3FB0] =	sst s2  }
0xb: {  	[smem:$0x3FB1] =	sst s3  }
0xc: {  	[smem:$0x3FB2] =	sst s4  }
0xd: {  	[smem:$0x3FB3] =	sst s5  }
0xe: {  	[smem:$0x3FB4] =	sst s6  }
0xf: {  	[smem:$0x3FB5] =	sst s7  }
0x10: {  	[smem:$0x3FB6] =	sst s8  }
0x11: {  	[smem:$0x3FB7] =	sst s9;
	s0 =	simm.s32 @!p0 $0x0  }
0x12: {  	s1 =	sld [smem:$0x3F9D];
	s0 =	simm.s32 @p0 $0x1  }
0x13: {  	[smem:$0x3FB8] =	sst s0;
	s0 =	simm.s32 @!p1 $0x0  }
0x14: {  	s2 =	sld [smem:$0x3F9C];
	s0 =	simm.s32 @p1 $0x1  }
0x15: {  	[smem:$0x3FB9] =	sst s0;
	s0 =	simm.s32 @!p2 $0x0  }
0x16: {  	s3 =	sld [smem:$0x3FDB];
	s0 =	simm.s32 @p2 $0x1  }
0x17: {  	s4 =	simm.s32 $0x1BF5;
	[smem:$0x3FBB] =	sst s0  }
0x18: {  	s0 =	sld [smem:$0x3F9E];
	_ =	swait.ge [sflag:s4], $0x0  }
0x19: {  	s7 =	sld [smem:$0x3F9F]  }
0x1a: {  	s8 =	sadd.s32 $0xFFFFE003, lr  }
0x1b: {  	s9 =	sadd.s32 $0xFFFFFEF7, lr;
	s5 =	simm.s32 $0xFFFFFFFF;
	p2 =	slt.u32 s8, $0xFFFFF086  }
0x1c: {  	p1 =	slt.u32 s9, $0xF7A;
	s5 =	simm.s32 @!p2 $0x0  }
0x1d: {  	s5 =	simm.s32 @p1 $0x1;
	p0 =	seq.s32 s7, s2  }
0x1e: {  	s7 =	smul.u32 @!p0 $0xF7A, s2;
	p2 =	seq.s32 @!p0 s5, $0x0  }
0x1f: {  	s9 =	smul.u32 $0xF7A, s1;
	s8 =	simm.s32 @!p0 $0x1BF5;
	p2 =	por !p2, p0  }
0x20: {  	[sflag:s8] =	ssyncset.s32 @!p0 $0xFFFFF086;
	s6 =	sadd.s32 @!p0 s3, s7;
	s7 =	simm.s32 @!p0 $0x108  }
0x21: {  	s3 =	sadd.s32 s3, s9;
	s6 =	sadd.s32 @!p0 $0x88, s6;
	s7 =	simm.s32 @p2 $0x1082  }
0x22: {  	[simem:s7], [sflag:s8] =	dma.local @!p0 [hbm:s6], $0xF7A  }
0x23: {  	s9 =	sor.u32 $0xD0000000, s2;
	s6 =	simm.s32 $0x108;
	_ =	swait.ge @!p0 [sflag:s8], $0x0  }
0x24: {  	s3 =	sadd.s32 $0x88, s3;
	s6 =	simm.s32 @!p1 $0x1082;
	[sflag:s4] =	ssyncset.s32 $0xFFFFF086  }
0x25: {  	[simem:s6], [sflag:s4] =	dma.local [hbm:s3], $0xF7A  }
0x26: {  	[smem:$0x3F9F] =	sst s1;
	(tag) =	ssettag s2;
	_ =	strace s9  }
0x27: {  	s1 =	sld [smem:$0x3FAF]  }
0x28: {  	s2 =	sld [smem:$0x3FB0]  }
0x29: {  	s4 =	sld [smem:$0x3FB2]  }
0x2a: {  	p0 =	seq.s32 s5, $0x0;
	s5 =	sld [smem:$0x3FB3]  }
0x2b: {  	s6 =	sld [smem:$0x3FB4]  }
0x2c: {  	s7 =	sld [smem:$0x3FB5]  }
0x2d: {  	s3 =	simm.s32 $0x108;
	s8 =	sld [smem:$0x3FB6]  }
0x2e: {  	s3 =	simm.s32 @!p0 $0x1082;
	s9 =	sld [smem:$0x3FB7]  }
0x2f: {  	lr =	sadd.s32 s0, s3;
	s0 =	sld [smem:$0x3FAE]  }
0x30: {  	s3 =	sld [smem:$0x3FB1]  }
0x31: {  	[smem:$0x3FBA] =	sst s10  }
0x32: {  	s10 =	sld [smem:$0x3FB8];
	_ =	sdelay $0x3  }
0x33: {  	p0 =	seq.s32 s10, $0x1;
	s10 =	sld [smem:$0x3FBA];
	_ =	sdelay $0x3  }
0x34: {  	[smem:$0x3FBA] =	sst s10  }
0x35: {  	s10 =	sld [smem:$0x3FB9];
	_ =	sdelay $0x3  }
0x36: {  	p1 =	seq.s32 s10, $0x1;
	s10 =	sld [smem:$0x3FBA];
	_ =	sdelay $0x3  }
0x37: {  	[smem:$0x3FBA] =	sst s10  }
0x38: {  	s10 =	sld [smem:$0x3FBB]  }
0x39: {  	_ = 	snop;
	(pc) =	sbr.ind lr, $3  }
0x3a: {  	_ = 	snop  }
0x3b: {  	_ = 	snop  }
0x3c: {  	p2 =	seq.s32 s10, $0x1;
	s10 =	sld [smem:$0x3FBA]  }
0x3d: {  	_ =	shalt  }
0x3e: {  	_ =	shalt  }
0x3f: {  	_ =	shalt  }
0x40: {  	_ =	shalt  }
0x41: {  	_ =	shalt  }
0x42: {  	_ =	shalt  }
0x43: {  	_ =	shalt  }
0x44: {  	_ =	shalt  }
0x45: {  	_ =	shalt  }
0x46: {  	_ =	shalt  }
0x47: {  	_ =	shalt  }
0x48: {  	_ =	shalt  }
0x49: {  	_ =	shalt  }
0x4a: {  	_ =	shalt  }
0x4b: {  	_ =	shalt  }
0x4c: {  	_ =	shalt  }
0x4d: {  	_ =	shalt  }
0x4e: {  	_ =	shalt  }
0x4f: {  	_ =	shalt  }
0x50: {  	_ =	shalt  }
0x51: {  	_ =	shalt  }
0x52: {  	_ =	shalt  }
0x53: {  	_ =	shalt  }
0x54: {  	_ =	shalt  }
0x55: {  	_ =	shalt  }
0x56: {  	_ =	shalt  }
0x57: {  	_ =	shalt  }
0x58: {  	_ =	shalt  }
0x59: {  	_ =	shalt  }
0x5a: {  	_ =	shalt  }
0x5b: {  	_ =	shalt  }
0x5c: {  	_ =	shalt  }
0x5d: {  	_ =	shalt  }
0x5e: {  	_ =	shalt  }
0x5f: {  	_ =	shalt  }
0x60: {  	_ =	shalt  }
0x61: {  	_ =	shalt  }
0x62: {  	_ =	shalt  }
0x63: {  	_ =	shalt  }
0x64: {  	_ =	shalt  }
0x65: {  	_ =	shalt  }
0x66: {  	_ =	shalt  }
0x67: {  	_ =	shalt  }
0x68: {  	_ =	shalt  }
0x69: {  	_ =	shalt  }
0x6a: {  	_ =	shalt  }
0x6b: {  	_ =	shalt  }
0x6c: {  	_ =	shalt  }
0x6d: {  	_ =	shalt  }
0x6e: {  	_ =	shalt  }
0x6f: {  	_ =	shalt  }
0x70: {  	_ =	shalt  }
0x71: {  	_ =	shalt  }
0x72: {  	_ =	shalt  }
0x73: {  	_ =	shalt  }
0x74: {  	_ =	shalt  }
0x75: {  	_ =	shalt  }
0x76: {  	_ =	shalt  }
0x77: {  	_ =	shalt  }
0x78: {  	_ =	shalt  }
0x79: {  	_ =	shalt  }
0x7a: {  	_ =	shalt  }
0x7b: {  	_ =	shalt  }
0x7c: {  	_ =	shalt  }
0x7d: {  	_ =	shalt  }
0x7e: {  	_ =	shalt  }
0x7f: {  	_ =	shalt  }
0x80: {  	_ =	shalt  }
0x81: {  	_ =	shalt  }
0x82: {  	_ =	shalt  }
0x83: {  	_ =	shalt  }
0x84: {  	_ =	shalt  }
0x85: {  	_ =	shalt  }
0x86: {  	_ =	shalt  }
0x87: {  	_ =	shalt  }
.Lfunc_end0:
.L_simem_size_0:
called_computation_lowered:
.L_overlay_start_0:
0x88: {  	s2 =	sld [smem:$0x3FD9]  }
0x89: {  	s3 =	sld [smem:$0x3FFE];
	_ =	sdelay $0x1  }
0x8a: {  	s1 =	srdreg.scid  }
0x8b: {  	s0 =	sand.u32 $0x1, s1  }
0x8c: {  	s17 =	sshll.u32 s0, $0xA;
	s2 =	sadd.s32 s3, s2  }
0x8d: {  	s2 =	sadd.s32 s2, s17  }
0x8e: {  	[smem:$0x3FC6] =	sst s2  }
0x8f: {  	_ = 	snop  }
0x90: {  	s2 =	sld [smem:$0x3FC8]  }
0x91: {  	s18 =	sld [smem:$0x3FD0];
	(tm) =	ssettm $0x1  }
0x92: {  	s4 =	sld [smem:$0x3FFB];
	_ =	sdelay $0x3  }
0x93: {  	_ =	strace s4  }
0x94: {  	s4 =	sld [smem:$0x3FFC];
	_ =	sdelay $0x3  }
0x95: {  	_ =	strace s4  }
0x96: {  	s4 =	sld [smem:$0x3FFD];
	_ =	sdelay $0x3  }
0x97: {  	_ =	strace s4  }
0x98: {  	_ =	strace $0x8FFFFFFF  }
0x99: {  	s19 =	sld [smem:$0x3FDB];
	_ =	sdelay $0x1  }
0x9a: {  	s5 =	simm.s32 $_scs_section_size  }
0x9b: {  	s6 =	simm.s32 $_size__tile_overlayer_lowered;
	s7 =	simm.s32 $_tile_overlayer_lowered  }
0x9c: {  	s22 =	simm.s32 $0x1BFF;
	s21 =	sshll.u32 s7, $0x1;
	s4 =	sadd.s32 s5, s19  }
0x9d: {  	s8 =	simm.s32 $0x0;
	s20 =	sshll.u32 s6, $0x1;
	s6 =	sadd.s32 s21, s4  }
0x9e: {  	[timem:s8], [sflag:s22] =	dma.local [hbm:s6], s20  }
0x9f: {  	_ =	swait.ge [sflag:s22], s20  }
0xa0: {  	s5 =	ssub.s32 $0x0, s20;
	[sflag:s22] =	ssyncset.done $0x0  }
0xa1: {  	[sflag:s22] =	ssyncadd.s32 s5;
	_ =	sdelay $0x1  }
0xa2: {  	s23 =	simm.s32 $0x1B8B  }
0xa3: {  	_ =	swait.ge [sflag:s23], $0x1  }
0xa4: {  	[sflag:s23] =	ssyncset.done $0x0  }
0xa5: {  	s25 =	simm.s32 $0x1B8E;
	s24 =	sld [smem:$0x3FFE];
	[sflag:s23] =	ssyncadd.s32 $0xFFFFFFFF  }
0xa6: {  	s26 =	simm.s32 $execute0_lowered;
	[smem:$0x3FD2] =	sst s25  }
0xa7: {  	s6 =	sshll.u32 s26, $0x1;
	_ =	strace $0x80000046;
	[dreg:$0x1] =	wrdreg $0xFFFFFFFF  }
0xa8: {  	s28 =	simm.s32 $_size_execute0_lowered;
	s4 =	sadd.s32 s4, s6;
	[dreg:$0x0] =	wrdreg $0x0  }
0xa9: {  	s6 =	sshll.u32 s28, $0x1;
	[dreg:$0x2] =	wrdreg s4  }
0xaa: {  	[dreg:$0x3] =	wrdreg s6  }
0xab: {  	[dreg:$0x4] =	wrdreg $0xC0  }
0xac: {  	_ =	task [dreg:s8], $0x5FFFF  }
0xad: {  	[dreg:$0x1] =	wrdreg $0xFFFFFFFF  }
0xae: {  	[dreg:$0x0] =	wrdreg $0x60  }
0xaf: {  	[dreg:$0x2] =	wrdreg s24  }
0xb0: {  	[dreg:$0x3] =	wrdreg s2  }
0xb1: {  	[dreg:$0x4] =	wrdreg s18  }
0xb2: {  	[dreg:$0x5] =	wrdreg $0x9  }
0xb3: {  	_ =	task.clear_ibuf [dreg:s8], $0x6FFFF;
	_ =	strace $0x90000046  }
0xb4: {  	s29 =	simm.s32 $0x9;
	_ =	strace $0x80000048  }
0xb5: {  	_ =	swait.ge [sflag:s29], $0x1  }
0xb6: {  	[sflag:s29] =	ssyncadd.s32 $0xFFFFFFFF  }
0xb7: {  	_ =	strace $0x90000048  }
0xb8: {  	_ =	sfence  }
0xb9: {  	s30 =	sld [smem:$0x0];
	_ =	sdelay $0x2  }
0xba: {  	s31 =	sshll.u32 s1, $0xD;
	s1 =	sshrl.u32 s1, $0x2  }
0xbb: {  	s3 =	sand.u32 $0x4000, s31;
	s1 =	sadd.s32 s1, s30  }
0xbc: {  	s0 =	sor.u32 s3, s0;
	s1 =	sshll.u32 s1, $0x11  }
0xbd: {  	s0 =	sor.u32 s1, s0  }
0xbe: {  	s0 =	sadd.s32 $0x8F2B, s0  }
0xbf: {  	[sflag:s0] =	ssyncadd.remote.s32 $0x1  }
0xc0: {  	_ =	sfence.sel $0xFFFF  }
0xc1: {  	[dreg:$0x0] =	wrdreg $0xFFFFFFFF;
	(pc) =	sbr.abs _section_cstart, $3  }
0xc2: {  	[dreg:$0x1] =	wrdreg $0xFFFFFFFF  }
0xc3: {  	_ =	task.clear_ibuf [dreg:s8], $0x2FFFF;
	_ =	strace $0x9FFFFFFF  }
0xc4: {  	(tm) =	ssettm $0x7FFFFFFF  }
0xc5: {  	_ =	shalt  }
tec
execute0_lowered:
.L_overlay_start_1:
0x0: {  	(tag) =	ssettag $0x1  }
0x1: {  	s0 =	rddreg [dreg:$0x0]  }
0x2: {  	s2 =	rddreg [dreg:$0x1]  }
0x3: {  	s1 =	srdreg.scid;
	s3 =	stileid.u32;
	s4 =	simm.s32 $0x0  }
0x4: {  	s9 =	simm.s32 $0x1000;
	s10 =	simm.s32 $0x7000;
	s11 =	simm.s32 $0xD000  }
0x5: {  	s13 =	simm.s32 $0x1E400;
	s14 =	simm.s32 $0x1D000;
	s15 =	simm.s32 $0x1D280  }
0x6: {  	s16 =	simm.s32 $0x1D500;
	s17 =	simm.s32 $0x1D780;
	s18 =	simm.s32 $0x1DA00  }
0x7: {  	s19 =	simm.s32 $0x1DC80;
	s20 =	simm.s32 $0x1DF00;
	s21 =	simm.s32 $0x1E180  }
0x8: {  	s22 =	simm.s32 $0x1B000;
	s23 =	simm.s32 $0x1C000;
	s24 =	simm.s32 $0x1  }
0x9: {  	s25 =	simm.s32 $0x13000;
	s31 =	simm.s32 $0x0;
	s1 =	sand.u32 $0x1, s1  }
0xa: {  	s3 =	sshll.u32 s3, $0x1;
	[smem:$0x7FF] =	sst s4;
	s7 =	sadd.s32 $0x400, s0  }
0xb: {  	s0 =	sadd.s32 $0x3800, s0;
	s5 =	ssub.s32 $0x2, s1;
	s6 =	sor.u32 s1, s3  }
.Ltmp0:
0xc: {  	_ =	strace $0x80000047;
	[dreg:$0x5] =	wrdreg s7;
	(pc) =	sbr.rel .LBB2_1-.Ltmp0, $4  }
0xd: {  	[dreg:$0x6] =	wrdreg s0;
	s29 =	sshrl.u32 s5, $0x1;
	s3 =	sshll.u32 s6, $0x8  }
0xe: {  	[dreg:$0x8] =	wrdreg s31;
	s1 =	ssub.s32 s5, s29;
	s3 =	sand.u32 $0x300, s3  }
0xf: {  	v2 =	vlaneseq.u32;
	v3 =	vimm.s32 $0x0;
	[dreg:$0x4] =	wrdreg s6;
	s30 =	sor.u32 $0x80, s3;
	s1 =	smax.u32 s1, $0x1  }
0x10: {  	s26 =	simm.s32 $0x2;
	v4 =	vimm.s32 $0x1;
	s28 =	simm.s32 $0x3;
	v0 =	vmov s3;
	[dreg:$0x7] =	wrdreg s1;
	v1 =	vmov s30  }
.LBB2_49:
0x11: {  	s1 =	simm.s32 $0x4  }
0x12: {  	_ =	swait.ge [sflag:s1], $0x8000  }
0x13: {  	s3 =	rddreg [dreg:$0x8]  }
0x14: {  	s0 =	rddreg [dreg:$0x7];
	s3 =	sadd.s32 $0x1, s3  }
0x15: {  	p0 =	sne.s32 s3, s0  }
.Ltmp1:
0x16: {  	_ = 	snop;
	(pc) =	sbr.rel @!p0 .LBB2_50-.Ltmp1, $3  }
0x17: {  	_ =	sdelay $0x1  }
0x18: {  	[sflag:s1] =	ssyncset.done $0x0  }
0x19: {  	[sflag:s1] =	ssyncadd.s32 $0xFFFF8000;
	[dreg:$0x8] =	wrdreg s3  }
.LBB2_1:
.Ltmp2:
0x1a: {  	(pc) =	sbr.rel .LBB2_2-.Ltmp2, $2  }
0x1b: {  	_ =	sdelay $0x2  }
0x1c: {  	s29 =	simm.s32 $0x0  }
.LBB2_46:
0x1d: {  	_ =	sdelay $0x4  }
0x1e: {  	v5 =	vld.idx.msk [tilespmem:v8+s13+$0x0], vm0  }
0x1f: {  	v7 =	vld.idx.msk [tilespmem:v7+s11+$0x0], vm0  }
0x20: {  	v6 =	vor.u32 $0x380, v6;
	_ =	sdelay $0x3  }
0x21: {  	v5 =	vsel vm1, v5, v7  }
0x22: {  	[tilespmem:v6+s25+$0x0] =	vst.idx.msk vm0, v5  }
.LBB2_47:
0x23: {  	s0 =	sshll.u32 s7, $0xC;
	s1 =	rddreg [dreg:$0x2]  }
0x24: {  	s0 =	sadd.s32 s1, s0  }
0x25: {  	[hbm4b:s0+s4] =	stream.linear.scatter [tilespmem:s25], [sflag:$0x4], $0x8000, $0x38;
	[tilespmem:$0x1E800] =	vst v63  }
.LBB2_48:
0x26: {  	s29 =	sadd.s32 $0x1, s29  }
0x27: {  	p0 =	sne.s32 s29, $0x4  }
.Ltmp3:
0x28: {  	_ = 	snop;
	(pc) =	sbr.rel @!p0 .LBB2_49-.Ltmp3, $1  }
0x29: {  	_ =	sdelay $0x3  }
.LBB2_2:
0x2a: {  	s0 =	sshll.u32 s29, $0x5  }
0x2b: {  	s8 =	sor.u32 s6, s0  }
0x2c: {  	p0 =	sgt.u32 s8, $0x67  }
.Ltmp4:
0x2d: {  	_ = 	snop;
	(pc) =	sbr.rel @p0 .LBB2_48-.Ltmp4, $1  }
0x2e: {  	_ =	sdelay $0x3  }
0x2f: {  	s1 =	smul.u32 $0xC3800, s8;
	_ =	sdelay $0x1  }
0x30: {  	s0 =	sshrl.u32 s1, $0x3  }
0x31: {  	s6 =	simm.s32 $0x0;
	s3 =	sadd.s32 s2, s0  }
0x32: {  	[tilespmem:s9], [sflag:$0x1] =	stream.linear.gather [hbm4b:s3+s6], $0x6000, $0x38;
	[tilespmem:$0x1E800] =	vst v63  }
0x33: {  	s0 =	sadd.s32 $0xC00, s3  }
0x34: {  	[tilespmem:s10], [sflag:$0x2] =	stream.linear.gather [hbm4b:s0+s6], $0x6000, $0x38;
	[tilespmem:$0x1E800] =	vst v63  }
0x35: {  	s7 =	sshll.u32 s8, $0x7;
	s5 =	sadd.s32 $0x1800, s3  }
0x36: {  	[tilespmem:s11], [sflag:$0x3] =	stream.linear.gather [hbm4b:s5+s6], $0x6000, $0x38;
	[tilespmem:$0x1E800] =	vst v63  }
0x37: {  	s0 =	sand.u32 $0x3E00, s7;
	s5 =	rddreg [dreg:$0x5]  }
0x38: {  	s7 =	simm.s32 $0x5;
	s0 =	sadd.s32 s5, s0  }
0x39: {  	[tilespmem:s6], [sflag:$0x5] =	stream.linear.gather [hbm4b:s0+s6], $0x1000, $0x38;
	[tilespmem:$0x1E800] =	vst v63  }
0x3a: {  	s12 =	sshll.u32 s8, $0x5;
	s31 =	simm.s32 $0x0;
	_ =	swait.ge [sflag:s7], $0x1000  }
0x3b: {  	s0 =	sand.u32 $0xF80, s12;
	[sflag:s7] =	ssyncset.done $0x0;
	s30 =	rddreg [dreg:$0x6]  }
0x3c: {  	v6 =	vor.u32 s31, v2;
	[dreg:$0xa] =	wrdreg s8;
	[sflag:s7] =	ssyncadd.s32 $0xFFFFF000;
	s0 =	sadd.s32 s30, s0  }
0x3d: {  	[tilespmem:s13], [sflag:$0x5] =	stream.linear.gather [hbm4b:s0+s6], $0x400, $0x38;
	[tilespmem:$0x1E800] =	vst v63  }
0x3e: {  	_ =	swait.ge [sflag:s7], $0x400  }
0x3f: {  	v7 =	vmov v6;
	[sflag:s7] =	ssyncset.done $0x0  }
0x40: {  	v5 =	vmov v6;
	s5 =	simm.s32 $0x1;
	[sflag:s7] =	ssyncadd.s32 $0xFFFFFC00  }
.LBB2_4:
0x41: {  	s0 =	sshll.u32 s5, $0x4;
	[tilespmem:v6+s14+$0x0] =	vst.idx.msk $0xffff, v3;
	p0 =	sne.s32 s5, $0x20  }
.Ltmp5:
0x42: {  	v6 =	vor.u32 s0, v2;
	(pc) =	sbr.rel @p0 .LBB2_4-.Ltmp5, $4  }
0x43: {  	_ = 	snop  }
0x44: {  	[tilespmem:v7+s15+$0x0] =	vst.idx.msk $0xffff, v3;
	v7 =	vmov v6  }
0x45: {  	[tilespmem:v5+s16+$0x0] =	vst.idx.msk $0xffff, v3  }
0x46: {  	s5 =	sadd.s32 $0x1, s5;
	[tilespmem:v5+s17+$0x0] =	vst.idx.msk $0xffff, v3;
	v5 =	vmov v6  }
0x47: {  	_ =	sdelay $0x3  }
0x48: {  	[tilespmem:v6+s14+$0x0] =	vst.idx.msk $0xffff, v3  }
0x49: {  	[tilespmem:v7+s15+$0x0] =	vst.idx.msk $0xffff, v3  }
0x4a: {  	[tilespmem:v5+s16+$0x0] =	vst.idx.msk $0xffff, v3  }
0x4b: {  	s7 =	simm.s32 $0x0;
	[tilespmem:v5+s17+$0x0] =	vst.idx.msk $0xffff, v3  }
.LBB2_6:
0x4c: {  	s0 =	sshll.u32 s7, $0x6  }
0x4d: {  	s5 =	sand.u32 $0x40, s6;
	s0 =	sand.u32 $0xFFFFFF80, s0  }
0x4e: {  	s0 =	sor.u32 s5, s0  }
0x4f: {  	v5 =	vor.u32 s0, v2;
	_ =	sdelay $0x3  }
0x50: {  	s5 =	simm.s32 $0x0  }
0x51: {  	v5 =	vld.idx.msk [tilespmem:v5+s5+$0x0], $0xffff;
	_ =	sdelay $0x4  }
0x52: {  	v5 =	vshra.s32 v5, $0xA  }
0x53: {  	v5 =	vmul.u32 $0x5556, v5;
	_ =	sdelay $0x1  }
0x54: {  	v5 =	vshra.s32 v5, $0xC  }
0x55: {  	v5 =	vand.u32 $0xFFFFFFF0, v5  }
0x56: {  	s8 =	sor.u32 $0x10, s0;
	v5 =	vor.u32 v2, v5  }
0x57: {  	v6 =	vor.u32 s8, v2;
	_ =	sdelay $0x3  }
0x58: {  	[tilespmem:v5+s14+$0x0] =	vst.idx.add.s32.msk $0xffff, v4  }
0x59: {  	v5 =	vld.idx.msk [tilespmem:v6+s5+$0x0], $0xffff;
	_ =	sdelay $0x4  }
0x5a: {  	v5 =	vshra.s32 v5, $0xA  }
0x5b: {  	v5 =	vmul.u32 $0x5556, v5;
	_ =	sdelay $0x1  }
0x5c: {  	v5 =	vshra.s32 v5, $0xC  }
0x5d: {  	v5 =	vand.u32 $0xFFFFFFF0, v5  }
0x5e: {  	s31 =	sor.u32 $0x20, s0;
	v5 =	vor.u32 v2, v5  }
0x5f: {  	v6 =	vor.u32 s31, v2;
	_ =	sdelay $0x3  }
0x60: {  	[tilespmem:v5+s15+$0x0] =	vst.idx.add.s32.msk $0xffff, v4  }
0x61: {  	v5 =	vld.idx.msk [tilespmem:v6+s5+$0x0], $0xffff;
	_ =	sdelay $0x4  }
0x62: {  	v5 =	vshra.s32 v5, $0xA  }
0x63: {  	v5 =	vmul.u32 $0x5556, v5;
	_ =	sdelay $0x1  }
0x64: {  	v5 =	vshra.s32 v5, $0xC  }
0x65: {  	v5 =	vand.u32 $0xFFFFFFF0, v5  }
0x66: {  	s0 =	sor.u32 $0x30, s0;
	v5 =	vor.u32 v2, v5  }
0x67: {  	v6 =	vor.u32 s0, v2;
	_ =	sdelay $0x3  }
0x68: {  	[tilespmem:v5+s16+$0x0] =	vst.idx.add.s32.msk $0xffff, v4  }
0x69: {  	v5 =	vld.idx.msk [tilespmem:v6+s5+$0x0], $0xffff;
	_ =	sdelay $0x4  }
0x6a: {  	v5 =	vshra.s32 v5, $0xA  }
0x6b: {  	v5 =	vmul.u32 $0x5556, v5;
	_ =	sdelay $0x1  }
0x6c: {  	v5 =	vshra.s32 v5, $0xC  }
0x6d: {  	v5 =	vand.u32 $0xFFFFFFF0, v5  }
0x6e: {  	p0 =	sne.s32 s7, $0x3F;
	v5 =	vor.u32 v2, v5  }
.Ltmp6:
0x6f: {  	_ = 	snop;
	(pc) =	sbr.rel @p0 .LBB2_6-.Ltmp6, $2  }
0x70: {  	_ =	sdelay $0x2  }
0x71: {  	s6 =	sadd.s32 $0x40, s6;
	s7 =	sadd.s32 $0x1, s7;
	[tilespmem:v5+s17+$0x0] =	vst.idx.add.s32.msk $0xffff, v4  }
0x72: {  	s0 =	simm.s32 $0x0  }
0x73: {  	v6 =	vor.u32 s0, v2;
	_ =	sdelay $0x4  }
0x74: {  	v5 =	vld.idx.msk [tilespmem:v6+s14+$0x0], $0xffff;
	_ =	sdelay $0x4  }
0x75: {  	(xrf0) =	vadd.scan.msk.s32 $0xffff, v5;
	_ =	sdelay $0x5  }
0x76: {  	v7, _, _ =	vpop (xrf0)  }
0x77: {  	v5 =	vsub.s32 s5, v5;
	(v2sf) =	vpush v7, $0xF  }
0x78: {  	v5 =	vadd.s32 v7, v5  }
0x79: {  	[tilespmem:v6+s18+$0x0] =	vst.idx.msk $0xffff, v5  }
0x7a: {  	v5 =	vld.idx.msk [tilespmem:v6+s15+$0x0], $0xffff;
	_ =	sdelay $0x4  }
0x7b: {  	(xrf0) =	vadd.scan.msk.s32 $0xffff, v5;
	_ =	sdelay $0x5  }
0x7c: {  	v7, _, _ =	vpop (xrf0)  }
0x7d: {  	(v2sf) =	vpush v7, $0xF;
	s12 =	spop (v2sf)  }
0x7e: {  	v5 =	vsub.s32 v7, v5;
	s0 =	sadd.s32 $0x0, s12  }
0x7f: {  	v5 =	vadd.s32 s0, v5  }
0x80: {  	[tilespmem:v6+s19+$0x0] =	vst.idx.msk $0xffff, v5  }
0x81: {  	v5 =	vld.idx.msk [tilespmem:v6+s16+$0x0], $0xffff;
	_ =	sdelay $0x4  }
0x82: {  	(xrf0) =	vadd.scan.msk.s32 $0xffff, v5;
	_ =	sdelay $0x5  }
0x83: {  	s6 =	spop (v2sf);
	v7, _, _ =	vpop (xrf0)  }
0x84: {  	s0 =	sadd.s32 s0, s6;
	v5 =	vsub.s32 v7, v5  }
0x85: {  	v5 =	vadd.s32 s0, v5  }
0x86: {  	(v2sf) =	vpush v7, $0xF;
	[tilespmem:v6+s20+$0x0] =	vst.idx.msk $0xffff, v5  }
0x87: {  	v8 =	vld.idx.msk [tilespmem:v6+s17+$0x0], $0xffff;
	_ =	sdelay $0x4  }
0x88: {  	(xrf0) =	vadd.scan.msk.s32 $0xffff, v8;
	_ =	sdelay $0x5  }
0x89: {  	v7, _, _ =	vpop (xrf0)  }
0x8a: {  	s30 =	simm.s32 $0x10;
	(v2sf) =	vpush v7, $0xF  }
0x8b: {  	v5 =	vor.u32 s30, v2  }
0x8c: {  	s31 =	spop (v2sf)  }
0x8d: {  	v7 =	vsub.s32 v7, v8;
	s7 =	sadd.s32 s0, s31  }
0x8e: {  	v7 =	vadd.s32 s7, v7  }
0x8f: {  	[tilespmem:v6+s21+$0x0] =	vst.idx.msk $0xffff, v7  }
0x90: {  	v6 =	vld.idx.msk [tilespmem:v5+s14+$0x0], $0xffff;
	_ =	sdelay $0x4  }
0x91: {  	(xrf0) =	vadd.scan.msk.s32 $0xffff, v6;
	_ =	sdelay $0x3  }
0x92: {  	s8 =	simm.s32 $0x2;
	[smem:s5] =	sst s5;
	s12 =	spop (v2sf)  }
.LBB2_8:
0x93: {  	s0 =	sadd.s32 s7, s12  }
0x94: {  	v7, _, _ =	vpop (xrf0);
	s5 =	sadd.s32 $0x1, s5;
	s7 =	smov.u32 s8;
	s6 =	sadd.s32 $0x1, s8  }
0x95: {  	p0 =	sne.s32 s8, $0x20;
	[smem:s5] =	sst s0;
	v6 =	vsub.s32 s0, v6;
	(v2sf) =	vpush v7, $0xF  }
0x96: {  	v6 =	vadd.s32 v7, v6  }
0x97: {  	[tilespmem:v5+s18+$0x0] =	vst.idx.msk $0xffff, v6  }
0x98: {  	v6 =	vld.idx.msk [tilespmem:v5+s15+$0x0], $0xffff;
	_ =	sdelay $0x5  }
0x99: {  	(xrf0) =	vadd.scan.msk.s32 $0xffff, v6;
	_ =	sdelay $0x5  }
0x9a: {  	s8 =	spop (v2sf);
	v7, _, _ =	vpop (xrf0)  }
0x9b: {  	s0 =	sadd.s32 s0, s8;
	v6 =	vsub.s32 v7, v6;
	(v2sf) =	vpush v7, $0xF  }
0x9c: {  	v6 =	vadd.s32 s0, v6  }
0x9d: {  	[tilespmem:v5+s19+$0x0] =	vst.idx.msk $0xffff, v6  }
0x9e: {  	v6 =	vld.idx.msk [tilespmem:v5+s16+$0x0], $0xffff;
	_ =	sdelay $0x5  }
0x9f: {  	(xrf0) =	vadd.scan.msk.s32 $0xffff, v6;
	_ =	sdelay $0x5  }
0xa0: {  	s8 =	spop (v2sf);
	v7, _, _ =	vpop (xrf0)  }
0xa1: {  	s0 =	sadd.s32 s0, s8;
	v6 =	vsub.s32 v7, v6;
	(v2sf) =	vpush v7, $0xF  }
0xa2: {  	v6 =	vadd.s32 s0, v6  }
0xa3: {  	[tilespmem:v5+s20+$0x0] =	vst.idx.msk $0xffff, v6  }
0xa4: {  	v6 =	vld.idx.msk [tilespmem:v5+s17+$0x0], $0xffff;
	_ =	sdelay $0x5  }
0xa5: {  	(xrf0) =	vadd.scan.msk.s32 $0xffff, v6;
	_ =	sdelay $0x4  }
0xa6: {  	s7 =	sshll.u32 s7, $0x4  }
0xa7: {  	v7 =	vor.u32 s7, v2;
	s7 =	spop (v2sf);
	v8, _, _ =	vpop (xrf0)  }
0xa8: {  	s7 =	sadd.s32 s0, s7;
	v6 =	vsub.s32 v8, v6;
	(v2sf) =	vpush v8, $0xF  }
0xa9: {  	v6 =	vadd.s32 s7, v6  }
0xaa: {  	[tilespmem:v5+s21+$0x0] =	vst.idx.msk $0xffff, v6;
	v5 =	vmov v7;
	_ =	sdelay $0x1  }
0xab: {  	v6 =	vld.idx.msk [tilespmem:v7+s14+$0x0], $0xffff;
	_ =	sdelay $0x5  }
0xac: {  	(xrf0) =	vadd.scan.msk.s32 $0xffff, v6  }
.Ltmp7:
0xad: {  	(pc) =	sbr.rel @p0 .LBB2_8-.Ltmp7, $2  }
0xae: {  	_ =	sdelay $0x2  }
0xaf: {  	s8 =	smov.u32 s6;
	s12 =	spop (v2sf)  }
0xb0: {  	_ = 	snop  }
0xb1: {  	v7, _, _ =	vpop (xrf0);
	s0 =	sadd.s32 s7, s12  }
0xb2: {  	v6 =	vsub.s32 s0, v6;
	(v2sf) =	vpush v7, $0xF  }
0xb3: {  	v6 =	vadd.s32 v7, v6  }
0xb4: {  	[tilespmem:v5+s18+$0x0] =	vst.idx.msk $0xffff, v6  }
0xb5: {  	v6 =	vld.idx.msk [tilespmem:v5+s15+$0x0], $0xffff;
	_ =	sdelay $0x4  }
0xb6: {  	(xrf0) =	vadd.scan.msk.s32 $0xffff, v6;
	_ =	sdelay $0x5  }
0xb7: {  	v7, _, _ =	vpop (xrf0)  }
0xb8: {  	s6 =	spop (v2sf);
	(v2sf) =	vpush v7, $0xF  }
0xb9: {  	v6 =	vsub.s32 v7, v6;
	s6 =	sadd.s32 s0, s6  }
0xba: {  	v6 =	vadd.s32 s6, v6  }
0xbb: {  	[tilespmem:v5+s19+$0x0] =	vst.idx.msk $0xffff, v6  }
0xbc: {  	v6 =	vld.idx.msk [tilespmem:v5+s16+$0x0], $0xffff;
	_ =	sdelay $0x4  }
0xbd: {  	(xrf0) =	vadd.scan.msk.s32 $0xffff, v6;
	_ =	sdelay $0x5  }
0xbe: {  	s12 =	spop (v2sf);
	v7, _, _ =	vpop (xrf0)  }
0xbf: {  	s6 =	sadd.s32 s6, s12;
	v6 =	vsub.s32 v7, v6  }
0xc0: {  	v6 =	vadd.s32 s6, v6  }
0xc1: {  	[tilespmem:v5+s20+$0x0] =	vst.idx.msk $0xffff, v6  }
0xc2: {  	v6 =	vld.idx.msk [tilespmem:v5+s17+$0x0], $0xffff;
	_ =	sdelay $0x4  }
0xc3: {  	(xrf0) =	vadd.scan.msk.s32 $0xffff, v6;
	_ =	sdelay $0x3  }
0xc4: {  	(v2sf) =	vpush v7, $0xF;
	_ =	sdelay $0x1  }
0xc5: {  	v7, _, _ =	vpop (xrf0)  }
0xc6: {  	(v2sf) =	vpush v7, $0xF;
	_ =	sdelay $0xb  }
0xc7: {  	s30 =	spop (v2sf)  }
0xc8: {  	s5 =	sadd.s32 $0x1, s5;
	v6 =	vsub.s32 v7, v6;
	s6 =	sadd.s32 s6, s30  }
0xc9: {  	[smem:s5] =	sst s0;
	s5 =	simm.s32 $0x0;
	v6 =	vadd.s32 s6, v6  }
0xca: {  	[smem:$0x21] =	sst s9;
	s6 =	simm.s32 $0x0;
	[tilespmem:v5+s21+$0x0] =	vst.idx.msk $0xffff, v6;
	s31 =	spop (v2sf)  }
.LBB2_10:
0xcb: {  	s0 =	sand.u32 $0x40, s5;
	s7 =	sshll.u32 s6, $0x6  }
0xcc: {  	v5 =	vmov s0;
	s7 =	sand.u32 $0xFFFFFF80, s7  }
0xcd: {  	v5 =	vor.u32 s7, v5  }
0xce: {  	v5 =	vor.u32 v2, v5;
	_ =	sdelay $0x4  }
0xcf: {  	v6 =	vld.idx.msk [tilespmem:v5+s4+$0x0], $0xffff;
	_ =	sdelay $0x4  }
0xd0: {  	v7 =	vshra.s32 v6, $0xA  }
0xd1: {  	v7 =	vmul.u32 $0x5556, v7;
	_ =	sdelay $0x1  }
0xd2: {  	v7 =	vshra.s32 v7, $0xC  }
0xd3: {  	v7 =	vand.u32 $0xFFFFFFF0, v7  }
0xd4: {  	v7 =	vor.u32 v2, v7;
	_ =	sdelay $0x4  }
0xd5: {  	v8 =	vld.idx.msk [tilespmem:v7+s18+$0x0], $0xffff;
	_ =	sdelay $0x2  }
0xd6: {  	s8 =	sor.u32 $0x10, s0  }
0xd7: {  	v9 =	vmov s8  }
0xd8: {  	v9 =	vor.u32 s7, v9  }
0xd9: {  	v9 =	vor.u32 v2, v9;
	_ =	sdelay $0x1  }
0xda: {  	[tilespmem:v8+s22+$0x0] =	vst.idx.msk $0xffff, v6  }
0xdb: {  	[tilespmem:v8+s23+$0x0] =	vst.idx.msk $0xffff, v5  }
0xdc: {  	[tilespmem:v7+s18+$0x0] =	vst.idx.add.s32.msk $0xffff, v4  }
0xdd: {  	v5 =	vld.idx.msk [tilespmem:v9+s4+$0x0], $0xffff;
	_ =	sdelay $0x4  }
0xde: {  	v6 =	vshra.s32 v5, $0xA  }
0xdf: {  	v6 =	vmul.u32 $0x5556, v6;
	_ =	sdelay $0x1  }
0xe0: {  	v6 =	vshra.s32 v6, $0xC  }
0xe1: {  	v6 =	vand.u32 $0xFFFFFFF0, v6  }
0xe2: {  	v6 =	vor.u32 v2, v6;
	_ =	sdelay $0x4  }
0xe3: {  	v7 =	vld.idx.msk [tilespmem:v6+s19+$0x0], $0xffff;
	_ =	sdelay $0x2  }
0xe4: {  	s31 =	sor.u32 $0x20, s0  }
0xe5: {  	v62 =	vmov s31  }
0xe6: {  	v8 =	vor.u32 s7, v62  }
0xe7: {  	v8 =	vor.u32 v2, v8;
	_ =	sdelay $0x1  }
0xe8: {  	[tilespmem:v7+s22+$0x0] =	vst.idx.msk $0xffff, v5  }
0xe9: {  	[tilespmem:v7+s23+$0x0] =	vst.idx.msk $0xffff, v9  }
0xea: {  	[tilespmem:v6+s19+$0x0] =	vst.idx.add.s32.msk $0xffff, v4  }
0xeb: {  	v5 =	vld.idx.msk [tilespmem:v8+s4+$0x0], $0xffff;
	_ =	sdelay $0x4  }
0xec: {  	v6 =	vshra.s32 v5, $0xA  }
0xed: {  	v6 =	vmul.u32 $0x5556, v6;
	_ =	sdelay $0x1  }
0xee: {  	v6 =	vshra.s32 v6, $0xC  }
0xef: {  	v6 =	vand.u32 $0xFFFFFFF0, v6  }
0xf0: {  	v6 =	vor.u32 v2, v6;
	_ =	sdelay $0x4  }
0xf1: {  	v7 =	vld.idx.msk [tilespmem:v6+s20+$0x0], $0xffff;
	_ =	sdelay $0x2  }
0xf2: {  	s0 =	sor.u32 $0x30, s0  }
0xf3: {  	v63 =	vmov s0  }
0xf4: {  	v9 =	vor.u32 s7, v63  }
0xf5: {  	v9 =	vor.u32 v2, v9;
	_ =	sdelay $0x1  }
0xf6: {  	[tilespmem:v7+s22+$0x0] =	vst.idx.msk $0xffff, v5  }
0xf7: {  	[tilespmem:v7+s23+$0x0] =	vst.idx.msk $0xffff, v8  }
0xf8: {  	[tilespmem:v6+s20+$0x0] =	vst.idx.add.s32.msk $0xffff, v4  }
0xf9: {  	v5 =	vld.idx.msk [tilespmem:v9+s4+$0x0], $0xffff;
	_ =	sdelay $0x4  }
0xfa: {  	v6 =	vshra.s32 v5, $0xA  }
0xfb: {  	v6 =	vmul.u32 $0x5556, v6;
	_ =	sdelay $0x1  }
0xfc: {  	v6 =	vshra.s32 v6, $0xC  }
0xfd: {  	v6 =	vand.u32 $0xFFFFFFF0, v6  }
0xfe: {  	v6 =	vor.u32 v2, v6;
	_ =	sdelay $0x4  }
0xff: {  	v7 =	vld.idx.msk [tilespmem:v6+s21+$0x0], $0xffff;
	_ =	sdelay $0x4  }
0x100: {  	p0 =	sne.s32 s6, $0x3F  }
.Ltmp8:
0x101: {  	_ = 	snop;
	(pc) =	sbr.rel @p0 .LBB2_10-.Ltmp8, $4  }
0x102: {  	_ = 	snop  }
0x103: {  	[tilespmem:v7+s22+$0x0] =	vst.idx.msk $0xffff, v5  }
0x104: {  	[tilespmem:v7+s23+$0x0] =	vst.idx.msk $0xffff, v9  }
0x105: {  	s5 =	sadd.s32 $0x40, s5;
	s6 =	sadd.s32 $0x1, s6;
	[tilespmem:v6+s21+$0x0] =	vst.idx.add.s32.msk $0xffff, v4  }
.Ltmp9:
0x106: {  	p0 =	seq.s32 s29, $0x0;
	(pc) =	sbr.rel .LBB2_12-.Ltmp9, $4  }
0x107: {  	[dreg:$0x9] =	wrdreg s29;
	s0 =	simm.s32 @!p0 $0x4  }
0x108: {  	_ =	swait.ge @!p0 [sflag:s0], $0x8000  }
0x109: {  	s8 =	sadd.s32 $0x18000, s3;
	[sflag:s0] =	ssyncset.done @!p0 $0x0  }
0x10a: {  	s29 =	sadd.s32 $0x18000, s1;
	s30 =	simm.s32 $0x0;
	[sflag:s0] =	ssyncadd.s32 @!p0 $0xFFFF8000  }
.LBB2_26:
0x10b: {  	_ = 	snop  }
.LBB2_29:
0x10c: {  	_ =	sdelay $0x4  }
0x10d: {  	[tilespmem:v10+s25+$0x0] =	vst.idx.msk @p0 vm0, v9  }
0x10e: {  	v6 =	vld.idx.msk [tilespmem:v8+s22+$0x0], vm1;
	_ =	sdelay $0x1  }
0x10f: {  	vm14 =	vmmov vm1;
	_ =	sdelay $0x2  }
0x110: {  	v5 =	vadd.s32 v5, v6  }
0x111: {  	vm15 =	vgt.s32 v5, $0x0  }
0x112: {  	v5 =	vnsel vm15, $0x0, v5  }
0x113: {  	v6 =	vld.idx.msk [tilespmem:v8+s23+$0x0], vm14;
	v7 =	vshll.u32 v5, $0x3  }
0x114: {  	v5 =	vand.u32 $0x7F, v5;
	v7 =	vand.u32 $0xFFFFFC00, v7  }
0x115: {  	v5 =	vor.u32 v5, v7;
	_ =	sdelay $0x2  }
0x116: {  	v7 =	vshll.u32 v6, $0x3  }
0x117: {  	v6 =	vand.u32 $0x7F, v6;
	v7 =	vand.u32 $0xFFFFFC00, v7  }
0x118: {  	v6 =	vor.u32 v6, v7;
	v52 =	vld.idx.msk [tilespmem:v5+s11+$0x0], vm14  }
0x119: {  	v7 =	vor.u32 $0x80, v5;
	_ =	sdelay $0x3  }
0x11a: {  	[tilespmem:v6+s25+$0x0] =	vst.idx.msk vm14, v52  }
0x11b: {  	v53 =	vor.u32 $0x80, v6;
	v7 =	vld.idx.msk [tilespmem:v7+s11+$0x0], vm14  }
0x11c: {  	v54 =	vor.u32 $0x100, v5;
	_ =	sdelay $0x3  }
0x11d: {  	[tilespmem:v53+s25+$0x0] =	vst.idx.msk vm14, v7  }
0x11e: {  	v55 =	vor.u32 $0x100, v6;
	v7 =	vld.idx.msk [tilespmem:v54+s11+$0x0], vm14  }
0x11f: {  	v56 =	vor.u32 $0x180, v5;
	_ =	sdelay $0x3  }
0x120: {  	[tilespmem:v55+s25+$0x0] =	vst.idx.msk vm14, v7  }
0x121: {  	v57 =	vor.u32 $0x180, v6;
	v7 =	vld.idx.msk [tilespmem:v56+s11+$0x0], vm14  }
0x122: {  	v58 =	vor.u32 $0x200, v5;
	_ =	sdelay $0x3  }
0x123: {  	[tilespmem:v57+s25+$0x0] =	vst.idx.msk vm14, v7  }
0x124: {  	v59 =	vor.u32 $0x200, v6;
	v7 =	vld.idx.msk [tilespmem:v58+s11+$0x0], vm14  }
0x125: {  	v60 =	vor.u32 $0x280, v5;
	_ =	sdelay $0x3  }
0x126: {  	[tilespmem:v59+s25+$0x0] =	vst.idx.msk vm14, v7  }
0x127: {  	v61 =	vor.u32 $0x280, v6;
	v7 =	vld.idx.msk [tilespmem:v60+s11+$0x0], vm14  }
0x128: {  	v62 =	vor.u32 $0x300, v5;
	_ =	sdelay $0x3  }
0x129: {  	[tilespmem:v61+s25+$0x0] =	vst.idx.msk vm14, v7  }
0x12a: {  	v63 =	vor.u32 $0x300, v6;
	v7 =	vld.idx.msk [tilespmem:v62+s11+$0x0], vm14  }
0x12b: {  	v5 =	vor.u32 $0x380, v5;
	_ =	sdelay $0x3  }
0x12c: {  	[tilespmem:v63+s25+$0x0] =	vst.idx.msk vm14, v7  }
0x12d: {  	v6 =	vor.u32 $0x380, v6;
	v5 =	vld.idx.msk [tilespmem:v5+s11+$0x0], vm14;
	_ =	sdelay $0x4  }
0x12e: {  	[tilespmem:v6+s25+$0x0] =	vst.idx.msk vm14, v5  }
.LBB2_30:
0x12f: {  	s0 =	sadd.s32 $0x5, s3;
	p0 =	seq.s32 s30, $0x9  }
0x130: {  	s3 =	smul.u32 @!p0 $0x6000, s0;
	_ =	sdelay $0x1  }
0x131: {  	s3 =	sadd.s32 @!p0 s1, s3  }
0x132: {  	s3 =	sshrl.u32 @!p0 s3, $0x3  }
0x133: {  	s5 =	simm.s32 @!p0 $0x0;
	s6 =	simm.s32 @!p0 $0xD000;
	s3 =	sadd.s32 @!p0 s2, s3  }
0x134: {  	[tilespmem:s6], [sflag:$0x3] =	stream.linear.gather @!p0 [hbm4b:s3+s5], $0x6000, $0x38;
	[tilespmem:$0x1E800] =	vst v63  }
0x135: {  	p0 =	sne.s32 s0, $0x20  }
0x136: {  	s30 =	sadd.s32 $0x1, s30;
	s0 =	simm.s32 @!p0 $0x0;
	s3 =	simm.s32 @!p0 $0xD000  }
0x137: {  	[tilespmem:s3], [sflag:$0x3] =	stream.linear.gather @!p0 [hbm4b:s8+s0], $0x3400, $0x38;
	[tilespmem:$0x1E800] =	vst v63  }
0x138: {  	p0 =	sne.s32 s30, $0xA  }
.Ltmp10:
0x139: {  	_ = 	snop;
	(pc) =	sbr.rel @!p0 .LBB2_31-.Ltmp10, $1  }
0x13a: {  	_ =	sdelay $0x3  }
.LBB2_12:
0x13b: {  	_ =	swait.ge [sflag:s24], $0x6000  }
0x13c: {  	s3 =	smul.u32 $0x3, s30;
	[sflag:s24] =	ssyncset.done $0x0  }
0x13d: {  	[sflag:s24] =	ssyncadd.s32 $0xFFFFA000  }
0x13e: {  	s7 =	sld [smem:s3+$0x1]  }
0x13f: {  	s6 =	sld [smem:s3+$0x0];
	_ =	sdelay $0x1  }
0x140: {  	s0 =	sadd.s32 $0xF, s7  }
0x141: {  	s12 =	sshra.s32 s6, $0x4;
	s0 =	sshra.s32 s0, $0x4  }
0x142: {  	p0 =	sle.s32 s0, s12  }
.Ltmp11:
0x143: {  	_ = 	snop;
	(pc) =	sbr.rel @p0 .LBB2_18-.Ltmp11, $2  }
0x144: {  	_ =	sdelay $0x2  }
0x145: {  	v5 =	vmov s7  }
0x146: {  	s0 =	ssub.s32 s0, s12  }
0x147: {  	p1 =	sne.s32 s0, $0x1  }
.Ltmp12:
0x148: {  	_ = 	snop;
	(pc) =	sbr.rel @!p1 .LBB2_14-.Ltmp12, $4  }
0x149: {  	s5 =	sshll.u32 s12, $0x4  }
0x14a: {  	s31 =	smul.u32 $0xFFFFDC00, s30;
	v7 =	vmov s6;
	v8 =	vor.u32 s5, v2  }
0x14b: {  	vm0 =	vge.s32 v8, v7;
	vm1 =	vlt.s32 v8, v5  }
0x14c: {  	p0 =	por $0x0, $0x0;
	s6 =	sadd.s32 $0xFFFFFFFF, s0;
	v6 =	vmov s31;
	vm1 =	vmand vm0, vm1  }
0x14d: {  	_ =	sdelay $0x4  }
0x14e: {  	v9 =	vld.idx.msk [tilespmem:v8+s22+$0x0], vm1;
	_ =	sdelay $0x1  }
0x14f: {  	vm0 =	vmmov vm1;
	_ =	sdelay $0x2  }
0x150: {  	v9 =	vadd.s32 v6, v9  }
0x151: {  	vm1 =	vgt.s32 v9, $0x0  }
0x152: {  	v9 =	vnsel vm1, $0x0, v9  }
0x153: {  	v8 =	vld.idx.msk [tilespmem:v8+s23+$0x0], vm0;
	v10 =	vshll.u32 v9, $0x3  }
0x154: {  	v9 =	vand.u32 $0x7F, v9;
	v10 =	vand.u32 $0xFFFFFC00, v10  }
0x155: {  	v9 =	vor.u32 v9, v10;
	_ =	sdelay $0x2  }
0x156: {  	v10 =	vshll.u32 v8, $0x3  }
0x157: {  	v8 =	vand.u32 $0x7F, v8;
	v10 =	vand.u32 $0xFFFFFC00, v10  }
0x158: {  	v10 =	vor.u32 v8, v10;
	v11 =	vld.idx.msk [tilespmem:v9+s9+$0x0], vm0  }
0x159: {  	v8 =	vor.u32 $0x80, v9;
	_ =	sdelay $0x3  }
0x15a: {  	[tilespmem:v10+s25+$0x0] =	vst.idx.msk vm0, v11  }
0x15b: {  	v11 =	vor.u32 $0x80, v10;
	v8 =	vld.idx.msk [tilespmem:v8+s9+$0x0], vm0  }
0x15c: {  	v12 =	vor.u32 $0x100, v9;
	_ =	sdelay $0x3  }
0x15d: {  	[tilespmem:v11+s25+$0x0] =	vst.idx.msk vm0, v8  }
0x15e: {  	v11 =	vor.u32 $0x100, v10;
	v8 =	vld.idx.msk [tilespmem:v12+s9+$0x0], vm0  }
0x15f: {  	v59 =	vor.u32 $0x180, v9;
	_ =	sdelay $0x3  }
0x160: {  	[tilespmem:v11+s25+$0x0] =	vst.idx.msk vm0, v8  }
0x161: {  	v11 =	vor.u32 $0x180, v10;
	v8 =	vld.idx.msk [tilespmem:v59+s9+$0x0], vm0  }
0x162: {  	v60 =	vor.u32 $0x200, v9;
	_ =	sdelay $0x3  }
0x163: {  	[tilespmem:v11+s25+$0x0] =	vst.idx.msk vm0, v8  }
0x164: {  	v11 =	vor.u32 $0x200, v10;
	v8 =	vld.idx.msk [tilespmem:v60+s9+$0x0], vm0  }
0x165: {  	v61 =	vor.u32 $0x280, v9;
	_ =	sdelay $0x3  }
0x166: {  	[tilespmem:v11+s25+$0x0] =	vst.idx.msk vm0, v8  }
0x167: {  	v11 =	vor.u32 $0x280, v10;
	v8 =	vld.idx.msk [tilespmem:v61+s9+$0x0], vm0  }
0x168: {  	v62 =	vor.u32 $0x300, v9;
	_ =	sdelay $0x3  }
0x169: {  	[tilespmem:v11+s25+$0x0] =	vst.idx.msk vm0, v8  }
0x16a: {  	v63 =	vor.u32 $0x300, v10;
	v11 =	vld.idx.msk [tilespmem:v62+s9+$0x0], vm0  }
0x16b: {  	p1 =	sne.s32 s6, $0x1;
	v9 =	vor.u32 $0x380, v9  }
.Ltmp13:
0x16c: {  	_ = 	snop;
	(pc) =	sbr.rel @!p1 .LBB2_17-.Ltmp13, $4  }
0x16d: {  	s5 =	sadd.s32 $0x10, s5  }
0x16e: {  	v8 =	vor.u32 s5, v2  }
0x16f: {  	vm1 =	vge.s32 v8, v7;
	vm2 =	vlt.s32 v8, v5;
	[tilespmem:v63+s25+$0x0] =	vst.idx.msk vm0, v11  }
0x170: {  	s6 =	sadd.s32 $0xFFFFFFFF, s6;
	p0 =	por $0x1, $0x1;
	v10 =	vor.u32 $0x380, v10;
	vm1 =	vmand vm1, vm2;
	v9 =	vld.idx.msk [tilespmem:v9+s9+$0x0], vm0  }
.LBB2_16:
0x171: {  	_ =	sdelay $0x3  }
0x172: {  	p1 =	sne.s32 s6, $0x1;
	s6 =	sadd.s32 $0xFFFFFFFF, s6;
	[tilespmem:v10+s25+$0x0] =	vst.idx.msk vm0, v9;
	vm0 =	vmmov vm1  }
0x173: {  	v9 =	vld.idx.msk [tilespmem:v8+s22+$0x0], vm1;
	_ =	sdelay $0x5  }
0x174: {  	v9 =	vadd.s32 v6, v9  }
0x175: {  	vm1 =	vgt.s32 v9, $0x0  }
0x176: {  	v9 =	vnsel vm1, $0x0, v9  }
0x177: {  	v10 =	vshll.u32 v9, $0x3;
	v8 =	vld.idx.msk [tilespmem:v8+s23+$0x0], vm0  }
0x178: {  	v9 =	vand.u32 $0x7F, v9;
	v10 =	vand.u32 $0xFFFFFC00, v10  }
0x179: {  	v9 =	vor.u32 v9, v10;
	_ =	sdelay $0x3  }
0x17a: {  	v10 =	vshll.u32 v8, $0x3  }
0x17b: {  	v8 =	vand.u32 $0x7F, v8;
	v10 =	vand.u32 $0xFFFFFC00, v10;
	v11 =	vld.idx.msk [tilespmem:v9+s9+$0x0], vm0  }
0x17c: {  	v10 =	vor.u32 v8, v10  }
0x17d: {  	v8 =	vor.u32 $0x80, v9;
	_ =	sdelay $0x3  }
0x17e: {  	[tilespmem:v10+s25+$0x0] =	vst.idx.msk vm0, v11  }
0x17f: {  	v8 =	vld.idx.msk [tilespmem:v8+s9+$0x0], vm0  }
0x180: {  	v11 =	vor.u32 $0x80, v10  }
0x181: {  	v12 =	vor.u32 $0x100, v9;
	_ =	sdelay $0x3  }
0x182: {  	[tilespmem:v11+s25+$0x0] =	vst.idx.msk vm0, v8  }
0x183: {  	v8 =	vld.idx.msk [tilespmem:v12+s9+$0x0], vm0  }
0x184: {  	v11 =	vor.u32 $0x100, v10  }
0x185: {  	v12 =	vor.u32 $0x180, v9;
	_ =	sdelay $0x3  }
0x186: {  	[tilespmem:v11+s25+$0x0] =	vst.idx.msk vm0, v8  }
0x187: {  	v8 =	vld.idx.msk [tilespmem:v12+s9+$0x0], vm0  }
0x188: {  	v11 =	vor.u32 $0x180, v10  }
0x189: {  	v12 =	vor.u32 $0x200, v9;
	_ =	sdelay $0x3  }
0x18a: {  	[tilespmem:v11+s25+$0x0] =	vst.idx.msk vm0, v8  }
0x18b: {  	v8 =	vld.idx.msk [tilespmem:v12+s9+$0x0], vm0  }
0x18c: {  	v11 =	vor.u32 $0x200, v10  }
0x18d: {  	v12 =	vor.u32 $0x280, v9;
	_ =	sdelay $0x3  }
0x18e: {  	[tilespmem:v11+s25+$0x0] =	vst.idx.msk vm0, v8  }
0x18f: {  	v8 =	vld.idx.msk [tilespmem:v12+s9+$0x0], vm0  }
0x190: {  	v11 =	vor.u32 $0x280, v10  }
0x191: {  	v12 =	vor.u32 $0x300, v9;
	_ =	sdelay $0x3  }
0x192: {  	[tilespmem:v11+s25+$0x0] =	vst.idx.msk vm0, v8  }
0x193: {  	v11 =	vld.idx.msk [tilespmem:v12+s9+$0x0], vm0  }
0x194: {  	v12 =	vor.u32 $0x300, v10  }
0x195: {  	v9 =	vor.u32 $0x380, v9;
	_ =	sdelay $0x1  }
.Ltmp14:
0x196: {  	(pc) =	sbr.rel @p1 .LBB2_16-.Ltmp14, $4  }
0x197: {  	s5 =	sadd.s32 $0x10, s5  }
0x198: {  	v8 =	vor.u32 s5, v2;
	[tilespmem:v12+s25+$0x0] =	vst.idx.msk vm0, v11  }
0x199: {  	vm1 =	vge.s32 v8, v7;
	vm2 =	vlt.s32 v8, v5;
	v9 =	vld.idx.msk [tilespmem:v9+s9+$0x0], vm0  }
0x19a: {  	v10 =	vor.u32 $0x380, v10;
	vm1 =	vmand vm1, vm2  }
.LBB2_17:
0x19b: {  	_ =	sdelay $0x4  }
0x19c: {  	[tilespmem:v10+s25+$0x0] =	vst.idx.msk @p0 vm0, v9  }
0x19d: {  	v7 =	vld.idx.msk [tilespmem:v8+s22+$0x0], vm1;
	_ =	sdelay $0x1  }
0x19e: {  	vm14 =	vmmov vm1;
	_ =	sdelay $0x2  }
0x19f: {  	v6 =	vadd.s32 v6, v7  }
0x1a0: {  	vm15 =	vgt.s32 v6, $0x0  }
0x1a1: {  	v6 =	vnsel vm15, $0x0, v6  }
0x1a2: {  	v7 =	vld.idx.msk [tilespmem:v8+s23+$0x0], vm14;
	v50 =	vshll.u32 v6, $0x3  }
0x1a3: {  	v6 =	vand.u32 $0x7F, v6;
	v8 =	vand.u32 $0xFFFFFC00, v50  }
0x1a4: {  	v6 =	vor.u32 v6, v8;
	_ =	sdelay $0x2  }
0x1a5: {  	v51 =	vshll.u32 v7, $0x3  }
0x1a6: {  	v7 =	vand.u32 $0x7F, v7;
	v8 =	vand.u32 $0xFFFFFC00, v51  }
0x1a7: {  	v7 =	vor.u32 v7, v8;
	v9 =	vld.idx.msk [tilespmem:v6+s9+$0x0], vm14  }
0x1a8: {  	v52 =	vor.u32 $0x80, v6;
	_ =	sdelay $0x3  }
0x1a9: {  	[tilespmem:v7+s25+$0x0] =	vst.idx.msk vm14, v9  }
0x1aa: {  	v53 =	vor.u32 $0x80, v7;
	v8 =	vld.idx.msk [tilespmem:v52+s9+$0x0], vm14  }
0x1ab: {  	v54 =	vor.u32 $0x100, v6;
	_ =	sdelay $0x3  }
0x1ac: {  	[tilespmem:v53+s25+$0x0] =	vst.idx.msk vm14, v8  }
0x1ad: {  	v55 =	vor.u32 $0x100, v7;
	v8 =	vld.idx.msk [tilespmem:v54+s9+$0x0], vm14  }
0x1ae: {  	v56 =	vor.u32 $0x180, v6;
	_ =	sdelay $0x3  }
0x1af: {  	[tilespmem:v55+s25+$0x0] =	vst.idx.msk vm14, v8  }
0x1b0: {  	v57 =	vor.u32 $0x180, v7;
	v8 =	vld.idx.msk [tilespmem:v56+s9+$0x0], vm14  }
0x1b1: {  	v58 =	vor.u32 $0x200, v6;
	_ =	sdelay $0x3  }
0x1b2: {  	[tilespmem:v57+s25+$0x0] =	vst.idx.msk vm14, v8  }
0x1b3: {  	v59 =	vor.u32 $0x200, v7;
	v8 =	vld.idx.msk [tilespmem:v58+s9+$0x0], vm14  }
0x1b4: {  	v60 =	vor.u32 $0x280, v6;
	_ =	sdelay $0x3  }
0x1b5: {  	[tilespmem:v59+s25+$0x0] =	vst.idx.msk vm14, v8  }
0x1b6: {  	v61 =	vor.u32 $0x280, v7;
	v8 =	vld.idx.msk [tilespmem:v60+s9+$0x0], vm14  }
0x1b7: {  	v62 =	vor.u32 $0x300, v6;
	_ =	sdelay $0x3  }
0x1b8: {  	[tilespmem:v61+s25+$0x0] =	vst.idx.msk vm14, v8  }
0x1b9: {  	v63 =	vor.u32 $0x300, v7;
	v8 =	vld.idx.msk [tilespmem:v62+s9+$0x0], vm14  }
0x1ba: {  	v6 =	vor.u32 $0x380, v6;
	_ =	sdelay $0x3  }
0x1bb: {  	[tilespmem:v63+s25+$0x0] =	vst.idx.msk vm14, v8  }
0x1bc: {  	v7 =	vor.u32 $0x380, v7;
	v6 =	vld.idx.msk [tilespmem:v6+s9+$0x0], vm14;
	_ =	sdelay $0x4  }
0x1bd: {  	[tilespmem:v7+s25+$0x0] =	vst.idx.msk vm14, v6  }
.LBB2_18:
0x1be: {  	s6 =	sadd.s32 $0x3, s3  }
0x1bf: {  	s0 =	smul.u32 $0x6000, s6;
	_ =	sdelay $0x1  }
0x1c0: {  	s0 =	sadd.s32 s1, s0  }
0x1c1: {  	s0 =	sshrl.u32 s0, $0x3  }
0x1c2: {  	s0 =	sadd.s32 s2, s0  }
0x1c3: {  	[tilespmem:s9], [sflag:$0x1] =	stream.linear.gather [hbm4b:s0+s4], $0x6000, $0x38;
	[tilespmem:$0x1E800] =	vst v63  }
0x1c4: {  	_ =	swait.ge [sflag:s26], $0x6000  }
0x1c5: {  	[sflag:s26] =	ssyncset.done $0x0  }
0x1c6: {  	[sflag:s26] =	ssyncadd.s32 $0xFFFFA000  }
0x1c7: {  	s5 =	sld [smem:s3+$0x2];
	_ =	sdelay $0x2  }
0x1c8: {  	s31 =	sadd.s32 $0xF, s5  }
0x1c9: {  	s12 =	sshra.s32 s7, $0x4;
	s0 =	sshra.s32 s31, $0x4  }
0x1ca: {  	p0 =	sle.s32 s0, s12  }
.Ltmp15:
0x1cb: {  	_ = 	snop;
	(pc) =	sbr.rel @p0 .LBB2_24-.Ltmp15, $2  }
0x1cc: {  	_ =	sdelay $0x2  }
0x1cd: {  	v6 =	vmov s5  }
0x1ce: {  	s0 =	ssub.s32 s0, s12  }
0x1cf: {  	p1 =	sne.s32 s0, $0x1  }
.Ltmp16:
0x1d0: {  	_ = 	snop;
	(pc) =	sbr.rel @!p1 .LBB2_20-.Ltmp16, $4  }
0x1d1: {  	s31 =	sadd.s32 $0x1, s3;
	s7 =	sshll.u32 s12, $0x4  }
0x1d2: {  	s31 =	smul.u32 $0xFFFFF400, s31;
	v8 =	vor.u32 s7, v2  }
0x1d3: {  	vm0 =	vge.s32 v8, v5;
	vm1 =	vlt.s32 v8, v6  }
0x1d4: {  	p0 =	por $0x0, $0x0;
	s12 =	sadd.s32 $0xFFFFFFFF, s0;
	v7 =	vmov s31;
	vm1 =	vmand vm0, vm1  }
0x1d5: {  	_ =	sdelay $0x4  }
0x1d6: {  	v9 =	vld.idx.msk [tilespmem:v8+s22+$0x0], vm1;
	_ =	sdelay $0x1  }
0x1d7: {  	vm0 =	vmmov vm1;
	_ =	sdelay $0x2  }
0x1d8: {  	v9 =	vadd.s32 v7, v9  }
0x1d9: {  	vm1 =	vgt.s32 v9, $0x0  }
0x1da: {  	v9 =	vnsel vm1, $0x0, v9  }
0x1db: {  	v8 =	vld.idx.msk [tilespmem:v8+s23+$0x0], vm0;
	v10 =	vshll.u32 v9, $0x3  }
0x1dc: {  	v9 =	vand.u32 $0x7F, v9;
	v10 =	vand.u32 $0xFFFFFC00, v10  }
0x1dd: {  	v9 =	vor.u32 v9, v10;
	_ =	sdelay $0x2  }
0x1de: {  	v10 =	vshll.u32 v8, $0x3  }
0x1df: {  	v8 =	vand.u32 $0x7F, v8;
	v10 =	vand.u32 $0xFFFFFC00, v10  }
0x1e0: {  	v10 =	vor.u32 v8, v10;
	v11 =	vld.idx.msk [tilespmem:v9+s10+$0x0], vm0  }
0x1e1: {  	v8 =	vor.u32 $0x80, v9;
	_ =	sdelay $0x3  }
0x1e2: {  	[tilespmem:v10+s25+$0x0] =	vst.idx.msk vm0, v11  }
0x1e3: {  	v11 =	vor.u32 $0x80, v10;
	v8 =	vld.idx.msk [tilespmem:v8+s10+$0x0], vm0  }
0x1e4: {  	v12 =	vor.u32 $0x100, v9;
	_ =	sdelay $0x3  }
0x1e5: {  	[tilespmem:v11+s25+$0x0] =	vst.idx.msk vm0, v8  }
0x1e6: {  	v11 =	vor.u32 $0x100, v10;
	v8 =	vld.idx.msk [tilespmem:v12+s10+$0x0], vm0  }
0x1e7: {  	v59 =	vor.u32 $0x180, v9;
	_ =	sdelay $0x3  }
0x1e8: {  	[tilespmem:v11+s25+$0x0] =	vst.idx.msk vm0, v8  }
0x1e9: {  	v11 =	vor.u32 $0x180, v10;
	v8 =	vld.idx.msk [tilespmem:v59+s10+$0x0], vm0  }
0x1ea: {  	v60 =	vor.u32 $0x200, v9;
	_ =	sdelay $0x3  }
0x1eb: {  	[tilespmem:v11+s25+$0x0] =	vst.idx.msk vm0, v8  }
0x1ec: {  	v11 =	vor.u32 $0x200, v10;
	v8 =	vld.idx.msk [tilespmem:v60+s10+$0x0], vm0  }
0x1ed: {  	v61 =	vor.u32 $0x280, v9;
	_ =	sdelay $0x3  }
0x1ee: {  	[tilespmem:v11+s25+$0x0] =	vst.idx.msk vm0, v8  }
0x1ef: {  	v11 =	vor.u32 $0x280, v10;
	v8 =	vld.idx.msk [tilespmem:v61+s10+$0x0], vm0  }
0x1f0: {  	v62 =	vor.u32 $0x300, v9;
	_ =	sdelay $0x3  }
0x1f1: {  	[tilespmem:v11+s25+$0x0] =	vst.idx.msk vm0, v8  }
0x1f2: {  	v63 =	vor.u32 $0x300, v10;
	v11 =	vld.idx.msk [tilespmem:v62+s10+$0x0], vm0  }
0x1f3: {  	p1 =	sne.s32 s12, $0x1;
	v9 =	vor.u32 $0x380, v9  }
.Ltmp17:
0x1f4: {  	_ = 	snop;
	(pc) =	sbr.rel @!p1 .LBB2_23-.Ltmp17, $4  }
0x1f5: {  	s7 =	sadd.s32 $0x10, s7  }
0x1f6: {  	v8 =	vor.u32 s7, v2  }
0x1f7: {  	vm1 =	vge.s32 v8, v5;
	vm2 =	vlt.s32 v8, v6;
	[tilespmem:v63+s25+$0x0] =	vst.idx.msk vm0, v11  }
0x1f8: {  	s12 =	sadd.s32 $0xFFFFFFFF, s12;
	p0 =	por $0x1, $0x1;
	v10 =	vor.u32 $0x380, v10;
	vm1 =	vmand vm1, vm2;
	v9 =	vld.idx.msk [tilespmem:v9+s10+$0x0], vm0  }
.LBB2_22:
0x1f9: {  	_ =	sdelay $0x3  }
0x1fa: {  	p1 =	sne.s32 s12, $0x1;
	s12 =	sadd.s32 $0xFFFFFFFF, s12;
	[tilespmem:v10+s25+$0x0] =	vst.idx.msk vm0, v9;
	vm0 =	vmmov vm1  }
0x1fb: {  	v9 =	vld.idx.msk [tilespmem:v8+s22+$0x0], vm1;
	_ =	sdelay $0x5  }
0x1fc: {  	v9 =	vadd.s32 v7, v9  }
0x1fd: {  	vm1 =	vgt.s32 v9, $0x0  }
0x1fe: {  	v9 =	vnsel vm1, $0x0, v9  }
0x1ff: {  	v10 =	vshll.u32 v9, $0x3;
	v8 =	vld.idx.msk [tilespmem:v8+s23+$0x0], vm0  }
0x200: {  	v9 =	vand.u32 $0x7F, v9;
	v10 =	vand.u32 $0xFFFFFC00, v10  }
0x201: {  	v9 =	vor.u32 v9, v10;
	_ =	sdelay $0x3  }
0x202: {  	v10 =	vshll.u32 v8, $0x3  }
0x203: {  	v8 =	vand.u32 $0x7F, v8;
	v10 =	vand.u32 $0xFFFFFC00, v10;
	v11 =	vld.idx.msk [tilespmem:v9+s10+$0x0], vm0  }
0x204: {  	v10 =	vor.u32 v8, v10  }
0x205: {  	v8 =	vor.u32 $0x80, v9;
	_ =	sdelay $0x3  }
0x206: {  	[tilespmem:v10+s25+$0x0] =	vst.idx.msk vm0, v11  }
0x207: {  	v8 =	vld.idx.msk [tilespmem:v8+s10+$0x0], vm0  }
0x208: {  	v11 =	vor.u32 $0x80, v10  }
0x209: {  	v12 =	vor.u32 $0x100, v9;
	_ =	sdelay $0x3  }
0x20a: {  	[tilespmem:v11+s25+$0x0] =	vst.idx.msk vm0, v8  }
0x20b: {  	v8 =	vld.idx.msk [tilespmem:v12+s10+$0x0], vm0  }
0x20c: {  	v11 =	vor.u32 $0x100, v10  }
0x20d: {  	v12 =	vor.u32 $0x180, v9;
	_ =	sdelay $0x3  }
0x20e: {  	[tilespmem:v11+s25+$0x0] =	vst.idx.msk vm0, v8  }
0x20f: {  	v8 =	vld.idx.msk [tilespmem:v12+s10+$0x0], vm0  }
0x210: {  	v11 =	vor.u32 $0x180, v10  }
0x211: {  	v12 =	vor.u32 $0x200, v9;
	_ =	sdelay $0x3  }
0x212: {  	[tilespmem:v11+s25+$0x0] =	vst.idx.msk vm0, v8  }
0x213: {  	v8 =	vld.idx.msk [tilespmem:v12+s10+$0x0], vm0  }
0x214: {  	v11 =	vor.u32 $0x200, v10  }
0x215: {  	v12 =	vor.u32 $0x280, v9;
	_ =	sdelay $0x3  }
0x216: {  	[tilespmem:v11+s25+$0x0] =	vst.idx.msk vm0, v8  }
0x217: {  	v8 =	vld.idx.msk [tilespmem:v12+s10+$0x0], vm0  }
0x218: {  	v11 =	vor.u32 $0x280, v10  }
0x219: {  	v12 =	vor.u32 $0x300, v9;
	_ =	sdelay $0x3  }
0x21a: {  	[tilespmem:v11+s25+$0x0] =	vst.idx.msk vm0, v8  }
0x21b: {  	v11 =	vld.idx.msk [tilespmem:v12+s10+$0x0], vm0  }
0x21c: {  	v12 =	vor.u32 $0x300, v10  }
0x21d: {  	v9 =	vor.u32 $0x380, v9;
	_ =	sdelay $0x1  }
.Ltmp18:
0x21e: {  	(pc) =	sbr.rel @p1 .LBB2_22-.Ltmp18, $4  }
0x21f: {  	s7 =	sadd.s32 $0x10, s7  }
0x220: {  	v8 =	vor.u32 s7, v2;
	[tilespmem:v12+s25+$0x0] =	vst.idx.msk vm0, v11  }
0x221: {  	vm1 =	vge.s32 v8, v5;
	vm2 =	vlt.s32 v8, v6;
	v9 =	vld.idx.msk [tilespmem:v9+s10+$0x0], vm0  }
0x222: {  	v10 =	vor.u32 $0x380, v10;
	vm1 =	vmand vm1, vm2  }
.LBB2_23:
0x223: {  	_ =	sdelay $0x4  }
0x224: {  	[tilespmem:v10+s25+$0x0] =	vst.idx.msk @p0 vm0, v9  }
0x225: {  	v5 =	vld.idx.msk [tilespmem:v8+s22+$0x0], vm1;
	_ =	sdelay $0x1  }
0x226: {  	vm14 =	vmmov vm1;
	_ =	sdelay $0x2  }
0x227: {  	v5 =	vadd.s32 v7, v5  }
0x228: {  	vm15 =	vgt.s32 v5, $0x0  }
0x229: {  	v5 =	vnsel vm15, $0x0, v5  }
0x22a: {  	v7 =	vld.idx.msk [tilespmem:v8+s23+$0x0], vm14;
	v8 =	vshll.u32 v5, $0x3  }
0x22b: {  	v5 =	vand.u32 $0x7F, v5;
	v8 =	vand.u32 $0xFFFFFC00, v8  }
0x22c: {  	v5 =	vor.u32 v5, v8;
	_ =	sdelay $0x2  }
0x22d: {  	v8 =	vshll.u32 v7, $0x3  }
0x22e: {  	v7 =	vand.u32 $0x7F, v7;
	v8 =	vand.u32 $0xFFFFFC00, v8  }
0x22f: {  	v7 =	vor.u32 v7, v8;
	v9 =	vld.idx.msk [tilespmem:v5+s10+$0x0], vm14  }
0x230: {  	v8 =	vor.u32 $0x80, v5;
	_ =	sdelay $0x3  }
0x231: {  	[tilespmem:v7+s25+$0x0] =	vst.idx.msk vm14, v9  }
0x232: {  	v53 =	vor.u32 $0x80, v7;
	v8 =	vld.idx.msk [tilespmem:v8+s10+$0x0], vm14  }
0x233: {  	v54 =	vor.u32 $0x100, v5;
	_ =	sdelay $0x3  }
0x234: {  	[tilespmem:v53+s25+$0x0] =	vst.idx.msk vm14, v8  }
0x235: {  	v55 =	vor.u32 $0x100, v7;
	v8 =	vld.idx.msk [tilespmem:v54+s10+$0x0], vm14  }
0x236: {  	v56 =	vor.u32 $0x180, v5;
	_ =	sdelay $0x3  }
0x237: {  	[tilespmem:v55+s25+$0x0] =	vst.idx.msk vm14, v8  }
0x238: {  	v57 =	vor.u32 $0x180, v7;
	v8 =	vld.idx.msk [tilespmem:v56+s10+$0x0], vm14  }
0x239: {  	v58 =	vor.u32 $0x200, v5;
	_ =	sdelay $0x3  }
0x23a: {  	[tilespmem:v57+s25+$0x0] =	vst.idx.msk vm14, v8  }
0x23b: {  	v59 =	vor.u32 $0x200, v7;
	v8 =	vld.idx.msk [tilespmem:v58+s10+$0x0], vm14  }
0x23c: {  	v60 =	vor.u32 $0x280, v5;
	_ =	sdelay $0x3  }
0x23d: {  	[tilespmem:v59+s25+$0x0] =	vst.idx.msk vm14, v8  }
0x23e: {  	v61 =	vor.u32 $0x280, v7;
	v8 =	vld.idx.msk [tilespmem:v60+s10+$0x0], vm14  }
0x23f: {  	v62 =	vor.u32 $0x300, v5;
	_ =	sdelay $0x3  }
0x240: {  	[tilespmem:v61+s25+$0x0] =	vst.idx.msk vm14, v8  }
0x241: {  	v63 =	vor.u32 $0x300, v7;
	v8 =	vld.idx.msk [tilespmem:v62+s10+$0x0], vm14  }
0x242: {  	v5 =	vor.u32 $0x380, v5;
	_ =	sdelay $0x3  }
0x243: {  	[tilespmem:v63+s25+$0x0] =	vst.idx.msk vm14, v8  }
0x244: {  	v7 =	vor.u32 $0x380, v7;
	v5 =	vld.idx.msk [tilespmem:v5+s10+$0x0], vm14;
	_ =	sdelay $0x4  }
0x245: {  	[tilespmem:v7+s25+$0x0] =	vst.idx.msk vm14, v5  }
.LBB2_24:
0x246: {  	s0 =	smul.u32 $0x12000, s30;
	_ =	sdelay $0x1  }
0x247: {  	s0 =	sadd.s32 s29, s0  }
0x248: {  	s0 =	sshrl.u32 s0, $0x3  }
0x249: {  	s0 =	sadd.s32 s2, s0  }
0x24a: {  	[tilespmem:s10], [sflag:$0x2] =	stream.linear.gather [hbm4b:s0+s4], $0x6000, $0x38;
	[tilespmem:$0x1E800] =	vst v63  }
0x24b: {  	_ =	swait.ge [sflag:s28], $0x6000  }
0x24c: {  	[sflag:s28] =	ssyncset.done $0x0  }
0x24d: {  	[sflag:s28] =	ssyncadd.s32 $0xFFFFA000  }
0x24e: {  	s6 =	sld [smem:s6+$0x0];
	_ =	sdelay $0x2  }
0x24f: {  	s31 =	sadd.s32 $0xF, s6  }
0x250: {  	s7 =	sshra.s32 s5, $0x4;
	s0 =	sshra.s32 s31, $0x4  }
0x251: {  	p0 =	sle.s32 s0, s7  }
.Ltmp19:
0x252: {  	_ = 	snop;
	(pc) =	sbr.rel @p0 .LBB2_30-.Ltmp19, $1  }
0x253: {  	_ =	sdelay $0x3  }
0x254: {  	s0 =	ssub.s32 s0, s7  }
0x255: {  	p1 =	sne.s32 s0, $0x1  }
.Ltmp20:
0x256: {  	_ = 	snop;
	(pc) =	sbr.rel @!p1 .LBB2_26-.Ltmp20, $4  }
0x257: {  	s12 =	sadd.s32 $0x2, s3;
	s5 =	sshll.u32 s7, $0x4  }
0x258: {  	v7 =	vmov s6;
	s12 =	smul.u32 $0xFFFFF400, s12;
	v8 =	vor.u32 s5, v2  }
0x259: {  	vm0 =	vge.s32 v8, v6;
	vm1 =	vlt.s32 v8, v7  }
0x25a: {  	p0 =	por $0x0, $0x0;
	s6 =	sadd.s32 $0xFFFFFFFF, s0;
	v5 =	vmov s12;
	vm1 =	vmand vm0, vm1  }
0x25b: {  	_ =	sdelay $0x4  }
0x25c: {  	v9 =	vld.idx.msk [tilespmem:v8+s22+$0x0], vm1;
	_ =	sdelay $0x1  }
0x25d: {  	vm0 =	vmmov vm1;
	_ =	sdelay $0x2  }
0x25e: {  	v9 =	vadd.s32 v5, v9  }
0x25f: {  	vm1 =	vgt.s32 v9, $0x0  }
0x260: {  	v9 =	vnsel vm1, $0x0, v9  }
0x261: {  	v8 =	vld.idx.msk [tilespmem:v8+s23+$0x0], vm0;
	v10 =	vshll.u32 v9, $0x3  }
0x262: {  	v9 =	vand.u32 $0x7F, v9;
	v10 =	vand.u32 $0xFFFFFC00, v10  }
0x263: {  	v9 =	vor.u32 v9, v10;
	_ =	sdelay $0x2  }
0x264: {  	v10 =	vshll.u32 v8, $0x3  }
0x265: {  	v8 =	vand.u32 $0x7F, v8;
	v10 =	vand.u32 $0xFFFFFC00, v10  }
0x266: {  	v10 =	vor.u32 v8, v10;
	v11 =	vld.idx.msk [tilespmem:v9+s11+$0x0], vm0  }
0x267: {  	v8 =	vor.u32 $0x80, v9;
	_ =	sdelay $0x3  }
0x268: {  	[tilespmem:v10+s25+$0x0] =	vst.idx.msk vm0, v11  }
0x269: {  	v11 =	vor.u32 $0x80, v10;
	v8 =	vld.idx.msk [tilespmem:v8+s11+$0x0], vm0  }
0x26a: {  	v12 =	vor.u32 $0x100, v9;
	_ =	sdelay $0x3  }
0x26b: {  	[tilespmem:v11+s25+$0x0] =	vst.idx.msk vm0, v8  }
0x26c: {  	v11 =	vor.u32 $0x100, v10;
	v8 =	vld.idx.msk [tilespmem:v12+s11+$0x0], vm0  }
0x26d: {  	v59 =	vor.u32 $0x180, v9;
	_ =	sdelay $0x3  }
0x26e: {  	[tilespmem:v11+s25+$0x0] =	vst.idx.msk vm0, v8  }
0x26f: {  	v11 =	vor.u32 $0x180, v10;
	v8 =	vld.idx.msk [tilespmem:v59+s11+$0x0], vm0  }
0x270: {  	v60 =	vor.u32 $0x200, v9;
	_ =	sdelay $0x3  }
0x271: {  	[tilespmem:v11+s25+$0x0] =	vst.idx.msk vm0, v8  }
0x272: {  	v11 =	vor.u32 $0x200, v10;
	v8 =	vld.idx.msk [tilespmem:v60+s11+$0x0], vm0  }
0x273: {  	v61 =	vor.u32 $0x280, v9;
	_ =	sdelay $0x3  }
0x274: {  	[tilespmem:v11+s25+$0x0] =	vst.idx.msk vm0, v8  }
0x275: {  	v11 =	vor.u32 $0x280, v10;
	v8 =	vld.idx.msk [tilespmem:v61+s11+$0x0], vm0  }
0x276: {  	v62 =	vor.u32 $0x300, v9;
	_ =	sdelay $0x3  }
0x277: {  	[tilespmem:v11+s25+$0x0] =	vst.idx.msk vm0, v8  }
0x278: {  	v63 =	vor.u32 $0x300, v10;
	v11 =	vld.idx.msk [tilespmem:v62+s11+$0x0], vm0  }
0x279: {  	v9 =	vor.u32 $0x380, v9;
	_ =	sdelay $0x3  }
0x27a: {  	p1 =	sne.s32 s6, $0x1;
	[tilespmem:v63+s25+$0x0] =	vst.idx.msk vm0, v11  }
.Ltmp21:
0x27b: {  	s5 =	sadd.s32 $0x10, s5;
	v10 =	vor.u32 $0x380, v10;
	v9 =	vld.idx.msk [tilespmem:v9+s11+$0x0], vm0;
	(pc) =	sbr.rel @!p1 .LBB2_29-.Ltmp21, $3  }
0x27c: {  	v8 =	vor.u32 s5, v2;
	_ =	sdelay $0x1  }
0x27d: {  	vm1 =	vge.s32 v8, v6;
	vm2 =	vlt.s32 v8, v7  }
0x27e: {  	s6 =	sadd.s32 $0xFFFFFFFF, s6;
	p0 =	por $0x1, $0x1;
	vm1 =	vmand vm1, vm2  }
.LBB2_28:
0x27f: {  	p1 =	sne.s32 s6, $0x1;
	s6 =	sadd.s32 $0xFFFFFFFF, s6;
	[tilespmem:v10+s25+$0x0] =	vst.idx.msk vm0, v9;
	vm0 =	vmmov vm1  }
0x280: {  	v9 =	vld.idx.msk [tilespmem:v8+s22+$0x0], vm1;
	_ =	sdelay $0x5  }
0x281: {  	v9 =	vadd.s32 v5, v9  }
0x282: {  	vm1 =	vgt.s32 v9, $0x0  }
0x283: {  	v9 =	vnsel vm1, $0x0, v9  }
0x284: {  	v10 =	vshll.u32 v9, $0x3;
	v8 =	vld.idx.msk [tilespmem:v8+s23+$0x0], vm0  }
0x285: {  	v9 =	vand.u32 $0x7F, v9;
	v10 =	vand.u32 $0xFFFFFC00, v10  }
0x286: {  	v9 =	vor.u32 v9, v10;
	_ =	sdelay $0x3  }
0x287: {  	v10 =	vshll.u32 v8, $0x3  }
0x288: {  	v8 =	vand.u32 $0x7F, v8;
	v10 =	vand.u32 $0xFFFFFC00, v10;
	v11 =	vld.idx.msk [tilespmem:v9+s11+$0x0], vm0  }
0x289: {  	v10 =	vor.u32 v8, v10  }
0x28a: {  	v8 =	vor.u32 $0x80, v9;
	_ =	sdelay $0x3  }
0x28b: {  	[tilespmem:v10+s25+$0x0] =	vst.idx.msk vm0, v11  }
0x28c: {  	v8 =	vld.idx.msk [tilespmem:v8+s11+$0x0], vm0  }
0x28d: {  	v11 =	vor.u32 $0x80, v10  }
0x28e: {  	v12 =	vor.u32 $0x100, v9;
	_ =	sdelay $0x3  }
0x28f: {  	[tilespmem:v11+s25+$0x0] =	vst.idx.msk vm0, v8  }
0x290: {  	v8 =	vld.idx.msk [tilespmem:v12+s11+$0x0], vm0  }
0x291: {  	v11 =	vor.u32 $0x100, v10  }
0x292: {  	v12 =	vor.u32 $0x180, v9;
	_ =	sdelay $0x3  }
0x293: {  	[tilespmem:v11+s25+$0x0] =	vst.idx.msk vm0, v8  }
0x294: {  	v8 =	vld.idx.msk [tilespmem:v12+s11+$0x0], vm0  }
0x295: {  	v11 =	vor.u32 $0x180, v10  }
0x296: {  	v12 =	vor.u32 $0x200, v9;
	_ =	sdelay $0x3  }
0x297: {  	[tilespmem:v11+s25+$0x0] =	vst.idx.msk vm0, v8  }
0x298: {  	v8 =	vld.idx.msk [tilespmem:v12+s11+$0x0], vm0  }
0x299: {  	v11 =	vor.u32 $0x200, v10  }
0x29a: {  	v12 =	vor.u32 $0x280, v9;
	_ =	sdelay $0x3  }
0x29b: {  	[tilespmem:v11+s25+$0x0] =	vst.idx.msk vm0, v8  }
0x29c: {  	v8 =	vld.idx.msk [tilespmem:v12+s11+$0x0], vm0  }
0x29d: {  	v11 =	vor.u32 $0x280, v10  }
0x29e: {  	v12 =	vor.u32 $0x300, v9;
	_ =	sdelay $0x3  }
0x29f: {  	[tilespmem:v11+s25+$0x0] =	vst.idx.msk vm0, v8  }
0x2a0: {  	v11 =	vld.idx.msk [tilespmem:v12+s11+$0x0], vm0  }
0x2a1: {  	v12 =	vor.u32 $0x300, v10  }
0x2a2: {  	v9 =	vor.u32 $0x380, v9;
	_ =	sdelay $0x1  }
.Ltmp22:
0x2a3: {  	(pc) =	sbr.rel @p1 .LBB2_28-.Ltmp22, $4  }
0x2a4: {  	s5 =	sadd.s32 $0x10, s5  }
0x2a5: {  	v8 =	vor.u32 s5, v2;
	[tilespmem:v12+s25+$0x0] =	vst.idx.msk vm0, v11  }
0x2a6: {  	vm1 =	vge.s32 v8, v6;
	vm2 =	vlt.s32 v8, v7;
	v9 =	vld.idx.msk [tilespmem:v9+s11+$0x0], vm0  }
0x2a7: {  	v10 =	vor.u32 $0x380, v10;
	vm1 =	vmand vm1, vm2  }
.Ltmp23:
0x2a8: {  	_ = 	snop;
	(pc) =	sbr.rel .LBB2_29-.Ltmp23, $1  }
0x2a9: {  	_ =	sdelay $0x3  }
.LBB2_14:
.Ltmp24:
0x2aa: {  	(pc) =	sbr.rel .LBB2_17-.Ltmp24, $2  }
0x2ab: {  	_ =	sdelay $0x2  }
0x2ac: {  	_ = 	snop  }
.LBB2_20:
.Ltmp25:
0x2ad: {  	(pc) =	sbr.rel .LBB2_23-.Ltmp25, $2  }
0x2ae: {  	_ =	sdelay $0x2  }
0x2af: {  	_ = 	snop  }
.LBB2_31:
0x2b0: {  	_ =	swait.ge [sflag:s24], $0x6000  }
0x2b1: {  	[sflag:s24] =	ssyncset.done $0x0  }
0x2b2: {  	[sflag:s24] =	ssyncadd.s32 $0xFFFFA000  }
0x2b3: {  	s1 =	sld [smem:$0x1F]  }
0x2b4: {  	s5 =	sld [smem:$0x1E];
	_ =	sdelay $0x1  }
0x2b5: {  	s3 =	sadd.s32 $0xF, s1  }
0x2b6: {  	s0 =	sshra.s32 s5, $0x4;
	s6 =	sshra.s32 s3, $0x4  }
0x2b7: {  	p0 =	sle.s32 s6, s0  }
.Ltmp26:
0x2b8: {  	_ = 	snop;
	(pc) =	sbr.rel @p0 .LBB2_37-.Ltmp26, $3  }
0x2b9: {  	_ =	sdelay $0x1  }
0x2ba: {  	s29 =	rddreg [dreg:$0x9]  }
0x2bb: {  	s7 =	rddreg [dreg:$0xa];
	v6 =	vmov s1  }
0x2bc: {  	s31 =	ssub.s32 s6, s0  }
0x2bd: {  	p1 =	sne.s32 s31, $0x1  }
.Ltmp27:
0x2be: {  	_ = 	snop;
	(pc) =	sbr.rel @!p1 .LBB2_33-.Ltmp27, $4  }
0x2bf: {  	s3 =	sshll.u32 s0, $0x4  }
0x2c0: {  	v5 =	vmov s5;
	v7 =	vor.u32 s3, v2  }
0x2c1: {  	vm0 =	vge.s32 v7, v5;
	vm1 =	vlt.s32 v7, v6  }
0x2c2: {  	p0 =	por $0x0, $0x0;
	s5 =	sadd.s32 $0xFFFFFFFF, s31;
	vm1 =	vmand vm0, vm1  }
0x2c3: {  	_ =	sdelay $0x4  }
0x2c4: {  	v8 =	vld.idx.msk [tilespmem:v7+s22+$0x0], vm1;
	_ =	sdelay $0x1  }
0x2c5: {  	vm0 =	vmmov vm1;
	_ =	sdelay $0x2  }
0x2c6: {  	v8 =	vadd.s32 $0xFFFE9800, v8  }
0x2c7: {  	vm1 =	vgt.s32 v8, $0x0  }
0x2c8: {  	v8 =	vnsel vm1, $0x0, v8  }
0x2c9: {  	v7 =	vld.idx.msk [tilespmem:v7+s23+$0x0], vm0;
	v9 =	vshll.u32 v8, $0x3  }
0x2ca: {  	v8 =	vand.u32 $0x7F, v8;
	v9 =	vand.u32 $0xFFFFFC00, v9  }
0x2cb: {  	v8 =	vor.u32 v8, v9;
	_ =	sdelay $0x2  }
0x2cc: {  	v9 =	vshll.u32 v7, $0x3  }
0x2cd: {  	v7 =	vand.u32 $0x7F, v7;
	v9 =	vand.u32 $0xFFFFFC00, v9  }
0x2ce: {  	v9 =	vor.u32 v7, v9;
	v10 =	vld.idx.msk [tilespmem:v8+s9+$0x0], vm0  }
0x2cf: {  	v7 =	vor.u32 $0x80, v8;
	_ =	sdelay $0x3  }
0x2d0: {  	[tilespmem:v9+s25+$0x0] =	vst.idx.msk vm0, v10  }
0x2d1: {  	v10 =	vor.u32 $0x80, v9;
	v7 =	vld.idx.msk [tilespmem:v7+s9+$0x0], vm0  }
0x2d2: {  	v11 =	vor.u32 $0x100, v8;
	_ =	sdelay $0x3  }
0x2d3: {  	[tilespmem:v10+s25+$0x0] =	vst.idx.msk vm0, v7  }
0x2d4: {  	v10 =	vor.u32 $0x100, v9;
	v7 =	vld.idx.msk [tilespmem:v11+s9+$0x0], vm0  }
0x2d5: {  	v11 =	vor.u32 $0x180, v8;
	_ =	sdelay $0x3  }
0x2d6: {  	[tilespmem:v10+s25+$0x0] =	vst.idx.msk vm0, v7  }
0x2d7: {  	v10 =	vor.u32 $0x180, v9;
	v7 =	vld.idx.msk [tilespmem:v11+s9+$0x0], vm0  }
0x2d8: {  	v11 =	vor.u32 $0x200, v8;
	_ =	sdelay $0x3  }
0x2d9: {  	[tilespmem:v10+s25+$0x0] =	vst.idx.msk vm0, v7  }
0x2da: {  	v10 =	vor.u32 $0x200, v9;
	v7 =	vld.idx.msk [tilespmem:v11+s9+$0x0], vm0  }
0x2db: {  	v11 =	vor.u32 $0x280, v8;
	_ =	sdelay $0x3  }
0x2dc: {  	[tilespmem:v10+s25+$0x0] =	vst.idx.msk vm0, v7  }
0x2dd: {  	v10 =	vor.u32 $0x280, v9;
	v7 =	vld.idx.msk [tilespmem:v11+s9+$0x0], vm0  }
0x2de: {  	v11 =	vor.u32 $0x300, v8;
	_ =	sdelay $0x3  }
0x2df: {  	[tilespmem:v10+s25+$0x0] =	vst.idx.msk vm0, v7  }
0x2e0: {  	v10 =	vld.idx.msk [tilespmem:v11+s9+$0x0], vm0;
	v11 =	vor.u32 $0x300, v9  }
0x2e1: {  	p1 =	sne.s32 s5, $0x1;
	v8 =	vor.u32 $0x380, v8  }
.Ltmp28:
0x2e2: {  	_ = 	snop;
	(pc) =	sbr.rel @!p1 .LBB2_36-.Ltmp28, $4  }
0x2e3: {  	s3 =	sadd.s32 $0x10, s3  }
0x2e4: {  	v7 =	vor.u32 s3, v2  }
0x2e5: {  	vm1 =	vge.s32 v7, v5;
	vm2 =	vlt.s32 v7, v6;
	[tilespmem:v11+s25+$0x0] =	vst.idx.msk vm0, v10  }
0x2e6: {  	s5 =	sadd.s32 $0xFFFFFFFF, s5;
	p0 =	por $0x1, $0x1;
	v9 =	vor.u32 $0x380, v9;
	vm1 =	vmand vm1, vm2;
	v8 =	vld.idx.msk [tilespmem:v8+s9+$0x0], vm0  }
.LBB2_35:
0x2e7: {  	_ =	sdelay $0x3  }
0x2e8: {  	p1 =	sne.s32 s5, $0x1;
	s5 =	sadd.s32 $0xFFFFFFFF, s5;
	[tilespmem:v9+s25+$0x0] =	vst.idx.msk vm0, v8;
	vm0 =	vmmov vm1  }
0x2e9: {  	v8 =	vld.idx.msk [tilespmem:v7+s22+$0x0], vm1;
	_ =	sdelay $0x5  }
0x2ea: {  	v8 =	vadd.s32 $0xFFFE9800, v8  }
0x2eb: {  	vm1 =	vgt.s32 v8, $0x0  }
0x2ec: {  	v8 =	vnsel vm1, $0x0, v8  }
0x2ed: {  	v9 =	vshll.u32 v8, $0x3;
	v7 =	vld.idx.msk [tilespmem:v7+s23+$0x0], vm0  }
0x2ee: {  	v8 =	vand.u32 $0x7F, v8;
	v9 =	vand.u32 $0xFFFFFC00, v9  }
0x2ef: {  	v8 =	vor.u32 v8, v9;
	_ =	sdelay $0x3  }
0x2f0: {  	v9 =	vshll.u32 v7, $0x3  }
0x2f1: {  	v7 =	vand.u32 $0x7F, v7;
	v9 =	vand.u32 $0xFFFFFC00, v9;
	v10 =	vld.idx.msk [tilespmem:v8+s9+$0x0], vm0  }
0x2f2: {  	v9 =	vor.u32 v7, v9  }
0x2f3: {  	v7 =	vor.u32 $0x80, v8;
	_ =	sdelay $0x3  }
0x2f4: {  	[tilespmem:v9+s25+$0x0] =	vst.idx.msk vm0, v10  }
0x2f5: {  	v7 =	vld.idx.msk [tilespmem:v7+s9+$0x0], vm0  }
0x2f6: {  	v10 =	vor.u32 $0x80, v9  }
0x2f7: {  	v11 =	vor.u32 $0x100, v8;
	_ =	sdelay $0x3  }
0x2f8: {  	[tilespmem:v10+s25+$0x0] =	vst.idx.msk vm0, v7  }
0x2f9: {  	v7 =	vld.idx.msk [tilespmem:v11+s9+$0x0], vm0  }
0x2fa: {  	v10 =	vor.u32 $0x100, v9  }
0x2fb: {  	v11 =	vor.u32 $0x180, v8;
	_ =	sdelay $0x3  }
0x2fc: {  	[tilespmem:v10+s25+$0x0] =	vst.idx.msk vm0, v7  }
0x2fd: {  	v7 =	vld.idx.msk [tilespmem:v11+s9+$0x0], vm0  }
0x2fe: {  	v10 =	vor.u32 $0x180, v9  }
0x2ff: {  	v11 =	vor.u32 $0x200, v8;
	_ =	sdelay $0x3  }
0x300: {  	[tilespmem:v10+s25+$0x0] =	vst.idx.msk vm0, v7  }
0x301: {  	v7 =	vld.idx.msk [tilespmem:v11+s9+$0x0], vm0  }
0x302: {  	v10 =	vor.u32 $0x200, v9  }
0x303: {  	v11 =	vor.u32 $0x280, v8;
	_ =	sdelay $0x3  }
0x304: {  	[tilespmem:v10+s25+$0x0] =	vst.idx.msk vm0, v7  }
0x305: {  	v7 =	vld.idx.msk [tilespmem:v11+s9+$0x0], vm0  }
0x306: {  	v10 =	vor.u32 $0x280, v9  }
0x307: {  	v11 =	vor.u32 $0x300, v8;
	_ =	sdelay $0x3  }
0x308: {  	[tilespmem:v10+s25+$0x0] =	vst.idx.msk vm0, v7  }
0x309: {  	v10 =	vld.idx.msk [tilespmem:v11+s9+$0x0], vm0  }
0x30a: {  	v11 =	vor.u32 $0x300, v9  }
0x30b: {  	v8 =	vor.u32 $0x380, v8;
	_ =	sdelay $0x1  }
.Ltmp29:
0x30c: {  	(pc) =	sbr.rel @p1 .LBB2_35-.Ltmp29, $4  }
0x30d: {  	s3 =	sadd.s32 $0x10, s3  }
0x30e: {  	v7 =	vor.u32 s3, v2;
	[tilespmem:v11+s25+$0x0] =	vst.idx.msk vm0, v10  }
0x30f: {  	vm1 =	vge.s32 v7, v5;
	vm2 =	vlt.s32 v7, v6;
	v8 =	vld.idx.msk [tilespmem:v8+s9+$0x0], vm0  }
0x310: {  	v9 =	vor.u32 $0x380, v9;
	vm1 =	vmand vm1, vm2  }
.LBB2_36:
0x311: {  	_ =	sdelay $0x4  }
0x312: {  	[tilespmem:v9+s25+$0x0] =	vst.idx.msk @p0 vm0, v8  }
0x313: {  	v5 =	vld.idx.msk [tilespmem:v7+s22+$0x0], vm1;
	_ =	sdelay $0x1  }
0x314: {  	vm14 =	vmmov vm1;
	_ =	sdelay $0x2  }
0x315: {  	v5 =	vadd.s32 $0xFFFE9800, v5  }
0x316: {  	vm15 =	vgt.s32 v5, $0x0  }
0x317: {  	v5 =	vnsel vm15, $0x0, v5  }
0x318: {  	v7 =	vld.idx.msk [tilespmem:v7+s23+$0x0], vm14;
	v8 =	vshll.u32 v5, $0x3  }
0x319: {  	v5 =	vand.u32 $0x7F, v5;
	v8 =	vand.u32 $0xFFFFFC00, v8  }
0x31a: {  	v5 =	vor.u32 v5, v8;
	_ =	sdelay $0x2  }
0x31b: {  	v8 =	vshll.u32 v7, $0x3  }
0x31c: {  	v7 =	vand.u32 $0x7F, v7;
	v8 =	vand.u32 $0xFFFFFC00, v8  }
0x31d: {  	v7 =	vor.u32 v7, v8;
	v9 =	vld.idx.msk [tilespmem:v5+s9+$0x0], vm14  }
0x31e: {  	v8 =	vor.u32 $0x80, v5;
	_ =	sdelay $0x3  }
0x31f: {  	[tilespmem:v7+s25+$0x0] =	vst.idx.msk vm14, v9  }
0x320: {  	v54 =	vor.u32 $0x80, v7;
	v8 =	vld.idx.msk [tilespmem:v8+s9+$0x0], vm14  }
0x321: {  	v10 =	vor.u32 $0x100, v5;
	_ =	sdelay $0x3  }
0x322: {  	[tilespmem:v54+s25+$0x0] =	vst.idx.msk vm14, v8  }
0x323: {  	v55 =	vor.u32 $0x100, v7;
	v8 =	vld.idx.msk [tilespmem:v10+s9+$0x0], vm14  }
0x324: {  	v56 =	vor.u32 $0x180, v5;
	_ =	sdelay $0x3  }
0x325: {  	[tilespmem:v55+s25+$0x0] =	vst.idx.msk vm14, v8  }
0x326: {  	v57 =	vor.u32 $0x180, v7;
	v8 =	vld.idx.msk [tilespmem:v56+s9+$0x0], vm14  }
0x327: {  	v58 =	vor.u32 $0x200, v5;
	_ =	sdelay $0x3  }
0x328: {  	[tilespmem:v57+s25+$0x0] =	vst.idx.msk vm14, v8  }
0x329: {  	v59 =	vor.u32 $0x200, v7;
	v8 =	vld.idx.msk [tilespmem:v58+s9+$0x0], vm14  }
0x32a: {  	v60 =	vor.u32 $0x280, v5;
	_ =	sdelay $0x3  }
0x32b: {  	[tilespmem:v59+s25+$0x0] =	vst.idx.msk vm14, v8  }
0x32c: {  	v61 =	vor.u32 $0x280, v7;
	v8 =	vld.idx.msk [tilespmem:v60+s9+$0x0], vm14  }
0x32d: {  	v62 =	vor.u32 $0x300, v5;
	_ =	sdelay $0x3  }
0x32e: {  	[tilespmem:v61+s25+$0x0] =	vst.idx.msk vm14, v8  }
0x32f: {  	v63 =	vor.u32 $0x300, v7;
	v8 =	vld.idx.msk [tilespmem:v62+s9+$0x0], vm14  }
0x330: {  	v5 =	vor.u32 $0x380, v5;
	_ =	sdelay $0x3  }
0x331: {  	[tilespmem:v63+s25+$0x0] =	vst.idx.msk vm14, v8  }
0x332: {  	v7 =	vor.u32 $0x380, v7;
	v5 =	vld.idx.msk [tilespmem:v5+s9+$0x0], vm14;
	_ =	sdelay $0x4  }
0x333: {  	[tilespmem:v7+s25+$0x0] =	vst.idx.msk vm14, v5  }
.LBB2_37:
0x334: {  	_ =	swait.ge [sflag:s26], $0x6000  }
0x335: {  	[sflag:s26] =	ssyncset.done $0x0  }
0x336: {  	[sflag:s26] =	ssyncadd.s32 $0xFFFFA000  }
0x337: {  	s3 =	sld [smem:$0x20];
	_ =	sdelay $0x2  }
0x338: {  	s5 =	sadd.s32 $0xF, s3  }
0x339: {  	s0 =	sshra.s32 s1, $0x4;
	s5 =	sshra.s32 s5, $0x4  }
0x33a: {  	p0 =	sle.s32 s5, s0  }
.Ltmp30:
0x33b: {  	_ = 	snop;
	(pc) =	sbr.rel @p0 .LBB2_43-.Ltmp30, $2  }
0x33c: {  	_ =	sdelay $0x2  }
0x33d: {  	s6 =	rddreg [dreg:$0x4];
	v5 =	vmov s3  }
0x33e: {  	s31 =	ssub.s32 s5, s0  }
0x33f: {  	p1 =	sne.s32 s31, $0x1  }
.Ltmp31:
0x340: {  	_ = 	snop;
	(pc) =	sbr.rel @!p1 .LBB2_39-.Ltmp31, $4  }
0x341: {  	s1 =	sshll.u32 s0, $0x4  }
0x342: {  	v7 =	vor.u32 s1, v2  }
0x343: {  	vm0 =	vge.s32 v7, v6;
	vm1 =	vlt.s32 v7, v5  }
0x344: {  	p0 =	por $0x0, $0x0;
	s5 =	sadd.s32 $0xFFFFFFFF, s31;
	vm1 =	vmand vm0, vm1  }
0x345: {  	_ =	sdelay $0x4  }
0x346: {  	v8 =	vld.idx.msk [tilespmem:v7+s22+$0x0], vm1;
	_ =	sdelay $0x1  }
0x347: {  	vm0 =	vmmov vm1;
	_ =	sdelay $0x2  }
0x348: {  	v8 =	vadd.s32 $0xFFFE8C00, v8  }
0x349: {  	vm1 =	vgt.s32 v8, $0x0  }
0x34a: {  	v8 =	vnsel vm1, $0x0, v8  }
0x34b: {  	v7 =	vld.idx.msk [tilespmem:v7+s23+$0x0], vm0;
	v9 =	vshll.u32 v8, $0x3  }
0x34c: {  	v8 =	vand.u32 $0x7F, v8;
	v9 =	vand.u32 $0xFFFFFC00, v9  }
0x34d: {  	v8 =	vor.u32 v8, v9;
	_ =	sdelay $0x2  }
0x34e: {  	v9 =	vshll.u32 v7, $0x3  }
0x34f: {  	v7 =	vand.u32 $0x7F, v7;
	v9 =	vand.u32 $0xFFFFFC00, v9  }
0x350: {  	v9 =	vor.u32 v7, v9;
	v10 =	vld.idx.msk [tilespmem:v8+s10+$0x0], vm0  }
0x351: {  	v7 =	vor.u32 $0x80, v8;
	_ =	sdelay $0x3  }
0x352: {  	[tilespmem:v9+s25+$0x0] =	vst.idx.msk vm0, v10  }
0x353: {  	v10 =	vor.u32 $0x80, v9;
	v7 =	vld.idx.msk [tilespmem:v7+s10+$0x0], vm0  }
0x354: {  	v11 =	vor.u32 $0x100, v8;
	_ =	sdelay $0x3  }
0x355: {  	[tilespmem:v10+s25+$0x0] =	vst.idx.msk vm0, v7  }
0x356: {  	v10 =	vor.u32 $0x100, v9;
	v7 =	vld.idx.msk [tilespmem:v11+s10+$0x0], vm0  }
0x357: {  	v11 =	vor.u32 $0x180, v8;
	_ =	sdelay $0x3  }
0x358: {  	[tilespmem:v10+s25+$0x0] =	vst.idx.msk vm0, v7  }
0x359: {  	v10 =	vor.u32 $0x180, v9;
	v7 =	vld.idx.msk [tilespmem:v11+s10+$0x0], vm0  }
0x35a: {  	v11 =	vor.u32 $0x200, v8;
	_ =	sdelay $0x3  }
0x35b: {  	[tilespmem:v10+s25+$0x0] =	vst.idx.msk vm0, v7  }
0x35c: {  	v10 =	vor.u32 $0x200, v9;
	v7 =	vld.idx.msk [tilespmem:v11+s10+$0x0], vm0  }
0x35d: {  	v11 =	vor.u32 $0x280, v8;
	_ =	sdelay $0x3  }
0x35e: {  	[tilespmem:v10+s25+$0x0] =	vst.idx.msk vm0, v7  }
0x35f: {  	v10 =	vor.u32 $0x280, v9;
	v7 =	vld.idx.msk [tilespmem:v11+s10+$0x0], vm0  }
0x360: {  	v11 =	vor.u32 $0x300, v8;
	_ =	sdelay $0x3  }
0x361: {  	[tilespmem:v10+s25+$0x0] =	vst.idx.msk vm0, v7  }
0x362: {  	v10 =	vld.idx.msk [tilespmem:v11+s10+$0x0], vm0;
	v11 =	vor.u32 $0x300, v9  }
0x363: {  	p1 =	sne.s32 s5, $0x1;
	v8 =	vor.u32 $0x380, v8  }
.Ltmp32:
0x364: {  	_ = 	snop;
	(pc) =	sbr.rel @!p1 .LBB2_42-.Ltmp32, $4  }
0x365: {  	s1 =	sadd.s32 $0x10, s1  }
0x366: {  	v7 =	vor.u32 s1, v2  }
0x367: {  	vm1 =	vge.s32 v7, v6;
	vm2 =	vlt.s32 v7, v5;
	[tilespmem:v11+s25+$0x0] =	vst.idx.msk vm0, v10  }
0x368: {  	s5 =	sadd.s32 $0xFFFFFFFF, s5;
	p0 =	por $0x1, $0x1;
	v9 =	vor.u32 $0x380, v9;
	vm1 =	vmand vm1, vm2;
	v8 =	vld.idx.msk [tilespmem:v8+s10+$0x0], vm0  }
.LBB2_41:
0x369: {  	_ =	sdelay $0x3  }
0x36a: {  	p1 =	sne.s32 s5, $0x1;
	s5 =	sadd.s32 $0xFFFFFFFF, s5;
	[tilespmem:v9+s25+$0x0] =	vst.idx.msk vm0, v8;
	vm0 =	vmmov vm1  }
0x36b: {  	v8 =	vld.idx.msk [tilespmem:v7+s22+$0x0], vm1;
	_ =	sdelay $0x5  }
0x36c: {  	v8 =	vadd.s32 $0xFFFE8C00, v8  }
0x36d: {  	vm1 =	vgt.s32 v8, $0x0  }
0x36e: {  	v8 =	vnsel vm1, $0x0, v8  }
0x36f: {  	v9 =	vshll.u32 v8, $0x3;
	v7 =	vld.idx.msk [tilespmem:v7+s23+$0x0], vm0  }
0x370: {  	v8 =	vand.u32 $0x7F, v8;
	v9 =	vand.u32 $0xFFFFFC00, v9  }
0x371: {  	v8 =	vor.u32 v8, v9;
	_ =	sdelay $0x3  }
0x372: {  	v9 =	vshll.u32 v7, $0x3  }
0x373: {  	v7 =	vand.u32 $0x7F, v7;
	v9 =	vand.u32 $0xFFFFFC00, v9;
	v10 =	vld.idx.msk [tilespmem:v8+s10+$0x0], vm0  }
0x374: {  	v9 =	vor.u32 v7, v9  }
0x375: {  	v7 =	vor.u32 $0x80, v8;
	_ =	sdelay $0x3  }
0x376: {  	[tilespmem:v9+s25+$0x0] =	vst.idx.msk vm0, v10  }
0x377: {  	v7 =	vld.idx.msk [tilespmem:v7+s10+$0x0], vm0  }
0x378: {  	v10 =	vor.u32 $0x80, v9  }
0x379: {  	v11 =	vor.u32 $0x100, v8;
	_ =	sdelay $0x3  }
0x37a: {  	[tilespmem:v10+s25+$0x0] =	vst.idx.msk vm0, v7  }
0x37b: {  	v7 =	vld.idx.msk [tilespmem:v11+s10+$0x0], vm0  }
0x37c: {  	v10 =	vor.u32 $0x100, v9  }
0x37d: {  	v11 =	vor.u32 $0x180, v8;
	_ =	sdelay $0x3  }
0x37e: {  	[tilespmem:v10+s25+$0x0] =	vst.idx.msk vm0, v7  }
0x37f: {  	v7 =	vld.idx.msk [tilespmem:v11+s10+$0x0], vm0  }
0x380: {  	v10 =	vor.u32 $0x180, v9  }
0x381: {  	v11 =	vor.u32 $0x200, v8;
	_ =	sdelay $0x3  }
0x382: {  	[tilespmem:v10+s25+$0x0] =	vst.idx.msk vm0, v7  }
0x383: {  	v7 =	vld.idx.msk [tilespmem:v11+s10+$0x0], vm0  }
0x384: {  	v10 =	vor.u32 $0x200, v9  }
0x385: {  	v11 =	vor.u32 $0x280, v8;
	_ =	sdelay $0x3  }
0x386: {  	[tilespmem:v10+s25+$0x0] =	vst.idx.msk vm0, v7  }
0x387: {  	v7 =	vld.idx.msk [tilespmem:v11+s10+$0x0], vm0  }
0x388: {  	v10 =	vor.u32 $0x280, v9  }
0x389: {  	v11 =	vor.u32 $0x300, v8;
	_ =	sdelay $0x3  }
0x38a: {  	[tilespmem:v10+s25+$0x0] =	vst.idx.msk vm0, v7  }
0x38b: {  	v10 =	vld.idx.msk [tilespmem:v11+s10+$0x0], vm0  }
0x38c: {  	v11 =	vor.u32 $0x300, v9  }
0x38d: {  	v8 =	vor.u32 $0x380, v8;
	_ =	sdelay $0x1  }
.Ltmp33:
0x38e: {  	(pc) =	sbr.rel @p1 .LBB2_41-.Ltmp33, $4  }
0x38f: {  	s1 =	sadd.s32 $0x10, s1  }
0x390: {  	v7 =	vor.u32 s1, v2;
	[tilespmem:v11+s25+$0x0] =	vst.idx.msk vm0, v10  }
0x391: {  	vm1 =	vge.s32 v7, v6;
	vm2 =	vlt.s32 v7, v5;
	v8 =	vld.idx.msk [tilespmem:v8+s10+$0x0], vm0  }
0x392: {  	v9 =	vor.u32 $0x380, v9;
	vm1 =	vmand vm1, vm2  }
.LBB2_42:
0x393: {  	_ =	sdelay $0x4  }
0x394: {  	[tilespmem:v9+s25+$0x0] =	vst.idx.msk @p0 vm0, v8  }
0x395: {  	v6 =	vld.idx.msk [tilespmem:v7+s22+$0x0], vm1;
	_ =	sdelay $0x1  }
0x396: {  	vm14 =	vmmov vm1;
	_ =	sdelay $0x2  }
0x397: {  	v6 =	vadd.s32 $0xFFFE8C00, v6  }
0x398: {  	vm15 =	vgt.s32 v6, $0x0  }
0x399: {  	v6 =	vnsel vm15, $0x0, v6  }
0x39a: {  	v7 =	vld.idx.msk [tilespmem:v7+s23+$0x0], vm14;
	v51 =	vshll.u32 v6, $0x3  }
0x39b: {  	v6 =	vand.u32 $0x7F, v6;
	v8 =	vand.u32 $0xFFFFFC00, v51  }
0x39c: {  	v6 =	vor.u32 v6, v8;
	_ =	sdelay $0x2  }
0x39d: {  	v52 =	vshll.u32 v7, $0x3  }
0x39e: {  	v7 =	vand.u32 $0x7F, v7;
	v8 =	vand.u32 $0xFFFFFC00, v52  }
0x39f: {  	v7 =	vor.u32 v7, v8;
	v9 =	vld.idx.msk [tilespmem:v6+s10+$0x0], vm14  }
0x3a0: {  	v53 =	vor.u32 $0x80, v6;
	_ =	sdelay $0x3  }
0x3a1: {  	[tilespmem:v7+s25+$0x0] =	vst.idx.msk vm14, v9  }
0x3a2: {  	v54 =	vor.u32 $0x80, v7;
	v8 =	vld.idx.msk [tilespmem:v53+s10+$0x0], vm14  }
0x3a3: {  	v10 =	vor.u32 $0x100, v6;
	_ =	sdelay $0x3  }
0x3a4: {  	[tilespmem:v54+s25+$0x0] =	vst.idx.msk vm14, v8  }
0x3a5: {  	v55 =	vor.u32 $0x100, v7;
	v8 =	vld.idx.msk [tilespmem:v10+s10+$0x0], vm14  }
0x3a6: {  	v56 =	vor.u32 $0x180, v6;
	_ =	sdelay $0x3  }
0x3a7: {  	[tilespmem:v55+s25+$0x0] =	vst.idx.msk vm14, v8  }
0x3a8: {  	v57 =	vor.u32 $0x180, v7;
	v8 =	vld.idx.msk [tilespmem:v56+s10+$0x0], vm14  }
0x3a9: {  	v58 =	vor.u32 $0x200, v6;
	_ =	sdelay $0x3  }
0x3aa: {  	[tilespmem:v57+s25+$0x0] =	vst.idx.msk vm14, v8  }
0x3ab: {  	v59 =	vor.u32 $0x200, v7;
	v8 =	vld.idx.msk [tilespmem:v58+s10+$0x0], vm14  }
0x3ac: {  	v60 =	vor.u32 $0x280, v6;
	_ =	sdelay $0x3  }
0x3ad: {  	[tilespmem:v59+s25+$0x0] =	vst.idx.msk vm14, v8  }
0x3ae: {  	v61 =	vor.u32 $0x280, v7;
	v8 =	vld.idx.msk [tilespmem:v60+s10+$0x0], vm14  }
0x3af: {  	v62 =	vor.u32 $0x300, v6;
	_ =	sdelay $0x3  }
0x3b0: {  	[tilespmem:v61+s25+$0x0] =	vst.idx.msk vm14, v8  }
0x3b1: {  	v63 =	vor.u32 $0x300, v7;
	v8 =	vld.idx.msk [tilespmem:v62+s10+$0x0], vm14  }
0x3b2: {  	v6 =	vor.u32 $0x380, v6;
	_ =	sdelay $0x3  }
0x3b3: {  	[tilespmem:v63+s25+$0x0] =	vst.idx.msk vm14, v8  }
0x3b4: {  	v7 =	vor.u32 $0x380, v7;
	v6 =	vld.idx.msk [tilespmem:v6+s10+$0x0], vm14;
	_ =	sdelay $0x4  }
0x3b5: {  	[tilespmem:v7+s25+$0x0] =	vst.idx.msk vm14, v6  }
.LBB2_43:
0x3b6: {  	s3 =	sshra.s32 s3, $0x4  }
0x3b7: {  	p0 =	sgt.s32 s3, $0xFF  }
.Ltmp34:
0x3b8: {  	_ = 	snop;
	(pc) =	sbr.rel @p0 .LBB2_47-.Ltmp34, $4  }
0x3b9: {  	_ = 	snop  }
0x3ba: {  	_ =	swait.ge [sflag:s28], $0x3400  }
0x3bb: {  	[sflag:s28] =	ssyncset.done $0x0  }
0x3bc: {  	[sflag:s28] =	ssyncadd.s32 $0xFFFFCC00  }
0x3bd: {  	s1 =	sshll.u32 s3, $0x4  }
0x3be: {  	v6 =	vor.u32 s1, v2  }
0x3bf: {  	vm0 =	vge.s32 v6, v5;
	vm1 =	vlt.s32 v6, $0x1000  }
0x3c0: {  	vm0 =	vmand vm0, vm1;
	_ =	sdelay $0x5  }
0x3c1: {  	v7 =	vld.idx.msk [tilespmem:v6+s22+$0x0], vm0;
	_ =	sdelay $0x3  }
0x3c2: {  	vm0 =	vmmov vm0  }
0x3c3: {  	v8 =	vadd.s32 $0xFFFE8000, v7  }
0x3c4: {  	v9 =	vadd.s32 $0xFFFE7980, v7;
	vm1 =	vgt.s32 v8, $0x0  }
0x3c5: {  	vm2 =	vgt.s32 v9, $0x0;
	v8 =	vnsel vm1, $0x0, v8  }
0x3c6: {  	v9 =	vnsel vm2, $0x0, v9;
	v10 =	vshll.u32 v8, $0x3  }
0x3c7: {  	v11 =	vand.u32 $0x7FFFFF80, v9;
	v8 =	vand.u32 $0x7F, v8;
	v10 =	vand.u32 $0xFFFFFC00, v10  }
0x3c8: {  	v6 =	vld.idx.msk [tilespmem:v6+s23+$0x0], vm0;
	v12 =	vand.u32 $0x7F, v9;
	v13 =	vadd.s32 v0, v11;
	v10 =	vor.u32 v8, v10  }
0x3c9: {  	v8 =	vor.u32 v12, v13;
	_ =	sdelay $0x3  }
0x3ca: {  	v14 =	vshll.u32 v6, $0x3;
	v47 =	vld.idx.msk [tilespmem:v10+s11+$0x0], vm0  }
0x3cb: {  	v15 =	vadd.s32 $0x20, v9;
	v6 =	vand.u32 $0x7F, v6;
	v14 =	vand.u32 $0xFFFFFC00, v14;
	v8 =	vld.idx.msk [tilespmem:v8+s13+$0x0], vm0  }
0x3cc: {  	v16 =	vand.u32 $0xFFFFFF80, v15;
	v6 =	vor.u32 v6, v14  }
0x3cd: {  	v15 =	vand.u32 $0x7F, v15;
	v48 =	vadd.s32 v0, v16;
	v17 =	vor.u32 $0x80, v10  }
0x3ce: {  	v14 =	vor.u32 v15, v48  }
0x3cf: {  	vm1 =	vgt.s32 v7, $0x1867F  }
0x3d0: {  	v7 =	vsel vm1, v8, v47  }
0x3d1: {  	[tilespmem:v6+s25+$0x0] =	vst.idx.msk vm0, v7  }
0x3d2: {  	v7 =	vld.idx.msk [tilespmem:v17+s11+$0x0], vm0  }
0x3d3: {  	v8 =	vadd.s32 $0x40, v9;
	v49 =	vld.idx.msk [tilespmem:v14+s13+$0x0], vm0  }
0x3d4: {  	v51 =	vor.u32 $0x80, v6;
	v50 =	vand.u32 $0xFFFFFF80, v8  }
0x3d5: {  	v19 =	vor.u32 $0x100, v10;
	v8 =	vand.u32 $0x7F, v8;
	v18 =	vadd.s32 v0, v50  }
0x3d6: {  	v18 =	vor.u32 v8, v18;
	_ =	sdelay $0x1  }
0x3d7: {  	v7 =	vsel vm1, v49, v7  }
0x3d8: {  	[tilespmem:v51+s25+$0x0] =	vst.idx.msk vm0, v7  }
0x3d9: {  	v7 =	vld.idx.msk [tilespmem:v19+s11+$0x0], vm0  }
0x3da: {  	v9 =	vadd.s32 $0x60, v9;
	v52 =	vld.idx.msk [tilespmem:v18+s13+$0x0], vm0  }
0x3db: {  	v54 =	vor.u32 $0x100, v6;
	v53 =	vand.u32 $0xFFFFFF80, v9  }
0x3dc: {  	v20 =	vor.u32 $0x180, v10;
	v9 =	vand.u32 $0x7F, v9;
	v55 =	vadd.s32 v0, v53  }
0x3dd: {  	v19 =	vor.u32 v9, v55;
	_ =	sdelay $0x1  }
0x3de: {  	v7 =	vsel vm1, v52, v7  }
0x3df: {  	[tilespmem:v54+s25+$0x0] =	vst.idx.msk vm0, v7  }
0x3e0: {  	v7 =	vld.idx.msk [tilespmem:v20+s11+$0x0], vm0  }
0x3e1: {  	v56 =	vld.idx.msk [tilespmem:v19+s13+$0x0], vm0  }
0x3e2: {  	v57 =	vor.u32 $0x180, v6  }
0x3e3: {  	v11 =	vadd.s32 v1, v11;
	v58 =	vor.u32 $0x200, v10  }
0x3e4: {  	v11 =	vor.u32 v12, v11;
	_ =	sdelay $0x1  }
0x3e5: {  	v7 =	vsel vm1, v56, v7  }
0x3e6: {  	[tilespmem:v57+s25+$0x0] =	vst.idx.msk vm0, v7  }
0x3e7: {  	v7 =	vld.idx.msk [tilespmem:v58+s11+$0x0], vm0  }
0x3e8: {  	v11 =	vld.idx.msk [tilespmem:v11+s13+$0x0], vm0  }
0x3e9: {  	v59 =	vor.u32 $0x200, v6  }
0x3ea: {  	v16 =	vadd.s32 v1, v16;
	v60 =	vor.u32 $0x280, v10  }
0x3eb: {  	v15 =	vor.u32 v15, v16;
	_ =	sdelay $0x1  }
0x3ec: {  	v7 =	vsel vm1, v11, v7  }
0x3ed: {  	[tilespmem:v59+s25+$0x0] =	vst.idx.msk vm0, v7  }
0x3ee: {  	v7 =	vld.idx.msk [tilespmem:v60+s11+$0x0], vm0  }
0x3ef: {  	v11 =	vld.idx.msk [tilespmem:v15+s13+$0x0], vm0  }
0x3f0: {  	v61 =	vor.u32 $0x280, v6  }
0x3f1: {  	v62 =	vor.u32 $0x300, v10;
	v14 =	vadd.s32 v1, v50  }
0x3f2: {  	v8 =	vor.u32 v8, v14;
	_ =	sdelay $0x1  }
0x3f3: {  	v7 =	vsel vm1, v11, v7  }
0x3f4: {  	[tilespmem:v61+s25+$0x0] =	vst.idx.msk vm0, v7  }
0x3f5: {  	v7 =	vld.idx.msk [tilespmem:v62+s11+$0x0], vm0  }
0x3f6: {  	v8 =	vld.idx.msk [tilespmem:v8+s13+$0x0], vm0;
	_ =	sdelay $0x2  }
0x3f7: {  	s0 =	ssub.s32 $0x100, s3  }
0x3f8: {  	p0 =	sne.s32 s0, $0x1;
	v63 =	vadd.s32 v1, v53;
	v11 =	vor.u32 $0x300, v6  }
.Ltmp35:
0x3f9: {  	v13 =	vsel vm1, v8, v7;
	v8 =	vor.u32 v9, v63;
	(pc) =	sbr.rel @!p0 .LBB2_46-.Ltmp35, $2  }
0x3fa: {  	v7 =	vor.u32 $0x380, v10;
	_ =	sdelay $0x2  }
0x3fb: {  	s3 =	sadd.s32 $0xFFFFFFFF, s0;
	[tilespmem:v11+s25+$0x0] =	vst.idx.msk vm0, v13  }
.LBB2_45:
0x3fc: {  	p0 =	sne.s32 s3, $0x1;
	s3 =	sadd.s32 $0xFFFFFFFF, s3;
	v8 =	vld.idx.msk [tilespmem:v8+s13+$0x0], vm0;
	s1 =	sadd.s32 $0x10, s1  }
0x3fd: {  	v9 =	vor.u32 s1, v2;
	v7 =	vld.idx.msk [tilespmem:v7+s11+$0x0], vm0  }
0x3fe: {  	vm2 =	vge.s32 v9, v5;
	vm3 =	vlt.s32 v9, $0x1000  }
0x3ff: {  	v6 =	vor.u32 $0x380, v6;
	vm2 =	vmand vm2, vm3;
	_ =	sdelay $0x3  }
0x400: {  	v7 =	vsel vm1, v8, v7  }
0x401: {  	[tilespmem:v6+s25+$0x0] =	vst.idx.msk vm0, v7;
	vm0 =	vmmov vm2  }
0x402: {  	v8 =	vld.idx.msk [tilespmem:v9+s22+$0x0], vm2;
	_ =	sdelay $0x5  }
0x403: {  	v6 =	vadd.s32 $0xFFFE8000, v8;
	v7 =	vadd.s32 $0xFFFE7980, v8  }
0x404: {  	vm1 =	vgt.s32 v6, $0x0;
	vm2 =	vgt.s32 v7, $0x0  }
0x405: {  	v6 =	vnsel vm1, $0x0, v6;
	v10 =	vnsel vm2, $0x0, v7  }
0x406: {  	v7 =	vshll.u32 v6, $0x3;
	v11 =	vand.u32 $0x7FFFFF80, v10;
	v12 =	vand.u32 $0x7F, v10  }
0x407: {  	v6 =	vand.u32 $0x7F, v6;
	v7 =	vand.u32 $0xFFFFFC00, v7;
	v13 =	vadd.s32 v0, v11  }
0x408: {  	v7 =	vor.u32 v6, v7;
	v6 =	vor.u32 v12, v13;
	v13 =	vadd.s32 $0x20, v10;
	v9 =	vld.idx.msk [tilespmem:v9+s23+$0x0], vm0  }
0x409: {  	v15 =	vadd.s32 $0x40, v10;
	v10 =	vadd.s32 $0x60, v10;
	v14 =	vand.u32 $0xFFFFFF80, v13  }
0x40a: {  	v17 =	vand.u32 $0xFFFFFF80, v15;
	v18 =	vand.u32 $0xFFFFFF80, v10;
	v16 =	vadd.s32 v0, v14  }
0x40b: {  	v11 =	vadd.s32 v1, v11;
	v19 =	vadd.s32 v0, v17;
	v20 =	vadd.s32 v0, v18  }
0x40c: {  	v11 =	vor.u32 v12, v11  }
0x40d: {  	v12 =	vld.idx.msk [tilespmem:v7+s11+$0x0], vm0  }
0x40e: {  	v21 =	vld.idx.msk [tilespmem:v6+s13+$0x0], vm0;
	v6 =	vshll.u32 v9, $0x3  }
0x40f: {  	v9 =	vand.u32 $0x7F, v9;
	v6 =	vand.u32 $0xFFFFFC00, v6  }
0x410: {  	v6 =	vor.u32 v9, v6  }
0x411: {  	v13 =	vand.u32 $0x7F, v13;
	v9 =	vor.u32 $0x80, v7  }
0x412: {  	v16 =	vor.u32 v13, v16  }
0x413: {  	vm1 =	vgt.s32 v8, $0x1867F  }
0x414: {  	v8 =	vsel vm1, v21, v12  }
0x415: {  	[tilespmem:v6+s25+$0x0] =	vst.idx.msk vm0, v8  }
0x416: {  	v8 =	vld.idx.msk [tilespmem:v9+s11+$0x0], vm0  }
0x417: {  	v9 =	vld.idx.msk [tilespmem:v16+s13+$0x0], vm0;
	_ =	sdelay $0x1  }
0x418: {  	v12 =	vor.u32 $0x80, v6  }
0x419: {  	v15 =	vand.u32 $0x7F, v15;
	v16 =	vor.u32 $0x100, v7  }
0x41a: {  	v19 =	vor.u32 v15, v19;
	_ =	sdelay $0x1  }
0x41b: {  	v8 =	vsel vm1, v9, v8  }
0x41c: {  	[tilespmem:v12+s25+$0x0] =	vst.idx.msk vm0, v8  }
0x41d: {  	v8 =	vld.idx.msk [tilespmem:v16+s11+$0x0], vm0  }
0x41e: {  	v9 =	vld.idx.msk [tilespmem:v19+s13+$0x0], vm0;
	_ =	sdelay $0x1  }
0x41f: {  	v12 =	vor.u32 $0x100, v6  }
0x420: {  	v10 =	vand.u32 $0x7F, v10;
	v16 =	vor.u32 $0x180, v7  }
0x421: {  	v19 =	vor.u32 v10, v20;
	_ =	sdelay $0x1  }
0x422: {  	v8 =	vsel vm1, v9, v8  }
0x423: {  	[tilespmem:v12+s25+$0x0] =	vst.idx.msk vm0, v8  }
0x424: {  	v8 =	vld.idx.msk [tilespmem:v16+s11+$0x0], vm0  }
0x425: {  	v9 =	vld.idx.msk [tilespmem:v19+s13+$0x0], vm0;
	_ =	sdelay $0x1  }
0x426: {  	v12 =	vor.u32 $0x180, v6  }
0x427: {  	v16 =	vor.u32 $0x200, v7;
	_ =	sdelay $0x2  }
0x428: {  	v8 =	vsel vm1, v9, v8  }
0x429: {  	[tilespmem:v12+s25+$0x0] =	vst.idx.msk vm0, v8  }
0x42a: {  	v8 =	vld.idx.msk [tilespmem:v16+s11+$0x0], vm0  }
0x42b: {  	v9 =	vld.idx.msk [tilespmem:v11+s13+$0x0], vm0;
	_ =	sdelay $0x1  }
0x42c: {  	v11 =	vor.u32 $0x200, v6  }
0x42d: {  	v14 =	vadd.s32 v1, v14;
	v12 =	vor.u32 $0x280, v7  }
0x42e: {  	v13 =	vor.u32 v13, v14;
	_ =	sdelay $0x1  }
0x42f: {  	v8 =	vsel vm1, v9, v8  }
0x430: {  	[tilespmem:v11+s25+$0x0] =	vst.idx.msk vm0, v8  }
0x431: {  	v8 =	vld.idx.msk [tilespmem:v12+s11+$0x0], vm0  }
0x432: {  	v9 =	vld.idx.msk [tilespmem:v13+s13+$0x0], vm0;
	_ =	sdelay $0x1  }
0x433: {  	v11 =	vor.u32 $0x280, v6  }
0x434: {  	v12 =	vor.u32 $0x300, v7;
	v13 =	vadd.s32 v1, v17  }
0x435: {  	v13 =	vor.u32 v15, v13;
	_ =	sdelay $0x1  }
0x436: {  	v8 =	vsel vm1, v9, v8  }
0x437: {  	[tilespmem:v11+s25+$0x0] =	vst.idx.msk vm0, v8  }
0x438: {  	v9 =	vld.idx.msk [tilespmem:v12+s11+$0x0], vm0  }
0x439: {  	v11 =	vld.idx.msk [tilespmem:v13+s13+$0x0], vm0;
	_ =	sdelay $0x1  }
0x43a: {  	v8 =	vadd.s32 v1, v18;
	v12 =	vor.u32 $0x300, v6  }
.Ltmp36:
0x43b: {  	v8 =	vor.u32 v10, v8;
	(pc) =	sbr.rel @p0 .LBB2_45-.Ltmp36, $3  }
0x43c: {  	v7 =	vor.u32 $0x380, v7;
	_ =	sdelay $0x1  }
0x43d: {  	v9 =	vsel vm1, v11, v9  }
0x43e: {  	[tilespmem:v12+s25+$0x0] =	vst.idx.msk vm0, v9  }
.Ltmp37:
0x43f: {  	_ = 	snop;
	(pc) =	sbr.rel .LBB2_46-.Ltmp37, $1  }
0x440: {  	_ =	sdelay $0x3  }
.LBB2_33:
.Ltmp38:
0x441: {  	(pc) =	sbr.rel .LBB2_36-.Ltmp38, $2  }
0x442: {  	_ =	sdelay $0x2  }
0x443: {  	_ = 	snop  }
.LBB2_39:
.Ltmp39:
0x444: {  	(pc) =	sbr.rel .LBB2_42-.Ltmp39, $2  }
0x445: {  	_ =	sdelay $0x2  }
0x446: {  	_ = 	snop  }
.LBB2_50:
0x447: {  	_ =	sfence.sel $0x180000  }
0x448: {  	[bflag:$0x0] =	sbarrier.arrive $0xFFFF  }
0x449: {  	_ =	strace $0x90000047  }
0x44a: {  	s0 =	stileid.u32;
	[bflag:$0x2] =	sbarrier.arrive $0xFFFF  }
0x44b: {  	p0 =	sne.s32 s0, $0x0;
	s0 =	rddreg [dreg:$0x3]  }
0x44c: {  	s0 =	sadd.s32 @!p0 $0x100000, s0  }
0x44d: {  	[sflag:s0] =	ssyncadd.tile.s32 @!p0 $0x1;
	_ =	shalt  }
.Lfunc_end2:
_tile_overlayer_lowered:
.L_overlay_start_2:
0x44e: {  	(tag) =	ssettag $0x2  }
0x44f: {  	s0 =	rddreg [dreg:$0x0];
	s2 =	stileid.u32  }
0x450: {  	s1 =	rddreg [dreg:$0x1];
	p0 =	sne.s32 s2, $0x0  }
0x451: {  	s3 =	rddreg [dreg:$0x2];
	[bflag:$0x3] =	sbarrier.arrive $0xFFFF;
	s2 =	simm.s32 @!p0 $0x1C05  }
0x452: {  	[timem:s3], [sflag:s2] =	dma.local @!p0 [hbm:s0], s1  }
0x453: {  	s0 =	simm.s32 @!p0 $0x5  }
0x454: {  	_ =	swait.ge @!p0 [sflag:s0], s1  }
0x455: {  	s1 =	ssub.s32 @!p0 $0x0, s1;
	[sflag:s0] =	ssyncset.done @!p0 $0x0  }
0x456: {  	[sflag:s0] =	ssyncadd.s32 @!p0 s1  }
0x457: {  	[bflag:$0x3] =	sbarrier.arrive $0xFFFF  }
0x458: {  	_ =	shalt  }

</sc_bundles>
